<compile_context>
chip_gen: v7x
topology: tpu7x:2x2x1
jax: 0.10.2.dev20260603
libtpu: 0.0.44.dev20260713+nightly
codegen_flags: <defaults>
</compile_context>

<pallas_src>
import functools

import jax
import jax.numpy as jnp
from jax import lax
from jax.experimental import pallas as pl
from jax.experimental.pallas import tpu as pltpu
from jax.experimental.pallas import tpu_sc as plsc

T = 2048
DIM = 211
E = 100
HID = 256
DP = 256
EP = 128
NPAIR = 2 * T
RB = 128
NRB = NPAIR // RB
BT = 256
NT = NPAIR // BT
NW = NT + E
NSC = 32
TPW = T // NSC
EPS = 1e-5


def _front_body(x_ref, wg_ref, bg_ref, gs_ref, bs_ref, ws1_ref, bs1_ref,
                ws3_ref, bs3_ref, ws2_ref, bs2_ref,
                xhat_ref, z_ref, wbc_ref, pos_ref,
                mt_ref, me_ref, mrs_ref, mre_ref):
    xb = x_ref[...]
    m = jnp.sum(xb, axis=-1, keepdims=True) / DIM
    d = xb - m
    v = jnp.sum(d * d, axis=-1, keepdims=True) / DIM
    xh = d * lax.rsqrt(v + EPS)
    xhat_ref[...] = jnp.pad(xh, ((0, 0), (0, DP - DIM)))

    sc = jnp.dot(xb, wg_ref[...], preferred_element_type=jnp.float32)
    s = jax.nn.sigmoid(sc + bg_ref[0, :])
    el = lax.broadcasted_iota(jnp.int32, (T, EP), 1)
    s = jnp.where(el < E, s, -1.0)
    m1 = jnp.max(s, axis=-1, keepdims=True)
    i1 = jnp.min(jnp.where(s == m1, el, EP), axis=-1, keepdims=True)
    s2 = jnp.where(el == i1, -1.0, s)
    m2 = jnp.max(s2, axis=-1, keepdims=True)
    i2 = jnp.min(jnp.where(s2 == m2, el, EP), axis=-1, keepdims=True)
    tot = m1 + m2
    l32 = lax.broadcasted_iota(jnp.int32, (T, 32), 1)
    wbc_ref[...] = jnp.where(l32 < 16, m1 / tot, m2 / tot)

    xs = xh * gs_ref[0, :] + bs_ref[0, :]
    h1 = jnp.dot(xs, ws1_ref[...], preferred_element_type=jnp.float32) + bs1_ref[0, :]
    h3 = jnp.dot(xs, ws3_ref[...], preferred_element_type=jnp.float32) + bs3_ref[0, :]
    h = h1 * jax.nn.sigmoid(h1) * h3
    z = jnp.dot(h, ws2_ref[...], preferred_element_type=jnp.float32) + bs2_ref[0, :]
    z_ref[...] = jnp.pad(z, ((0, 0), (0, DP - DIM)))

    lane2 = lax.broadcasted_iota(jnp.int32, (RB, EP), 1)
    nhalf = T // RB

    def onehot(b):
        src = i1 if b < nhalf else i2
        ib = src[(b % nhalf) * RB:((b % nhalf) + 1) * RB, :]
        return (ib == lane2).astype(jnp.float32)

    ss = [jnp.sum(onehot(b), axis=0, keepdims=True) for b in range(NRB)]
    s_blk = jnp.concatenate(ss, axis=0)
    rr = lax.broadcasted_iota(jnp.int32, (NRB, NRB), 0)
    cc = lax.broadcasted_iota(jnp.int32, (NRB, NRB), 1)
    l_nrb = (cc < rr).astype(jnp.float32)
    pfx = jnp.dot(l_nrb, s_blk, preferred_element_type=jnp.float32)

    counts = jnp.sum(s_blk, axis=0, keepdims=True)
    cnt8 = jnp.broadcast_to(counts, (8, EP))
    ru = lax.broadcasted_iota(jnp.int32, (EP, EP), 0)
    cu = lax.broadcasted_iota(jnp.int32, (EP, EP), 1)
    upper = (ru < cu).astype(jnp.float32)
    off8 = jnp.dot(cnt8, upper, preferred_element_type=jnp.float32)
    off_row = off8[0:1, :]

    rl = lax.broadcasted_iota(jnp.int32, (RB, RB), 0)
    cl = lax.broadcasted_iota(jnp.int32, (RB, RB), 1)
    l_rb = (cl < rl).astype(jnp.float32)
    for b in range(NRB):
        ohb = onehot(b)
        cum = jnp.dot(l_rb, ohb, preferred_element_type=jnp.float32)
        val = ohb * (cum + pfx[b:b + 1, :] + off_row)
        posb = jnp.sum(val, axis=1, keepdims=True)
        pos_ref[b * RB:(b + 1) * RB, :] = posb.astype(jnp.int32)

    ft = jnp.floor(off_row / BT)
    lt = jnp.floor((off_row + counts - 1.0) / BT)
    ni = jnp.where(counts > 0, lt - ft + 1.0, 0.0)
    ni8 = jnp.broadcast_to(ni, (8, EP))
    ist8 = jnp.dot(ni8, upper, preferred_element_type=jnp.float32)
    ist_row = ist8[0:1, :]
    lane_row = lax.broadcasted_iota(jnp.int32, (1, EP), 1)
    ist_cmp = jnp.where(lane_row <= E, ist_row, 1e9)
    ist_b = jnp.broadcast_to(ist_cmp, (EP, EP))
    w_col = lax.broadcasted_iota(jnp.int32, (EP, 1), 0).astype(jnp.float32)
    e_w = jnp.sum((ist_b <= w_col).astype(jnp.float32), axis=1,
                  keepdims=True) - 1.0
    e_w = jnp.minimum(e_w, E - 1.0)
    lane_b = lax.broadcasted_iota(jnp.int32, (EP, EP), 1).astype(jnp.float32)
    ohw = (lane_b == e_w).astype(jnp.float32)

    def gath(row):
        return jnp.sum(ohw * row, axis=1, keepdims=True)

    ist_g = gath(jnp.broadcast_to(ist_row, (EP, EP)))
    ft_g = gath(jnp.broadcast_to(ft, (EP, EP)))
    off_g = gath(jnp.broadcast_to(off_row, (EP, EP)))
    cnt_g = gath(jnp.broadcast_to(counts, (EP, EP)))
    t_w = ft_g + (w_col - ist_g)
    lo = jnp.maximum(off_g, t_w * BT)
    hi = jnp.minimum(off_g + cnt_g, (t_w + 1.0) * BT)
    tot_w = jnp.sum(jnp.where(lane_b == E, jnp.broadcast_to(ist_row, (EP, EP)),
                              0.0), axis=1, keepdims=True)
    valid = w_col < tot_w
    mt_ref[...] = jnp.where(valid, t_w, NT - 1.0).astype(jnp.int32)
    me_ref[...] = e_w.astype(jnp.int32)
    mrs_ref[...] = jnp.where(valid, lo - t_w * BT, 0.0).astype(jnp.int32)
    mre_ref[...] = jnp.where(valid, hi - t_w * BT, 0.0).astype(jnp.int32)


def _front(x, wgp, bgp, gs, bs, ws1, bs1r, ws3, bs3r, ws2, bs2r):
    sds = jax.ShapeDtypeStruct
    return pl.pallas_call(
        _front_body,
        out_shape=[sds((T, DP), jnp.float32), sds((T, DP), jnp.float32),
                   sds((T, 32), jnp.float32), sds((NPAIR, 1), jnp.int32),
                   sds((EP, 1), jnp.int32), sds((EP, 1), jnp.int32),
                   sds((EP, 1), jnp.int32), sds((EP, 1), jnp.int32)],
    )(x, wgp, bgp, gs, bs, ws1, bs1r, ws3, bs3r, ws2, bs2r)


def _dispatch_body(xhat_hbm, pos3_hbm, out_hbm, idx0_v, idx1_v, rows_v,
                   sem0, sem1):
    wid = lax.axis_index("s") * 2 + lax.axis_index("c")
    base = wid * TPW
    pltpu.sync_copy(xhat_hbm.at[pl.ds(base, TPW)], rows_v)
    pltpu.sync_copy(pos3_hbm.at[wid, 0], idx0_v)
    pltpu.sync_copy(pos3_hbm.at[wid, 1], idx1_v)
    c0 = pltpu.async_copy(rows_v, out_hbm.at[idx0_v], sem0)
    c1 = pltpu.async_copy(rows_v, out_hbm.at[idx1_v], sem1)
    c0.wait()
    c1.wait()


def _dispatch(xhat, pos3):
    mesh = plsc.VectorSubcoreMesh(core_axis_name="c", subcore_axis_name="s")
    f = pl.kernel(
        _dispatch_body,
        out_type=jax.ShapeDtypeStruct((NPAIR, DP), jnp.float32),
        mesh=mesh,
        scratch_types=[pltpu.VMEM((TPW,), jnp.int32),
                       pltpu.VMEM((TPW,), jnp.int32),
                       pltpu.VMEM((TPW, DP), jnp.float32),
                       pltpu.SemaphoreType.DMA,
                       pltpu.SemaphoreType.DMA],
    )
    return f(xhat, pos3)


def _group_body(mt_ref, me_ref, mrs_ref, mre_ref,
                xs_ref, w1_ref, w3_ref, w2_ref, pk_ref, out_ref):
    i = pl.program_id(0)
    tile = mt_ref[i, 0]
    rs = mrs_ref[i, 0]
    re = mre_ref[i, 0]
    prev = mt_ref[jnp.maximum(i - 1, 0), 0]
    first = jnp.logical_or(i == 0, tile != prev)

    @pl.when(first)
    def _():
        out_ref[...] = jnp.zeros_like(out_ref)

    @pl.when(re > rs)
    def _():
        x = xs_ref[...][:, :DIM]
        pk = pk_ref[0]
        xe = (x * pk[0, :DIM] + pk[1, :DIM]).astype(jnp.bfloat16)
        w1 = w1_ref[0].astype(jnp.bfloat16)
        w3 = w3_ref[0].astype(jnp.bfloat16)
        h1 = jnp.dot(xe, w1, preferred_element_type=jnp.float32) + pk[2, :]
        h3 = jnp.dot(xe, w3, preferred_element_type=jnp.float32) + pk[3, :]
        h = (h1 * jax.nn.sigmoid(h1) * h3).astype(jnp.bfloat16)
        w2 = w2_ref[0].astype(jnp.bfloat16)
        yo = jnp.dot(h, w2, preferred_element_type=jnp.float32) + pk[4, :DIM]
        rid = lax.broadcasted_iota(jnp.int32, (BT, 1), 0)
        mask = jnp.logical_and(rid >= rs, rid < re)
        contrib = jnp.pad(jnp.where(mask, yo, 0.0), ((0, 0), (0, DP - DIM)))
        out_ref[...] += contrib


def _grouped(mt, me, mrs, mre, xs, w1p, w3p, w2p, pk):
    grid_spec = pltpu.PrefetchScalarGridSpec(
        num_scalar_prefetch=4,
        grid=(NW,),
        in_specs=[
            pl.BlockSpec((BT, DP), lambda i, mt, me, s, e: (mt[i, 0], 0)),
            pl.BlockSpec((1, DIM, HID), lambda i, mt, me, s, e: (me[i, 0], 0, 0)),
            pl.BlockSpec((1, DIM, HID), lambda i, mt, me, s, e: (me[i, 0], 0, 0)),
            pl.BlockSpec((1, HID, DIM), lambda i, mt, me, s, e: (me[i, 0], 0, 0)),
            pl.BlockSpec((1, 5, DP), lambda i, mt, me, s, e: (me[i, 0], 0, 0)),
        ],
        out_specs=pl.BlockSpec((BT, DP), lambda i, mt, me, s, e: (mt[i, 0], 0)),
    )
    return pl.pallas_call(
        _group_body,
        grid_spec=grid_spec,
        out_shape=jax.ShapeDtypeStruct((NPAIR, DP), jnp.float32),
    )(mt, me, mrs, mre, xs, w1p, w3p, w2p, pk)


def _combine_body(ys_hbm, pos3_hbm, wbc_hbm, z_hbm, out_hbm,
                  idx0_v, idx1_v, g0_v, g1_v, z_v, w_v, y_v, sem0, sem1):
    wid = lax.axis_index("s") * 2 + lax.axis_index("c")
    base = wid * TPW
    pltpu.sync_copy(pos3_hbm.at[wid, 0], idx0_v)
    pltpu.sync_copy(pos3_hbm.at[wid, 1], idx1_v)
    c0 = pltpu.async_copy(ys_hbm.at[idx0_v], g0_v, sem0)
    c1 = pltpu.async_copy(ys_hbm.at[idx1_v], g1_v, sem1)
    pltpu.sync_copy(z_hbm.at[pl.ds(base, TPW)], z_v)
    pltpu.sync_copy(wbc_hbm.at[pl.ds(base, TPW)], w_v)
    c0.wait()
    c1.wait()

    def row(r, carry):
        w0 = w_v[r, pl.ds(0, 16)]
        w1 = w_v[r, pl.ds(16, 16)]
        for c in range(DP // 16):
            sl = pl.ds(c * 16, 16)
            y_v[r, sl] = w0 * g0_v[r, sl] + w1 * g1_v[r, sl] + z_v[r, sl]
        return carry

    lax.fori_loop(0, TPW, row, 0)
    pltpu.sync_copy(y_v, out_hbm.at[pl.ds(base, TPW)])


def _combine(ys, pos3, wbc, z):
    mesh = plsc.VectorSubcoreMesh(core_axis_name="c", subcore_axis_name="s")
    f = pl.kernel(
        _combine_body,
        out_type=jax.ShapeDtypeStruct((T, DP), jnp.float32),
        mesh=mesh,
        scratch_types=[pltpu.VMEM((TPW,), jnp.int32),
                       pltpu.VMEM((TPW,), jnp.int32),
                       pltpu.VMEM((TPW, DP), jnp.float32),
                       pltpu.VMEM((TPW, DP), jnp.float32),
                       pltpu.VMEM((TPW, DP), jnp.float32),
                       pltpu.VMEM((TPW, 32), jnp.float32),
                       pltpu.VMEM((TPW, DP), jnp.float32),
                       pltpu.SemaphoreType.DMA,
                       pltpu.SemaphoreType.DMA],
    )
    return f(ys, pos3, wbc, z)


def kernel(x, Wg, bg, gamma, beta, W1, b1, W3, b3, W2, b2,
           gs, bs, Ws1, bs1, Ws3, bs3, Ws2, bs2):
    pade = EP - E
    wgp = jnp.pad(Wg, ((0, 0), (0, pade)))
    bgp = jnp.pad(bg, (0, pade)).reshape(1, EP)

    xhat, z, wbc, pos, mt, me, mrs, mre = _front(
        x, wgp, bgp, gs.reshape(1, DIM), bs.reshape(1, DIM),
        Ws1, bs1.reshape(1, HID), Ws3, bs3.reshape(1, HID),
        Ws2, bs2.reshape(1, DIM))

    pos0 = pos[:T].reshape(NSC, TPW)
    pos1 = pos[T:].reshape(NSC, TPW)
    pos3 = jnp.stack([pos0, pos1], axis=1)

    xs_sorted = _dispatch(xhat, pos3)

    padv = ((0, 0), (0, DP - DIM))
    pk = jnp.stack([jnp.pad(gamma, padv), jnp.pad(beta, padv),
                    b1, b3, jnp.pad(b2, padv)], axis=1)
    ys = _grouped(mt, me, mrs, mre, xs_sorted, W1, W3, W2, pk)
    y = _combine(ys, pos3, wbc, z)
    return y[:, :DIM]

# --- scband reference (transcript-rebuilt; emitter-appended) ---
"""Pipeline reference for scband-mo-e-77884936946280 (READ-ONLY COPY).

The authoritative reference and input builder live on the scoring server;
editing this copy changes nothing except your own understanding.
"""

import jax, jax.numpy as jnp
import numpy as np

DIM = 211
E = 100
HID = 256
HID_S = 256  # n_shared_experts(1) * moe_inter_dim(256)
TOPK = 2
T = 2048
EPS = 1e-5


def _ln(x):
    m = jnp.mean(x, axis=-1, keepdims=True)
    v = jnp.var(x, axis=-1, keepdims=True)
    return (x - m) / jnp.sqrt(v + EPS)


def setup_inputs(seed: int = 0) -> dict:
    key = jax.random.key(seed)
    ks = jax.random.split(key, 16)
    s = 0.02
    inp = {
        'x': jax.random.normal(ks[0], (T, DIM), dtype=jnp.float32),
        # Gate linear (stored as [in, out])
        'Wg': jax.random.normal(ks[1], (DIM, E), dtype=jnp.float32) * s,
        'bg': jnp.zeros((E,), dtype=jnp.float32),
        # Per-expert LayerNorm affine
        'gamma': jnp.ones((E, DIM), dtype=jnp.float32),
        'beta': jnp.zeros((E, DIM), dtype=jnp.float32),
        # Per-expert SwiGLU weights
        'W1': jax.random.normal(ks[2], (E, DIM, HID), dtype=jnp.float32) * s,
        'b1': jnp.zeros((E, HID), dtype=jnp.float32),
        'W3': jax.random.normal(ks[3], (E, DIM, HID), dtype=jnp.float32) * s,
        'b3': jnp.zeros((E, HID), dtype=jnp.float32),
        'W2': jax.random.normal(ks[4], (E, HID, DIM), dtype=jnp.float32) * s,
        'b2': jnp.zeros((E, DIM), dtype=jnp.float32),
        # Shared expert (LayerNorm affine + SwiGLU)
        'gs': jnp.ones((DIM,), dtype=jnp.float32),
        'bs': jnp.zeros((DIM,), dtype=jnp.float32),
        'Ws1': jax.random.normal(ks[5], (DIM, HID_S), dtype=jnp.float32) * s,
        'bs1': jnp.zeros((HID_S,), dtype=jnp.float32),
        'Ws3': jax.random.normal(ks[6], (DIM, HID_S), dtype=jnp.float32) * s,
        'bs3': jnp.zeros((HID_S,), dtype=jnp.float32),
        'Ws2': jax.random.normal(ks[7], (HID_S, DIM), dtype=jnp.float32) * s,
        'bs2': jnp.zeros((DIM,), dtype=jnp.float32),
    }
    return inp


def reference(x, Wg, bg, gamma, beta, W1, b1, W3, b3, W2, b2,
              gs, bs, Ws1, bs1, Ws3, bs3, Ws2, bs2):
    # --- Gate (eval mode, sigmoid scoring, n_groups=1, no bias since dim != 7168) ---
    scores = x @ Wg + bg
    s = jax.nn.sigmoid(scores)
    w_top, idx = jax.lax.top_k(s, TOPK)
    # sigmoid score_func -> normalize weights; route_scale = 1.0
    w_top = w_top / jnp.sum(w_top, axis=-1, keepdims=True)
    Tn = x.shape[0]
    full_w = jnp.zeros((Tn, E), dtype=x.dtype).at[jnp.arange(Tn)[:, None], idx].add(w_top)
    # --- Routed experts: Expert = LN -> SwiGLU (residual=False, dropout=0) ---
    xhat = _ln(x)
    y = jnp.zeros_like(x)
    for e in range(E):
        xe = xhat * gamma[e] + beta[e]
        h = jax.nn.silu(xe @ W1[e] + b1[e]) * (xe @ W3[e] + b3[e])
        y = y + full_w[:, e:e + 1] * (h @ W2[e] + b2[e])
    # --- Shared expert ---
    xs = xhat * gs + bs
    hs = jax.nn.silu(xs @ Ws1 + bs1) * (xs @ Ws3 + bs3)
    z = hs @ Ws2 + bs2
    return y + z

if __name__ == "__main__":
    import jax
    _d = setup_inputs()
    print(jax.jit(kernel)(*tuple(_d.values())))

</pallas_src>

<mosaic_0001>
#map = affine_map<(d0, d1) -> (0, 0)>
#map1 = affine_map<(d0, d1) -> (0, 0, 0)>
module attributes {stable_mosaic.version = 14 : i64} {
  func.func @_combine_body(%arg0: i32, %arg1: i32, %arg2: memref<4096x256xf32, #tpu.memory_space<hbm>>, %arg3: memref<32x2x64xi32, #tpu.memory_space<hbm>>, %arg4: memref<2048x32xf32, #tpu.memory_space<hbm>>, %arg5: memref<2048x256xf32, #tpu.memory_space<hbm>>, %arg6: memref<2048x256xf32, #tpu.memory_space<hbm>>, %arg7: memref<64xi32, #tpu.memory_space<vmem>>, %arg8: memref<64xi32, #tpu.memory_space<vmem>>, %arg9: memref<64x256xf32, #tpu.memory_space<vmem>>, %arg10: memref<64x256xf32, #tpu.memory_space<vmem>>, %arg11: memref<64x256xf32, #tpu.memory_space<vmem>>, %arg12: memref<64x32xf32, #tpu.memory_space<vmem>>, %arg13: memref<64x256xf32, #tpu.memory_space<vmem>>, %arg14: memref<!tpu.dma_semaphore, #tpu.memory_space<semaphore_mem>>, %arg15: memref<!tpu.dma_semaphore, #tpu.memory_space<semaphore_mem>>) attributes {dimension_semantics = [#tpu.dimension_semantics<core_parallel>, #tpu.dimension_semantics<subcore_parallel>], iteration_bounds = array<i64: 2, 16>, scalar_prefetch = 0 : i64, scratch_operands = 9 : i64, tpu.core_type = #tpu.core_type<sc_vector_subcore>, window_params = [{transform_indices = #map}, {transform_indices = #map1}, {transform_indices = #map}, {transform_indices = #map}, {transform_indices = #map}]} {
    %mul3A = arith.constant 2 : i32
    %mul3A_0 = arith.muli %arg1, %mul3A : i32
    %add3A = arith.addi %mul3A_0, %arg0 : i32
    %mul3A_1 = arith.constant 64 : i32
    %mul3A_2 = arith.muli %add3A, %mul3A_1 : i32
    %run_scoped3A = arith.constant 0 : i32
    "tpu.region"() ({
      %run_scoped3A_19 = tpu.sem_alloc : memref<!tpu.dma_semaphore, #tpu.memory_space<semaphore_mem>>
      %dma_start3A_20 = arith.constant 0 : i32
      %dma_start3A_21 = tpu.memref_slice %arg3[%add3A, %run_scoped3A, %dma_start3A_20] : memref<32x2x64xi32, #tpu.memory_space<hbm>> -> memref<1x1x64xi32, #tpu.memory_space<hbm>>
      %dma_start3A_22 = tpu.memref_squeeze %dma_start3A_21 : memref<1x1x64xi32, #tpu.memory_space<hbm>> -> memref<64xi32, #tpu.memory_space<hbm>>
      %dma_start3A_23 = arith.constant 0 : i32
      %dma_start3A_24 = tpu.memref_slice %arg3[%add3A, %run_scoped3A, %dma_start3A_23] : memref<32x2x64xi32, #tpu.memory_space<hbm>> -> memref<1x1x64xi32, #tpu.memory_space<hbm>>
      %dma_start3A_25 = tpu.memref_squeeze %dma_start3A_24 : memref<1x1x64xi32, #tpu.memory_space<hbm>> -> memref<64xi32, #tpu.memory_space<hbm>>
      tpu.enqueue_dma source(%dma_start3A_25 : memref<64xi32, #tpu.memory_space<hbm>>) target(%arg7 : memref<64xi32, #tpu.memory_space<vmem>>) target_semaphore(%run_scoped3A_19 : memref<!tpu.dma_semaphore, #tpu.memory_space<semaphore_mem>>)
      %dma_wait3A_26 = arith.constant 0 : i32
      %dma_wait3A_27 = tpu.memref_slice %arg3[%add3A, %run_scoped3A, %dma_wait3A_26] : memref<32x2x64xi32, #tpu.memory_space<hbm>> -> memref<1x1x64xi32, #tpu.memory_space<hbm>>
      %dma_wait3A_28 = tpu.memref_squeeze %dma_wait3A_27 : memref<1x1x64xi32, #tpu.memory_space<hbm>> -> memref<64xi32, #tpu.memory_space<hbm>>
      %dma_wait3A_29 = arith.constant 0 : i32
      %dma_wait3A_30 = tpu.memref_slice %arg3[%add3A, %run_scoped3A, %dma_wait3A_29] : memref<32x2x64xi32, #tpu.memory_space<hbm>> -> memref<1x1x64xi32, #tpu.memory_space<hbm>>
      %dma_wait3A_31 = tpu.memref_squeeze %dma_wait3A_30 : memref<1x1x64xi32, #tpu.memory_space<hbm>> -> memref<64xi32, #tpu.memory_space<hbm>>
      tpu.wait_dma2 semaphore(%run_scoped3A_19 : memref<!tpu.dma_semaphore, #tpu.memory_space<semaphore_mem>>) src(%dma_wait3A_31 : memref<64xi32, #tpu.memory_space<hbm>>) dst(%arg7 : memref<64xi32, #tpu.memory_space<vmem>>)
      tpu.yield
    }) : () -> ()
    %run_scoped3A_3 = arith.constant 1 : i32
    "tpu.region"() ({
      %run_scoped3A_19 = tpu.sem_alloc : memref<!tpu.dma_semaphore, #tpu.memory_space<semaphore_mem>>
      %dma_start3A_20 = arith.constant 0 : i32
      %dma_start3A_21 = tpu.memref_slice %arg3[%add3A, %run_scoped3A_3, %dma_start3A_20] : memref<32x2x64xi32, #tpu.memory_space<hbm>> -> memref<1x1x64xi32, #tpu.memory_space<hbm>>
      %dma_start3A_22 = tpu.memref_squeeze %dma_start3A_21 : memref<1x1x64xi32, #tpu.memory_space<hbm>> -> memref<64xi32, #tpu.memory_space<hbm>>
      %dma_start3A_23 = arith.constant 0 : i32
      %dma_start3A_24 = tpu.memref_slice %arg3[%add3A, %run_scoped3A_3, %dma_start3A_23] : memref<32x2x64xi32, #tpu.memory_space<hbm>> -> memref<1x1x64xi32, #tpu.memory_space<hbm>>
      %dma_start3A_25 = tpu.memref_squeeze %dma_start3A_24 : memref<1x1x64xi32, #tpu.memory_space<hbm>> -> memref<64xi32, #tpu.memory_space<hbm>>
      tpu.enqueue_dma source(%dma_start3A_25 : memref<64xi32, #tpu.memory_space<hbm>>) target(%arg8 : memref<64xi32, #tpu.memory_space<vmem>>) target_semaphore(%run_scoped3A_19 : memref<!tpu.dma_semaphore, #tpu.memory_space<semaphore_mem>>)
      %dma_wait3A_26 = arith.constant 0 : i32
      %dma_wait3A_27 = tpu.memref_slice %arg3[%add3A, %run_scoped3A_3, %dma_wait3A_26] : memref<32x2x64xi32, #tpu.memory_space<hbm>> -> memref<1x1x64xi32, #tpu.memory_space<hbm>>
      %dma_wait3A_28 = tpu.memref_squeeze %dma_wait3A_27 : memref<1x1x64xi32, #tpu.memory_space<hbm>> -> memref<64xi32, #tpu.memory_space<hbm>>
      %dma_wait3A_29 = arith.constant 0 : i32
      %dma_wait3A_30 = tpu.memref_slice %arg3[%add3A, %run_scoped3A_3, %dma_wait3A_29] : memref<32x2x64xi32, #tpu.memory_space<hbm>> -> memref<1x1x64xi32, #tpu.memory_space<hbm>>
      %dma_wait3A_31 = tpu.memref_squeeze %dma_wait3A_30 : memref<1x1x64xi32, #tpu.memory_space<hbm>> -> memref<64xi32, #tpu.memory_space<hbm>>
      tpu.wait_dma2 semaphore(%run_scoped3A_19 : memref<!tpu.dma_semaphore, #tpu.memory_space<semaphore_mem>>) src(%dma_wait3A_31 : memref<64xi32, #tpu.memory_space<hbm>>) dst(%arg8 : memref<64xi32, #tpu.memory_space<vmem>>)
      tpu.yield
    }) : () -> ()
    %dma_start3A = arith.constant 0 : i32
    %dma_start3A_4 = arith.constant 0 : i32
    %dma_start3A_5 = tpu.memref_slice %arg2[%dma_start3A, %dma_start3A_4] : memref<4096x256xf32, #tpu.memory_space<hbm>> -> memref<4096x256xf32, #tpu.memory_space<hbm>>
    tpu.enqueue_indirect_dma source(%dma_start3A_5 : memref<4096x256xf32, #tpu.memory_space<hbm>>) target(%arg9 : memref<64x256xf32, #tpu.memory_space<vmem>>) offsets(%arg7 : memref<64xi32, #tpu.memory_space<vmem>>) semaphore(%arg14 : memref<!tpu.dma_semaphore, #tpu.memory_space<semaphore_mem>>)
    %dma_start3A_6 = arith.constant 0 : i32
    %dma_start3A_7 = arith.constant 0 : i32
    %dma_start3A_8 = tpu.memref_slice %arg2[%dma_start3A_6, %dma_start3A_7] : memref<4096x256xf32, #tpu.memory_space<hbm>> -> memref<4096x256xf32, #tpu.memory_space<hbm>>
    tpu.enqueue_indirect_dma source(%dma_start3A_8 : memref<4096x256xf32, #tpu.memory_space<hbm>>) target(%arg10 : memref<64x256xf32, #tpu.memory_space<vmem>>) offsets(%arg8 : memref<64xi32, #tpu.memory_space<vmem>>) semaphore(%arg15 : memref<!tpu.dma_semaphore, #tpu.memory_space<semaphore_mem>>)
    "tpu.region"() ({
      %run_scoped3A_19 = tpu.sem_alloc : memref<!tpu.dma_semaphore, #tpu.memory_space<semaphore_mem>>
      %dma_start3A_20 = arith.constant 0 : i32
      %dma_start3A_21 = tpu.memref_slice %arg5[%mul3A_2, %dma_start3A_20] : memref<2048x256xf32, #tpu.memory_space<hbm>> -> memref<64x256xf32, #tpu.memory_space<hbm>>
      %dma_start3A_22 = arith.constant 0 : i32
      %dma_start3A_23 = tpu.memref_slice %arg5[%mul3A_2, %dma_start3A_22] : memref<2048x256xf32, #tpu.memory_space<hbm>> -> memref<64x256xf32, #tpu.memory_space<hbm>>
      tpu.enqueue_dma source(%dma_start3A_23 : memref<64x256xf32, #tpu.memory_space<hbm>>) target(%arg11 : memref<64x256xf32, #tpu.memory_space<vmem>>) target_semaphore(%run_scoped3A_19 : memref<!tpu.dma_semaphore, #tpu.memory_space<semaphore_mem>>)
      %dma_wait3A_24 = arith.constant 0 : i32
      %dma_wait3A_25 = tpu.memref_slice %arg5[%mul3A_2, %dma_wait3A_24] : memref<2048x256xf32, #tpu.memory_space<hbm>> -> memref<64x256xf32, #tpu.memory_space<hbm>>
      %dma_wait3A_26 = arith.constant 0 : i32
      %dma_wait3A_27 = tpu.memref_slice %arg5[%mul3A_2, %dma_wait3A_26] : memref<2048x256xf32, #tpu.memory_space<hbm>> -> memref<64x256xf32, #tpu.memory_space<hbm>>
      tpu.wait_dma2 semaphore(%run_scoped3A_19 : memref<!tpu.dma_semaphore, #tpu.memory_space<semaphore_mem>>) src(%dma_wait3A_27 : memref<64x256xf32, #tpu.memory_space<hbm>>) dst(%arg11 : memref<64x256xf32, #tpu.memory_space<vmem>>)
      tpu.yield
    }) : () -> ()
    "tpu.region"() ({
      %run_scoped3A_19 = tpu.sem_alloc : memref<!tpu.dma_semaphore, #tpu.memory_space<semaphore_mem>>
      %dma_start3A_20 = arith.constant 0 : i32
      %dma_start3A_21 = tpu.memref_slice %arg4[%mul3A_2, %dma_start3A_20] : memref<2048x32xf32, #tpu.memory_space<hbm>> -> memref<64x32xf32, #tpu.memory_space<hbm>>
      %dma_start3A_22 = arith.constant 0 : i32
      %dma_start3A_23 = tpu.memref_slice %arg4[%mul3A_2, %dma_start3A_22] : memref<2048x32xf32, #tpu.memory_space<hbm>> -> memref<64x32xf32, #tpu.memory_space<hbm>>
      tpu.enqueue_dma source(%dma_start3A_23 : memref<64x32xf32, #tpu.memory_space<hbm>>) target(%arg12 : memref<64x32xf32, #tpu.memory_space<vmem>>) target_semaphore(%run_scoped3A_19 : memref<!tpu.dma_semaphore, #tpu.memory_space<semaphore_mem>>)
      %dma_wait3A_24 = arith.constant 0 : i32
      %dma_wait3A_25 = tpu.memref_slice %arg4[%mul3A_2, %dma_wait3A_24] : memref<2048x32xf32, #tpu.memory_space<hbm>> -> memref<64x32xf32, #tpu.memory_space<hbm>>
      %dma_wait3A_26 = arith.constant 0 : i32
      %dma_wait3A_27 = tpu.memref_slice %arg4[%mul3A_2, %dma_wait3A_26] : memref<2048x32xf32, #tpu.memory_space<hbm>> -> memref<64x32xf32, #tpu.memory_space<hbm>>
      tpu.wait_dma2 semaphore(%run_scoped3A_19 : memref<!tpu.dma_semaphore, #tpu.memory_space<semaphore_mem>>) src(%dma_wait3A_27 : memref<64x32xf32, #tpu.memory_space<hbm>>) dst(%arg12 : memref<64x32xf32, #tpu.memory_space<vmem>>)
      tpu.yield
    }) : () -> ()
    %dma_wait3A = arith.constant 0 : i32
    %dma_wait3A_9 = arith.constant 0 : i32
    %dma_wait3A_10 = tpu.memref_slice %arg2[%dma_wait3A, %dma_wait3A_9] : memref<4096x256xf32, #tpu.memory_space<hbm>> -> memref<4096x256xf32, #tpu.memory_space<hbm>>
    tpu.wait_indirect_dma semaphore(%arg14 : memref<!tpu.dma_semaphore, #tpu.memory_space<semaphore_mem>>) src(%dma_wait3A_10 : memref<4096x256xf32, #tpu.memory_space<hbm>>) dst(%arg9 : memref<64x256xf32, #tpu.memory_space<vmem>>)
    %dma_wait3A_11 = arith.constant 0 : i32
    %dma_wait3A_12 = arith.constant 0 : i32
    %dma_wait3A_13 = tpu.memref_slice %arg2[%dma_wait3A_11, %dma_wait3A_12] : memref<4096x256xf32, #tpu.memory_space<hbm>> -> memref<4096x256xf32, #tpu.memory_space<hbm>>
    tpu.wait_indirect_dma semaphore(%arg15 : memref<!tpu.dma_semaphore, #tpu.memory_space<semaphore_mem>>) src(%dma_wait3A_13 : memref<4096x256xf32, #tpu.memory_space<hbm>>) dst(%arg10 : memref<64x256xf32, #tpu.memory_space<vmem>>)
    %scan3A = arith.constant 0 : i32
    %scan3A_14 = arith.constant 0 : i32
    %scan3A_15 = arith.constant 64 : i32
    %scan3A_16 = arith.addi %scan3A_14, %scan3A_15 : i32
    %scan3A_17 = arith.constant 1 : i32
    scf.for %scan3A_19 = %scan3A_14 to %scan3A_16 step %scan3A_17  : i32 {
      %get3A = arith.index_cast %scan3A_19 : i32 to index
      %get3A_20 = arith.constant 0 : index
      %get3A_21 = tpu.vector_load %arg12[%get3A, %get3A_20] {strides = array<i32>} : memref<64x32xf32, #tpu.memory_space<vmem>>, vector<1x16xf32>,
      %get3A_22 = vector.shape_cast %get3A_21 : vector<1x16xf32> to vector<16xf32>
      %get3A_23 = arith.index_cast %scan3A_19 : i32 to index
      %get3A_24 = arith.constant 16 : index
      %get3A_25 = tpu.vector_load %arg12[%get3A_23, %get3A_24] {strides = array<i32>} : memref<64x32xf32, #tpu.memory_space<vmem>>, vector<1x16xf32>,
      %get3A_26 = vector.shape_cast %get3A_25 : vector<1x16xf32> to vector<16xf32>
      %get3A_27 = arith.index_cast %scan3A_19 : i32 to index
      %get3A_28 = arith.constant 0 : index
      %get3A_29 = tpu.vector_load %arg9[%get3A_27, %get3A_28] {strides = array<i32>} : memref<64x256xf32, #tpu.memory_space<vmem>>, vector<1x16xf32>,
      %get3A_30 = vector.shape_cast %get3A_29 : vector<1x16xf32> to vector<16xf32>
      %mul3A_31 = arith.mulf %get3A_22, %get3A_30 : vector<16xf32>
      %get3A_32 = arith.index_cast %scan3A_19 : i32 to index
      %get3A_33 = arith.constant 0 : index
      %get3A_34 = tpu.vector_load %arg10[%get3A_32, %get3A_33] {strides = array<i32>} : memref<64x256xf32, #tpu.memory_space<vmem>>, vector<1x16xf32>,
      %get3A_35 = vector.shape_cast %get3A_34 : vector<1x16xf32> to vector<16xf32>
      %mul3A_36 = arith.mulf %get3A_26, %get3A_35 : vector<16xf32>
      %add3A_37 = arith.addf %mul3A_31, %mul3A_36 : vector<16xf32>
      %get3A_38 = arith.index_cast %scan3A_19 : i32 to index
      %get3A_39 = arith.constant 0 : index
      %get3A_40 = tpu.vector_load %arg11[%get3A_38, %get3A_39] {strides = array<i32>} : memref<64x256xf32, #tpu.memory_space<vmem>>, vector<1x16xf32>,
      %get3A_41 = vector.shape_cast %get3A_40 : vector<1x16xf32> to vector<16xf32>
      %add3A_42 = arith.addf %add3A_37, %get3A_41 : vector<16xf32>
      %swap3A = arith.index_cast %scan3A_19 : i32 to index
      %swap3A_43 = arith.constant 0 : index
      %swap3A_44 = tpu.vector_load %arg13[%swap3A, %swap3A_43] {strides = array<i32>} : memref<64x256xf32, #tpu.memory_space<vmem>>, vector<1x16xf32>,
      %swap3A_45 = vector.shape_cast %swap3A_44 : vector<1x16xf32> to vector<16xf32>
      %swap3A_46 = vector.shape_cast %add3A_42 : vector<16xf32> to vector<1x16xf32>
      tpu.vector_store %arg13[%swap3A, %swap3A_43], %swap3A_46 {strides = array<i32>} : memref<64x256xf32, #tpu.memory_space<vmem>>, vector<1x16xf32>,
      %get3A_47 = arith.index_cast %scan3A_19 : i32 to index
      %get3A_48 = arith.constant 16 : index
      %get3A_49 = tpu.vector_load %arg9[%get3A_47, %get3A_48] {strides = array<i32>} : memref<64x256xf32, #tpu.memory_space<vmem>>, vector<1x16xf32>,
      %get3A_50 = vector.shape_cast %get3A_49 : vector<1x16xf32> to vector<16xf32>
      %mul3A_51 = arith.mulf %get3A_22, %get3A_50 : vector<16xf32>
      %get3A_52 = arith.index_cast %scan3A_19 : i32 to index
      %get3A_53 = arith.constant 16 : index
      %get3A_54 = tpu.vector_load %arg10[%get3A_52, %get3A_53] {strides = array<i32>} : memref<64x256xf32, #tpu.memory_space<vmem>>, vector<1x16xf32>,
      %get3A_55 = vector.shape_cast %get3A_54 : vector<1x16xf32> to vector<16xf32>
      %mul3A_56 = arith.mulf %get3A_26, %get3A_55 : vector<16xf32>
      %add3A_57 = arith.addf %mul3A_51, %mul3A_56 : vector<16xf32>
      %get3A_58 = arith.index_cast %scan3A_19 : i32 to index
      %get3A_59 = arith.constant 16 : index
      %get3A_60 = tpu.vector_load %arg11[%get3A_58, %get3A_59] {strides = array<i32>} : memref<64x256xf32, #tpu.memory_space<vmem>>, vector<1x16xf32>,
      %get3A_61 = vector.shape_cast %get3A_60 : vector<1x16xf32> to vector<16xf32>
      %add3A_62 = arith.addf %add3A_57, %get3A_61 : vector<16xf32>
      %swap3A_63 = arith.index_cast %scan3A_19 : i32 to index
      %swap3A_64 = arith.constant 16 : index
      %swap3A_65 = tpu.vector_load %arg13[%swap3A_63, %swap3A_64] {strides = array<i32>} : memref<64x256xf32, #tpu.memory_space<vmem>>, vector<1x16xf32>,
      %swap3A_66 = vector.shape_cast %swap3A_65 : vector<1x16xf32> to vector<16xf32>
      %swap3A_67 = vector.shape_cast %add3A_62 : vector<16xf32> to vector<1x16xf32>
      tpu.vector_store %arg13[%swap3A_63, %swap3A_64], %swap3A_67 {strides = array<i32>} : memref<64x256xf32, #tpu.memory_space<vmem>>, vector<1x16xf32>,
      %get3A_68 = arith.index_cast %scan3A_19 : i32 to index
      %get3A_69 = arith.constant 32 : index
      %get3A_70 = tpu.vector_load %arg9[%get3A_68, %get3A_69] {strides = array<i32>} : memref<64x256xf32, #tpu.memory_space<vmem>>, vector<1x16xf32>,
      %get3A_71 = vector.shape_cast %get3A_70 : vector<1x16xf32> to vector<16xf32>
      %mul3A_72 = arith.mulf %get3A_22, %get3A_71 : vector<16xf32>
      %get3A_73 = arith.index_cast %scan3A_19 : i32 to index
      %get3A_74 = arith.constant 32 : index
      %get3A_75 = tpu.vector_load %arg10[%get3A_73, %get3A_74] {strides = array<i32>} : memref<64x256xf32, #tpu.memory_space<vmem>>, vector<1x16xf32>,
      %get3A_76 = vector.shape_cast %get3A_75 : vector<1x16xf32> to vector<16xf32>
      %mul3A_77 = arith.mulf %get3A_26, %get3A_76 : vector<16xf32>
      %add3A_78 = arith.addf %mul3A_72, %mul3A_77 : vector<16xf32>
      %get3A_79 = arith.index_cast %scan3A_19 : i32 to index
      %get3A_80 = arith.constant 32 : index
      %get3A_81 = tpu.vector_load %arg11[%get3A_79, %get3A_80] {strides = array<i32>} : memref<64x256xf32, #tpu.memory_space<vmem>>, vector<1x16xf32>,
      %get3A_82 = vector.shape_cast %get3A_81 : vector<1x16xf32> to vector<16xf32>
      %add3A_83 = arith.addf %add3A_78, %get3A_82 : vector<16xf32>
      %swap3A_84 = arith.index_cast %scan3A_19 : i32 to index
      %swap3A_85 = arith.constant 32 : index
      %swap3A_86 = tpu.vector_load %arg13[%swap3A_84, %swap3A_85] {strides = array<i32>} : memref<64x256xf32, #tpu.memory_space<vmem>>, vector<1x16xf32>,
      %swap3A_87 = vector.shape_cast %swap3A_86 : vector<1x16xf32> to vector<16xf32>
      %swap3A_88 = vector.shape_cast %add3A_83 : vector<16xf32> to vector<1x16xf32>
      tpu.vector_store %arg13[%swap3A_84, %swap3A_85], %swap3A_88 {strides = array<i32>} : memref<64x256xf32, #tpu.memory_space<vmem>>, vector<1x16xf32>,
      %get3A_89 = arith.index_cast %scan3A_19 : i32 to index
      %get3A_90 = arith.constant 48 : index
      %get3A_91 = tpu.vector_load %arg9[%get3A_89, %get3A_90] {strides = array<i32>} : memref<64x256xf32, #tpu.memory_space<vmem>>, vector<1x16xf32>,
      %get3A_92 = vector.shape_cast %get3A_91 : vector<1x16xf32> to vector<16xf32>
      %mul3A_93 = arith.mulf %get3A_22, %get3A_92 : vector<16xf32>
      %get3A_94 = arith.index_cast %scan3A_19 : i32 to index
      %get3A_95 = arith.constant 48 : index
      %get3A_96 = tpu.vector_load %arg10[%get3A_94, %get3A_95] {strides = array<i32>} : memref<64x256xf32, #tpu.memory_space<vmem>>, vector<1x16xf32>,
      %get3A_97 = vector.shape_cast %get3A_96 : vector<1x16xf32> to vector<16xf32>
      %mul3A_98 = arith.mulf %get3A_26, %get3A_97 : vector<16xf32>
      %add3A_99 = arith.addf %mul3A_93, %mul3A_98 : vector<16xf32>
      %get3A_100 = arith.index_cast %scan3A_19 : i32 to index
      %get3A_101 = arith.constant 48 : index
      %get3A_102 = tpu.vector_load %arg11[%get3A_100, %get3A_101] {strides = array<i32>} : memref<64x256xf32, #tpu.memory_space<vmem>>, vector<1x16xf32>,
      %get3A_103 = vector.shape_cast %get3A_102 : vector<1x16xf32> to vector<16xf32>
      %add3A_104 = arith.addf %add3A_99, %get3A_103 : vector<16xf32>
      %swap3A_105 = arith.index_cast %scan3A_19 : i32 to index
      %swap3A_106 = arith.constant 48 : index
      %swap3A_107 = tpu.vector_load %arg13[%swap3A_105, %swap3A_106] {strides = array<i32>} : memref<64x256xf32, #tpu.memory_space<vmem>>, vector<1x16xf32>,
      %swap3A_108 = vector.shape_cast %swap3A_107 : vector<1x16xf32> to vector<16xf32>
      %swap3A_109 = vector.shape_cast %add3A_104 : vector<16xf32> to vector<1x16xf32>
      tpu.vector_store %arg13[%swap3A_105, %swap3A_106], %swap3A_109 {strides = array<i32>} : memref<64x256xf32, #tpu.memory_space<vmem>>, vector<1x16xf32>,
      %get3A_110 = arith.index_cast %scan3A_19 : i32 to index
      %get3A_111 = arith.constant 64 : index
      %get3A_112 = tpu.vector_load %arg9[%get3A_110, %get3A_111] {strides = array<i32>} : memref<64x256xf32, #tpu.memory_space<vmem>>, vector<1x16xf32>,
      %get3A_113 = vector.shape_cast %get3A_112 : vector<1x16xf32> to vector<16xf32>
      %mul3A_114 = arith.mulf %get3A_22, %get3A_113 : vector<16xf32>
      %get3A_115 = arith.index_cast %scan3A_19 : i32 to index
      %get3A_116 = arith.constant 64 : index
      %get3A_117 = tpu.vector_load %arg10[%get3A_115, %get3A_116] {strides = array<i32>} : memref<64x256xf32, #tpu.memory_space<vmem>>, vector<1x16xf32>,
      %get3A_118 = vector.shape_cast %get3A_117 : vector<1x16xf32> to vector<16xf32>
      %mul3A_119 = arith.mulf %get3A_26, %get3A_118 : vector<16xf32>
      %add3A_120 = arith.addf %mul3A_114, %mul3A_119 : vector<16xf32>
      %get3A_121 = arith.index_cast %scan3A_19 : i32 to index
      %get3A_122 = arith.constant 64 : index
      %get3A_123 = tpu.vector_load %arg11[%get3A_121, %get3A_122] {strides = array<i32>} : memref<64x256xf32, #tpu.memory_space<vmem>>, vector<1x16xf32>,
      %get3A_124 = vector.shape_cast %get3A_123 : vector<1x16xf32> to vector<16xf32>
      %add3A_125 = arith.addf %add3A_120, %get3A_124 : vector<16xf32>
      %swap3A_126 = arith.index_cast %scan3A_19 : i32 to index
      %swap3A_127 = arith.constant 64 : index
      %swap3A_128 = tpu.vector_load %arg13[%swap3A_126, %swap3A_127] {strides = array<i32>} : memref<64x256xf32, #tpu.memory_space<vmem>>, vector<1x16xf32>,
      %swap3A_129 = vector.shape_cast %swap3A_128 : vector<1x16xf32> to vector<16xf32>
      %swap3A_130 = vector.shape_cast %add3A_125 : vector<16xf32> to vector<1x16xf32>
      tpu.vector_store %arg13[%swap3A_126, %swap3A_127], %swap3A_130 {strides = array<i32>} : memref<64x256xf32, #tpu.memory_space<vmem>>, vector<1x16xf32>,
      %get3A_131 = arith.index_cast %scan3A_19 : i32 to index
      %get3A_132 = arith.constant 80 : index
      %get3A_133 = tpu.vector_load %arg9[%get3A_131, %get3A_132] {strides = array<i32>} : memref<64x256xf32, #tpu.memory_space<vmem>>, vector<1x16xf32>,
      %get3A_134 = vector.shape_cast %get3A_133 : vector<1x16xf32> to vector<16xf32>
      %mul3A_135 = arith.mulf %get3A_22, %get3A_134 : vector<16xf32>
      %get3A_136 = arith.index_cast %scan3A_19 : i32 to index
      %get3A_137 = arith.constant 80 : index
      %get3A_138 = tpu.vector_load %arg10[%get3A_136, %get3A_137] {strides = array<i32>} : memref<64x256xf32, #tpu.memory_space<vmem>>, vector<1x16xf32>,
      %get3A_139 = vector.shape_cast %get3A_138 : vector<1x16xf32> to vector<16xf32>
      %mul3A_140 = arith.mulf %get3A_26, %get3A_139 : vector<16xf32>
      %add3A_141 = arith.addf %mul3A_135, %mul3A_140 : vector<16xf32>
      %get3A_142 = arith.index_cast %scan3A_19 : i32 to index
      %get3A_143 = arith.constant 80 : index
      %get3A_144 = tpu.vector_load %arg11[%get3A_142, %get3A_143] {strides = array<i32>} : memref<64x256xf32, #tpu.memory_space<vmem>>, vector<1x16xf32>,
      %get3A_145 = vector.shape_cast %get3A_144 : vector<1x16xf32> to vector<16xf32>
      %add3A_146 = arith.addf %add3A_141, %get3A_145 : vector<16xf32>
      %swap3A_147 = arith.index_cast %scan3A_19 : i32 to index
      %swap3A_148 = arith.constant 80 : index
      %swap3A_149 = tpu.vector_load %arg13[%swap3A_147, %swap3A_148] {strides = array<i32>} : memref<64x256xf32, #tpu.memory_space<vmem>>, vector<1x16xf32>,
      %swap3A_150 = vector.shape_cast %swap3A_149 : vector<1x16xf32> to vector<16xf32>
      %swap3A_151 = vector.shape_cast %add3A_146 : vector<16xf32> to vector<1x16xf32>
      tpu.vector_store %arg13[%swap3A_147, %swap3A_148], %swap3A_151 {strides = array<i32>} : memref<64x256xf32, #tpu.memory_space<vmem>>, vector<1x16xf32>,
      %get3A_152 = arith.index_cast %scan3A_19 : i32 to index
      %get3A_153 = arith.constant 96 : index
      %get3A_154 = tpu.vector_load %arg9[%get3A_152, %get3A_153] {strides = array<i32>} : memref<64x256xf32, #tpu.memory_space<vmem>>, vector<1x16xf32>,
      %get3A_155 = vector.shape_cast %get3A_154 : vector<1x16xf32> to vector<16xf32>
      %mul3A_156 = arith.mulf %get3A_22, %get3A_155 : vector<16xf32>
      %get3A_157 = arith.index_cast %scan3A_19 : i32 to index
      %get3A_158 = arith.constant 96 : index
      %get3A_159 = tpu.vector_load %arg10[%get3A_157, %get3A_158] {strides = array<i32>} : memref<64x256xf32, #tpu.memory_space<vmem>>, vector<1x16xf32>,
      %get3A_160 = vector.shape_cast %get3A_159 : vector<1x16xf32> to vector<16xf32>
      %mul3A_161 = arith.mulf %get3A_26, %get3A_160 : vector<16xf32>
      %add3A_162 = arith.addf %mul3A_156, %mul3A_161 : vector<16xf32>
      %get3A_163 = arith.index_cast %scan3A_19 : i32 to index
      %get3A_164 = arith.constant 96 : index
      %get3A_165 = tpu.vector_load %arg11[%get3A_163, %get3A_164] {strides = array<i32>} : memref<64x256xf32, #tpu.memory_space<vmem>>, vector<1x16xf32>,
      %get3A_166 = vector.shape_cast %get3A_165 : vector<1x16xf32> to vector<16xf32>
      %add3A_167 = arith.addf %add3A_162, %get3A_166 : vector<16xf32>
      %swap3A_168 = arith.index_cast %scan3A_19 : i32 to index
      %swap3A_169 = arith.constant 96 : index
      %swap3A_170 = tpu.vector_load %arg13[%swap3A_168, %swap3A_169] {strides = array<i32>} : memref<64x256xf32, #tpu.memory_space<vmem>>, vector<1x16xf32>,
      %swap3A_171 = vector.shape_cast %swap3A_170 : vector<1x16xf32> to vector<16xf32>
      %swap3A_172 = vector.shape_cast %add3A_167 : vector<16xf32> to vector<1x16xf32>
      tpu.vector_store %arg13[%swap3A_168, %swap3A_169], %swap3A_172 {strides = array<i32>} : memref<64x256xf32, #tpu.memory_space<vmem>>, vector<1x16xf32>,
      %get3A_173 = arith.index_cast %scan3A_19 : i32 to index
      %get3A_174 = arith.constant 112 : index
      %get3A_175 = tpu.vector_load %arg9[%get3A_173, %get3A_174] {strides = array<i32>} : memref<64x256xf32, #tpu.memory_space<vmem>>, vector<1x16xf32>,
      %get3A_176 = vector.shape_cast %get3A_175 : vector<1x16xf32> to vector<16xf32>
      %mul3A_177 = arith.mulf %get3A_22, %get3A_176 : vector<16xf32>
      %get3A_178 = arith.index_cast %scan3A_19 : i32 to index
      %get3A_179 = arith.constant 112 : index
      %get3A_180 = tpu.vector_load %arg10[%get3A_178, %get3A_179] {strides = array<i32>} : memref<64x256xf32, #tpu.memory_space<vmem>>, vector<1x16xf32>,
      %get3A_181 = vector.shape_cast %get3A_180 : vector<1x16xf32> to vector<16xf32>
      %mul3A_182 = arith.mulf %get3A_26, %get3A_181 : vector<16xf32>
      %add3A_183 = arith.addf %mul3A_177, %mul3A_182 : vector<16xf32>
      %get3A_184 = arith.index_cast %scan3A_19 : i32 to index
      %get3A_185 = arith.constant 112 : index
      %get3A_186 = tpu.vector_load %arg11[%get3A_184, %get3A_185] {strides = array<i32>} : memref<64x256xf32, #tpu.memory_space<vmem>>, vector<1x16xf32>,
      %get3A_187 = vector.shape_cast %get3A_186 : vector<1x16xf32> to vector<16xf32>
      %add3A_188 = arith.addf %add3A_183, %get3A_187 : vector<16xf32>
      %swap3A_189 = arith.index_cast %scan3A_19 : i32 to index
      %swap3A_190 = arith.constant 112 : index
      %swap3A_191 = tpu.vector_load %arg13[%swap3A_189, %swap3A_190] {strides = array<i32>} : memref<64x256xf32, #tpu.memory_space<vmem>>, vector<1x16xf32>,
      %swap3A_192 = vector.shape_cast %swap3A_191 : vector<1x16xf32> to vector<16xf32>
      %swap3A_193 = vector.shape_cast %add3A_188 : vector<16xf32> to vector<1x16xf32>
      tpu.vector_store %arg13[%swap3A_189, %swap3A_190], %swap3A_193 {strides = array<i32>} : memref<64x256xf32, #tpu.memory_space<vmem>>, vector<1x16xf32>,
      %get3A_194 = arith.index_cast %scan3A_19 : i32 to index
      %get3A_195 = arith.constant 128 : index
      %get3A_196 = tpu.vector_load %arg9[%get3A_194, %get3A_195] {strides = array<i32>} : memref<64x256xf32, #tpu.memory_space<vmem>>, vector<1x16xf32>,
      %get3A_197 = vector.shape_cast %get3A_196 : vector<1x16xf32> to vector<16xf32>
      %mul3A_198 = arith.mulf %get3A_22, %get3A_197 : vector<16xf32>
      %get3A_199 = arith.index_cast %scan3A_19 : i32 to index
      %get3A_200 = arith.constant 128 : index
      %get3A_201 = tpu.vector_load %arg10[%get3A_199, %get3A_200] {strides = array<i32>} : memref<64x256xf32, #tpu.memory_space<vmem>>, vector<1x16xf32>,
      %get3A_202 = vector.shape_cast %get3A_201 : vector<1x16xf32> to vector<16xf32>
      %mul3A_203 = arith.mulf %get3A_26, %get3A_202 : vector<16xf32>
      %add3A_204 = arith.addf %mul3A_198, %mul3A_203 : vector<16xf32>
      %get3A_205 = arith.index_cast %scan3A_19 : i32 to index
      %get3A_206 = arith.constant 128 : index
      %get3A_207 = tpu.vector_load %arg11[%get3A_205, %get3A_206] {strides = array<i32>} : memref<64x256xf32, #tpu.memory_space<vmem>>, vector<1x16xf32>,
      %get3A_208 = vector.shape_cast %get3A_207 : vector<1x16xf32> to vector<16xf32>
      %add3A_209 = arith.addf %add3A_204, %get3A_208 : vector<16xf32>
      %swap3A_210 = arith.index_cast %scan3A_19 : i32 to index
      %swap3A_211 = arith.constant 128 : index
      %swap3A_212 = tpu.vector_load %arg13[%swap3A_210, %swap3A_211] {strides = array<i32>} : memref<64x256xf32, #tpu.memory_space<vmem>>, vector<1x16xf32>,
      %swap3A_213 = vector.shape_cast %swap3A_212 : vector<1x16xf32> to vector<16xf32>
      %swap3A_214 = vector.shape_cast %add3A_209 : vector<16xf32> to vector<1x16xf32>
      tpu.vector_store %arg13[%swap3A_210, %swap3A_211], %swap3A_214 {strides = array<i32>} : memref<64x256xf32, #tpu.memory_space<vmem>>, vector<1x16xf32>,
      %get3A_215 = arith.index_cast %scan3A_19 : i32 to index
      %get3A_216 = arith.constant 144 : index
      %get3A_217 = tpu.vector_load %arg9[%get3A_215, %get3A_216] {strides = array<i32>} : memref<64x256xf32, #tpu.memory_space<vmem>>, vector<1x16xf32>,
      %get3A_218 = vector.shape_cast %get3A_217 : vector<1x16xf32> to vector<16xf32>
      %mul3A_219 = arith.mulf %get3A_22, %get3A_218 : vector<16xf32>
      %get3A_220 = arith.index_cast %scan3A_19 : i32 to index
      %get3A_221 = arith.constant 144 : index
      %get3A_222 = tpu.vector_load %arg10[%get3A_220, %get3A_221] {strides = array<i32>} : memref<64x256xf32, #tpu.memory_space<vmem>>, vector<1x16xf32>,
      %get3A_223 = vector.shape_cast %get3A_222 : vector<1x16xf32> to vector<16xf32>
      %mul3A_224 = arith.mulf %get3A_26, %get3A_223 : vector<16xf32>
      %add3A_225 = arith.addf %mul3A_219, %mul3A_224 : vector<16xf32>
      %get3A_226 = arith.index_cast %scan3A_19 : i32 to index
      %get3A_227 = arith.constant 144 : index
      %get3A_228 = tpu.vector_load %arg11[%get3A_226, %get3A_227] {strides = array<i32>} : memref<64x256xf32, #tpu.memory_space<vmem>>, vector<1x16xf32>,
      %get3A_229 = vector.shape_cast %get3A_228 : vector<1x16xf32> to vector<16xf32>
      %add3A_230 = arith.addf %add3A_225, %get3A_229 : vector<16xf32>
      %swap3A_231 = arith.index_cast %scan3A_19 : i32 to index
      %swap3A_232 = arith.constant 144 : index
      %swap3A_233 = tpu.vector_load %arg13[%swap3A_231, %swap3A_232] {strides = array<i32>} : memref<64x256xf32, #tpu.memory_space<vmem>>, vector<1x16xf32>,
      %swap3A_234 = vector.shape_cast %swap3A_233 : vector<1x16xf32> to vector<16xf32>
      %swap3A_235 = vector.shape_cast %add3A_230 : vector<16xf32> to vector<1x16xf32>
      tpu.vector_store %arg13[%swap3A_231, %swap3A_232], %swap3A_235 {strides = array<i32>} : memref<64x256xf32, #tpu.memory_space<vmem>>, vector<1x16xf32>,
      %get3A_236 = arith.index_cast %scan3A_19 : i32 to index
      %get3A_237 = arith.constant 160 : index
      %get3A_238 = tpu.vector_load %arg9[%get3A_236, %get3A_237] {strides = array<i32>} : memref<64x256xf32, #tpu.memory_space<vmem>>, vector<1x16xf32>,
      %get3A_239 = vector.shape_cast %get3A_238 : vector<1x16xf32> to vector<16xf32>
      %mul3A_240 = arith.mulf %get3A_22, %get3A_239 : vector<16xf32>
      %get3A_241 = arith.index_cast %scan3A_19 : i32 to index
      %get3A_242 = arith.constant 160 : index
      %get3A_243 = tpu.vector_load %arg10[%get3A_241, %get3A_242] {strides = array<i32>} : memref<64x256xf32, #tpu.memory_space<vmem>>, vector<1x16xf32>,
      %get3A_244 = vector.shape_cast %get3A_243 : vector<1x16xf32> to vector<16xf32>
      %mul3A_245 = arith.mulf %get3A_26, %get3A_244 : vector<16xf32>
      %add3A_246 = arith.addf %mul3A_240, %mul3A_245 : vector<16xf32>
      %get3A_247 = arith.index_cast %scan3A_19 : i32 to index
      %get3A_248 = arith.constant 160 : index
      %get3A_249 = tpu.vector_load %arg11[%get3A_247, %get3A_248] {strides = array<i32>} : memref<64x256xf32, #tpu.memory_space<vmem>>, vector<1x16xf32>,
      %get3A_250 = vector.shape_cast %get3A_249 : vector<1x16xf32> to vector<16xf32>
      %add3A_251 = arith.addf %add3A_246, %get3A_250 : vector<16xf32>
      %swap3A_252 = arith.index_cast %scan3A_19 : i32 to index
      %swap3A_253 = arith.constant 160 : index
      %swap3A_254 = tpu.vector_load %arg13[%swap3A_252, %swap3A_253] {strides = array<i32>} : memref<64x256xf32, #tpu.memory_space<vmem>>, vector<1x16xf32>,
      %swap3A_255 = vector.shape_cast %swap3A_254 : vector<1x16xf32> to vector<16xf32>
      %swap3A_256 = vector.shape_cast %add3A_251 : vector<16xf32> to vector<1x16xf32>
      tpu.vector_store %arg13[%swap3A_252, %swap3A_253], %swap3A_256 {strides = array<i32>} : memref<64x256xf32, #tpu.memory_space<vmem>>, vector<1x16xf32>,
      %get3A_257 = arith.index_cast %scan3A_19 : i32 to index
      %get3A_258 = arith.constant 176 : index
      %get3A_259 = tpu.vector_load %arg9[%get3A_257, %get3A_258] {strides = array<i32>} : memref<64x256xf32, #tpu.memory_space<vmem>>, vector<1x16xf32>,
      %get3A_260 = vector.shape_cast %get3A_259 : vector<1x16xf32> to vector<16xf32>
      %mul3A_261 = arith.mulf %get3A_22, %get3A_260 : vector<16xf32>
      %get3A_262 = arith.index_cast %scan3A_19 : i32 to index
      %get3A_263 = arith.constant 176 : index
      %get3A_264 = tpu.vector_load %arg10[%get3A_262, %get3A_263] {strides = array<i32>} : memref<64x256xf32, #tpu.memory_space<vmem>>, vector<1x16xf32>,
      %get3A_265 = vector.shape_cast %get3A_264 : vector<1x16xf32> to vector<16xf32>
      %mul3A_266 = arith.mulf %get3A_26, %get3A_265 : vector<16xf32>
      %add3A_267 = arith.addf %mul3A_261, %mul3A_266 : vector<16xf32>
      %get3A_268 = arith.index_cast %scan3A_19 : i32 to index
      %get3A_269 = arith.constant 176 : index
      %get3A_270 = tpu.vector_load %arg11[%get3A_268, %get3A_269] {strides = array<i32>} : memref<64x256xf32, #tpu.memory_space<vmem>>, vector<1x16xf32>,
      %get3A_271 = vector.shape_cast %get3A_270 : vector<1x16xf32> to vector<16xf32>
      %add3A_272 = arith.addf %add3A_267, %get3A_271 : vector<16xf32>
      %swap3A_273 = arith.index_cast %scan3A_19 : i32 to index
      %swap3A_274 = arith.constant 176 : index
      %swap3A_275 = tpu.vector_load %arg13[%swap3A_273, %swap3A_274] {strides = array<i32>} : memref<64x256xf32, #tpu.memory_space<vmem>>, vector<1x16xf32>,
      %swap3A_276 = vector.shape_cast %swap3A_275 : vector<1x16xf32> to vector<16xf32>
      %swap3A_277 = vector.shape_cast %add3A_272 : vector<16xf32> to vector<1x16xf32>
      tpu.vector_store %arg13[%swap3A_273, %swap3A_274], %swap3A_277 {strides = array<i32>} : memref<64x256xf32, #tpu.memory_space<vmem>>, vector<1x16xf32>,
      %get3A_278 = arith.index_cast %scan3A_19 : i32 to index
      %get3A_279 = arith.constant 192 : index
      %get3A_280 = tpu.vector_load %arg9[%get3A_278, %get3A_279] {strides = array<i32>} : memref<64x256xf32, #tpu.memory_space<vmem>>, vector<1x16xf32>,
      %get3A_281 = vector.shape_cast %get3A_280 : vector<1x16xf32> to vector<16xf32>
      %mul3A_282 = arith.mulf %get3A_22, %get3A_281 : vector<16xf32>
      %get3A_283 = arith.index_cast %scan3A_19 : i32 to index
      %get3A_284 = arith.constant 192 : index
      %get3A_285 = tpu.vector_load %arg10[%get3A_283, %get3A_284] {strides = array<i32>} : memref<64x256xf32, #tpu.memory_space<vmem>>, vector<1x16xf32>,
      %get3A_286 = vector.shape_cast %get3A_285 : vector<1x16xf32> to vector<16xf32>
      %mul3A_287 = arith.mulf %get3A_26, %get3A_286 : vector<16xf32>
      %add3A_288 = arith.addf %mul3A_282, %mul3A_287 : vector<16xf32>
      %get3A_289 = arith.index_cast %scan3A_19 : i32 to index
      %get3A_290 = arith.constant 192 : index
      %get3A_291 = tpu.vector_load %arg11[%get3A_289, %get3A_290] {strides = array<i32>} : memref<64x256xf32, #tpu.memory_space<vmem>>, vector<1x16xf32>,
      %get3A_292 = vector.shape_cast %get3A_291 : vector<1x16xf32> to vector<16xf32>
      %add3A_293 = arith.addf %add3A_288, %get3A_292 : vector<16xf32>
      %swap3A_294 = arith.index_cast %scan3A_19 : i32 to index
      %swap3A_295 = arith.constant 192 : index
      %swap3A_296 = tpu.vector_load %arg13[%swap3A_294, %swap3A_295] {strides = array<i32>} : memref<64x256xf32, #tpu.memory_space<vmem>>, vector<1x16xf32>,
      %swap3A_297 = vector.shape_cast %swap3A_296 : vector<1x16xf32> to vector<16xf32>
      %swap3A_298 = vector.shape_cast %add3A_293 : vector<16xf32> to vector<1x16xf32>
      tpu.vector_store %arg13[%swap3A_294, %swap3A_295], %swap3A_298 {strides = array<i32>} : memref<64x256xf32, #tpu.memory_space<vmem>>, vector<1x16xf32>,
      %get3A_299 = arith.index_cast %scan3A_19 : i32 to index
      %get3A_300 = arith.constant 208 : index
      %get3A_301 = tpu.vector_load %arg9[%get3A_299, %get3A_300] {strides = array<i32>} : memref<64x256xf32, #tpu.memory_space<vmem>>, vector<1x16xf32>,
      %get3A_302 = vector.shape_cast %get3A_301 : vector<1x16xf32> to vector<16xf32>
      %mul3A_303 = arith.mulf %get3A_22, %get3A_302 : vector<16xf32>
      %get3A_304 = arith.index_cast %scan3A_19 : i32 to index
      %get3A_305 = arith.constant 208 : index
      %get3A_306 = tpu.vector_load %arg10[%get3A_304, %get3A_305] {strides = array<i32>} : memref<64x256xf32, #tpu.memory_space<vmem>>, vector<1x16xf32>,
      %get3A_307 = vector.shape_cast %get3A_306 : vector<1x16xf32> to vector<16xf32>
      %mul3A_308 = arith.mulf %get3A_26, %get3A_307 : vector<16xf32>
      %add3A_309 = arith.addf %mul3A_303, %mul3A_308 : vector<16xf32>
      %get3A_310 = arith.index_cast %scan3A_19 : i32 to index
      %get3A_311 = arith.constant 208 : index
      %get3A_312 = tpu.vector_load %arg11[%get3A_310, %get3A_311] {strides = array<i32>} : memref<64x256xf32, #tpu.memory_space<vmem>>, vector<1x16xf32>,
      %get3A_313 = vector.shape_cast %get3A_312 : vector<1x16xf32> to vector<16xf32>
      %add3A_314 = arith.addf %add3A_309, %get3A_313 : vector<16xf32>
      %swap3A_315 = arith.index_cast %scan3A_19 : i32 to index
      %swap3A_316 = arith.constant 208 : index
      %swap3A_317 = tpu.vector_load %arg13[%swap3A_315, %swap3A_316] {strides = array<i32>} : memref<64x256xf32, #tpu.memory_space<vmem>>, vector<1x16xf32>,
      %swap3A_318 = vector.shape_cast %swap3A_317 : vector<1x16xf32> to vector<16xf32>
      %swap3A_319 = vector.shape_cast %add3A_314 : vector<16xf32> to vector<1x16xf32>
      tpu.vector_store %arg13[%swap3A_315, %swap3A_316], %swap3A_319 {strides = array<i32>} : memref<64x256xf32, #tpu.memory_space<vmem>>, vector<1x16xf32>,
      %get3A_320 = arith.index_cast %scan3A_19 : i32 to index
      %get3A_321 = arith.constant 224 : index
      %get3A_322 = tpu.vector_load %arg9[%get3A_320, %get3A_321] {strides = array<i32>} : memref<64x256xf32, #tpu.memory_space<vmem>>, vector<1x16xf32>,
      %get3A_323 = vector.shape_cast %get3A_322 : vector<1x16xf32> to vector<16xf32>
      %mul3A_324 = arith.mulf %get3A_22, %get3A_323 : vector<16xf32>
      %get3A_325 = arith.index_cast %scan3A_19 : i32 to index
      %get3A_326 = arith.constant 224 : index
      %get3A_327 = tpu.vector_load %arg10[%get3A_325, %get3A_326] {strides = array<i32>} : memref<64x256xf32, #tpu.memory_space<vmem>>, vector<1x16xf32>,
      %get3A_328 = vector.shape_cast %get3A_327 : vector<1x16xf32> to vector<16xf32>
      %mul3A_329 = arith.mulf %get3A_26, %get3A_328 : vector<16xf32>
      %add3A_330 = arith.addf %mul3A_324, %mul3A_329 : vector<16xf32>
      %get3A_331 = arith.index_cast %scan3A_19 : i32 to index
      %get3A_332 = arith.constant 224 : index
      %get3A_333 = tpu.vector_load %arg11[%get3A_331, %get3A_332] {strides = array<i32>} : memref<64x256xf32, #tpu.memory_space<vmem>>, vector<1x16xf32>,
      %get3A_334 = vector.shape_cast %get3A_333 : vector<1x16xf32> to vector<16xf32>
      %add3A_335 = arith.addf %add3A_330, %get3A_334 : vector<16xf32>
      %swap3A_336 = arith.index_cast %scan3A_19 : i32 to index
      %swap3A_337 = arith.constant 224 : index
      %swap3A_338 = tpu.vector_load %arg13[%swap3A_336, %swap3A_337] {strides = array<i32>} : memref<64x256xf32, #tpu.memory_space<vmem>>, vector<1x16xf32>,
      %swap3A_339 = vector.shape_cast %swap3A_338 : vector<1x16xf32> to vector<16xf32>
      %swap3A_340 = vector.shape_cast %add3A_335 : vector<16xf32> to vector<1x16xf32>
      tpu.vector_store %arg13[%swap3A_336, %swap3A_337], %swap3A_340 {strides = array<i32>} : memref<64x256xf32, #tpu.memory_space<vmem>>, vector<1x16xf32>,
      %get3A_341 = arith.index_cast %scan3A_19 : i32 to index
      %get3A_342 = arith.constant 240 : index
      %get3A_343 = tpu.vector_load %arg9[%get3A_341, %get3A_342] {strides = array<i32>} : memref<64x256xf32, #tpu.memory_space<vmem>>, vector<1x16xf32>,
      %get3A_344 = vector.shape_cast %get3A_343 : vector<1x16xf32> to vector<16xf32>
      %mul3A_345 = arith.mulf %get3A_22, %get3A_344 : vector<16xf32>
      %get3A_346 = arith.index_cast %scan3A_19 : i32 to index
      %get3A_347 = arith.constant 240 : index
      %get3A_348 = tpu.vector_load %arg10[%get3A_346, %get3A_347] {strides = array<i32>} : memref<64x256xf32, #tpu.memory_space<vmem>>, vector<1x16xf32>,
      %get3A_349 = vector.shape_cast %get3A_348 : vector<1x16xf32> to vector<16xf32>
      %mul3A_350 = arith.mulf %get3A_26, %get3A_349 : vector<16xf32>
      %add3A_351 = arith.addf %mul3A_345, %mul3A_350 : vector<16xf32>
      %get3A_352 = arith.index_cast %scan3A_19 : i32 to index
      %get3A_353 = arith.constant 240 : index
      %get3A_354 = tpu.vector_load %arg11[%get3A_352, %get3A_353] {strides = array<i32>} : memref<64x256xf32, #tpu.memory_space<vmem>>, vector<1x16xf32>,
      %get3A_355 = vector.shape_cast %get3A_354 : vector<1x16xf32> to vector<16xf32>
      %add3A_356 = arith.addf %add3A_351, %get3A_355 : vector<16xf32>
      %swap3A_357 = arith.index_cast %scan3A_19 : i32 to index
      %swap3A_358 = arith.constant 240 : index
      %swap3A_359 = tpu.vector_load %arg13[%swap3A_357, %swap3A_358] {strides = array<i32>} : memref<64x256xf32, #tpu.memory_space<vmem>>, vector<1x16xf32>,
      %swap3A_360 = vector.shape_cast %swap3A_359 : vector<1x16xf32> to vector<16xf32>
      %swap3A_361 = vector.shape_cast %add3A_356 : vector<16xf32> to vector<1x16xf32>
      tpu.vector_store %arg13[%swap3A_357, %swap3A_358], %swap3A_361 {strides = array<i32>} : memref<64x256xf32, #tpu.memory_space<vmem>>, vector<1x16xf32>,
    }
    %scan3A_18 = arith.constant 64 : i32
    "tpu.region"() ({
      %run_scoped3A_19 = tpu.sem_alloc : memref<!tpu.dma_semaphore, #tpu.memory_space<semaphore_mem>>
      %dma_start3A_20 = arith.constant 0 : i32
      %dma_start3A_21 = tpu.memref_slice %arg6[%mul3A_2, %dma_start3A_20] : memref<2048x256xf32, #tpu.memory_space<hbm>> -> memref<64x256xf32, #tpu.memory_space<hbm>>
      %dma_start3A_22 = arith.constant 0 : i32
      %dma_start3A_23 = tpu.memref_slice %arg6[%mul3A_2, %dma_start3A_22] : memref<2048x256xf32, #tpu.memory_space<hbm>> -> memref<64x256xf32, #tpu.memory_space<hbm>>
      tpu.enqueue_dma source(%arg13 : memref<64x256xf32, #tpu.memory_space<vmem>>) target(%dma_start3A_23 : memref<64x256xf32, #tpu.memory_space<hbm>>) target_semaphore(%run_scoped3A_19 : memref<!tpu.dma_semaphore, #tpu.memory_space<semaphore_mem>>)
      %dma_wait3A_24 = arith.constant 0 : i32
      %dma_wait3A_25 = tpu.memref_slice %arg6[%mul3A_2, %dma_wait3A_24] : memref<2048x256xf32, #tpu.memory_space<hbm>> -> memref<64x256xf32, #tpu.memory_space<hbm>>
      %dma_wait3A_26 = arith.constant 0 : i32
      %dma_wait3A_27 = tpu.memref_slice %arg6[%mul3A_2, %dma_wait3A_26] : memref<2048x256xf32, #tpu.memory_space<hbm>> -> memref<64x256xf32, #tpu.memory_space<hbm>>
      tpu.wait_dma2 semaphore(%run_scoped3A_19 : memref<!tpu.dma_semaphore, #tpu.memory_space<semaphore_mem>>) src(%arg13 : memref<64x256xf32, #tpu.memory_space<vmem>>) dst(%dma_wait3A_27 : memref<64x256xf32, #tpu.memory_space<hbm>>)
      tpu.yield
    }) : () -> ()
    return
  }
}

#map = affine_map<(d0, d1) -> (0, 0)>
#map1 = affine_map<(d0, d1) -> (0, 0, 0)>
module attributes {stable_mosaic.version = 14 : i64} {
  func.func @_dispatch_body(%arg0: i32, %arg1: i32, %arg2: memref<2048x256xf32, #tpu.memory_space<hbm>>, %arg3: memref<32x2x64xi32, #tpu.memory_space<hbm>>, %arg4: memref<4096x256xf32, #tpu.memory_space<hbm>>, %arg5: memref<64xi32, #tpu.memory_space<vmem>>, %arg6: memref<64xi32, #tpu.memory_space<vmem>>, %arg7: memref<64x256xf32, #tpu.memory_space<vmem>>, %arg8: memref<!tpu.dma_semaphore, #tpu.memory_space<semaphore_mem>>, %arg9: memref<!tpu.dma_semaphore, #tpu.memory_space<semaphore_mem>>) attributes {dimension_semantics = [#tpu.dimension_semantics<core_parallel>, #tpu.dimension_semantics<subcore_parallel>], iteration_bounds = array<i64: 2, 16>, scalar_prefetch = 0 : i64, scratch_operands = 5 : i64, tpu.core_type = #tpu.core_type<sc_vector_subcore>, window_params = [{transform_indices = #map}, {transform_indices = #map1}, {transform_indices = #map}]} {
    %mul3A = arith.constant 2 : i32
    %mul3A_0 = arith.muli %arg1, %mul3A : i32
    %add3A = arith.addi %mul3A_0, %arg0 : i32
    %mul3A_1 = arith.constant 64 : i32
    %mul3A_2 = arith.muli %add3A, %mul3A_1 : i32
    "tpu.region"() ({
      %run_scoped3A_14 = tpu.sem_alloc : memref<!tpu.dma_semaphore, #tpu.memory_space<semaphore_mem>>
      %dma_start3A_15 = arith.constant 0 : i32
      %dma_start3A_16 = tpu.memref_slice %arg2[%mul3A_2, %dma_start3A_15] : memref<2048x256xf32, #tpu.memory_space<hbm>> -> memref<64x256xf32, #tpu.memory_space<hbm>>
      %dma_start3A_17 = arith.constant 0 : i32
      %dma_start3A_18 = tpu.memref_slice %arg2[%mul3A_2, %dma_start3A_17] : memref<2048x256xf32, #tpu.memory_space<hbm>> -> memref<64x256xf32, #tpu.memory_space<hbm>>
      tpu.enqueue_dma source(%dma_start3A_18 : memref<64x256xf32, #tpu.memory_space<hbm>>) target(%arg7 : memref<64x256xf32, #tpu.memory_space<vmem>>) target_semaphore(%run_scoped3A_14 : memref<!tpu.dma_semaphore, #tpu.memory_space<semaphore_mem>>)
      %dma_wait3A_19 = arith.constant 0 : i32
      %dma_wait3A_20 = tpu.memref_slice %arg2[%mul3A_2, %dma_wait3A_19] : memref<2048x256xf32, #tpu.memory_space<hbm>> -> memref<64x256xf32, #tpu.memory_space<hbm>>
      %dma_wait3A_21 = arith.constant 0 : i32
      %dma_wait3A_22 = tpu.memref_slice %arg2[%mul3A_2, %dma_wait3A_21] : memref<2048x256xf32, #tpu.memory_space<hbm>> -> memref<64x256xf32, #tpu.memory_space<hbm>>
      tpu.wait_dma2 semaphore(%run_scoped3A_14 : memref<!tpu.dma_semaphore, #tpu.memory_space<semaphore_mem>>) src(%dma_wait3A_22 : memref<64x256xf32, #tpu.memory_space<hbm>>) dst(%arg7 : memref<64x256xf32, #tpu.memory_space<vmem>>)
      tpu.yield
    }) : () -> ()
    %run_scoped3A = arith.constant 0 : i32
    "tpu.region"() ({
      %run_scoped3A_14 = tpu.sem_alloc : memref<!tpu.dma_semaphore, #tpu.memory_space<semaphore_mem>>
      %dma_start3A_15 = arith.constant 0 : i32
      %dma_start3A_16 = tpu.memref_slice %arg3[%add3A, %run_scoped3A, %dma_start3A_15] : memref<32x2x64xi32, #tpu.memory_space<hbm>> -> memref<1x1x64xi32, #tpu.memory_space<hbm>>
      %dma_start3A_17 = tpu.memref_squeeze %dma_start3A_16 : memref<1x1x64xi32, #tpu.memory_space<hbm>> -> memref<64xi32, #tpu.memory_space<hbm>>
      %dma_start3A_18 = arith.constant 0 : i32
      %dma_start3A_19 = tpu.memref_slice %arg3[%add3A, %run_scoped3A, %dma_start3A_18] : memref<32x2x64xi32, #tpu.memory_space<hbm>> -> memref<1x1x64xi32, #tpu.memory_space<hbm>>
      %dma_start3A_20 = tpu.memref_squeeze %dma_start3A_19 : memref<1x1x64xi32, #tpu.memory_space<hbm>> -> memref<64xi32, #tpu.memory_space<hbm>>
      tpu.enqueue_dma source(%dma_start3A_20 : memref<64xi32, #tpu.memory_space<hbm>>) target(%arg5 : memref<64xi32, #tpu.memory_space<vmem>>) target_semaphore(%run_scoped3A_14 : memref<!tpu.dma_semaphore, #tpu.memory_space<semaphore_mem>>)
      %dma_wait3A_21 = arith.constant 0 : i32
      %dma_wait3A_22 = tpu.memref_slice %arg3[%add3A, %run_scoped3A, %dma_wait3A_21] : memref<32x2x64xi32, #tpu.memory_space<hbm>> -> memref<1x1x64xi32, #tpu.memory_space<hbm>>
      %dma_wait3A_23 = tpu.memref_squeeze %dma_wait3A_22 : memref<1x1x64xi32, #tpu.memory_space<hbm>> -> memref<64xi32, #tpu.memory_space<hbm>>
      %dma_wait3A_24 = arith.constant 0 : i32
      %dma_wait3A_25 = tpu.memref_slice %arg3[%add3A, %run_scoped3A, %dma_wait3A_24] : memref<32x2x64xi32, #tpu.memory_space<hbm>> -> memref<1x1x64xi32, #tpu.memory_space<hbm>>
      %dma_wait3A_26 = tpu.memref_squeeze %dma_wait3A_25 : memref<1x1x64xi32, #tpu.memory_space<hbm>> -> memref<64xi32, #tpu.memory_space<hbm>>
      tpu.wait_dma2 semaphore(%run_scoped3A_14 : memref<!tpu.dma_semaphore, #tpu.memory_space<semaphore_mem>>) src(%dma_wait3A_26 : memref<64xi32, #tpu.memory_space<hbm>>) dst(%arg5 : memref<64xi32, #tpu.memory_space<vmem>>)
      tpu.yield
    }) : () -> ()
    %run_scoped3A_3 = arith.constant 1 : i32
    "tpu.region"() ({
      %run_scoped3A_14 = tpu.sem_alloc : memref<!tpu.dma_semaphore, #tpu.memory_space<semaphore_mem>>
      %dma_start3A_15 = arith.constant 0 : i32
      %dma_start3A_16 = tpu.memref_slice %arg3[%add3A, %run_scoped3A_3, %dma_start3A_15] : memref<32x2x64xi32, #tpu.memory_space<hbm>> -> memref<1x1x64xi32, #tpu.memory_space<hbm>>
      %dma_start3A_17 = tpu.memref_squeeze %dma_start3A_16 : memref<1x1x64xi32, #tpu.memory_space<hbm>> -> memref<64xi32, #tpu.memory_space<hbm>>
      %dma_start3A_18 = arith.constant 0 : i32
      %dma_start3A_19 = tpu.memref_slice %arg3[%add3A, %run_scoped3A_3, %dma_start3A_18] : memref<32x2x64xi32, #tpu.memory_space<hbm>> -> memref<1x1x64xi32, #tpu.memory_space<hbm>>
      %dma_start3A_20 = tpu.memref_squeeze %dma_start3A_19 : memref<1x1x64xi32, #tpu.memory_space<hbm>> -> memref<64xi32, #tpu.memory_space<hbm>>
      tpu.enqueue_dma source(%dma_start3A_20 : memref<64xi32, #tpu.memory_space<hbm>>) target(%arg6 : memref<64xi32, #tpu.memory_space<vmem>>) target_semaphore(%run_scoped3A_14 : memref<!tpu.dma_semaphore, #tpu.memory_space<semaphore_mem>>)
      %dma_wait3A_21 = arith.constant 0 : i32
      %dma_wait3A_22 = tpu.memref_slice %arg3[%add3A, %run_scoped3A_3, %dma_wait3A_21] : memref<32x2x64xi32, #tpu.memory_space<hbm>> -> memref<1x1x64xi32, #tpu.memory_space<hbm>>
      %dma_wait3A_23 = tpu.memref_squeeze %dma_wait3A_22 : memref<1x1x64xi32, #tpu.memory_space<hbm>> -> memref<64xi32, #tpu.memory_space<hbm>>
      %dma_wait3A_24 = arith.constant 0 : i32
      %dma_wait3A_25 = tpu.memref_slice %arg3[%add3A, %run_scoped3A_3, %dma_wait3A_24] : memref<32x2x64xi32, #tpu.memory_space<hbm>> -> memref<1x1x64xi32, #tpu.memory_space<hbm>>
      %dma_wait3A_26 = tpu.memref_squeeze %dma_wait3A_25 : memref<1x1x64xi32, #tpu.memory_space<hbm>> -> memref<64xi32, #tpu.memory_space<hbm>>
      tpu.wait_dma2 semaphore(%run_scoped3A_14 : memref<!tpu.dma_semaphore, #tpu.memory_space<semaphore_mem>>) src(%dma_wait3A_26 : memref<64xi32, #tpu.memory_space<hbm>>) dst(%arg6 : memref<64xi32, #tpu.memory_space<vmem>>)
      tpu.yield
    }) : () -> ()
    %dma_start3A = arith.constant 0 : i32
    %dma_start3A_4 = arith.constant 0 : i32
    %dma_start3A_5 = tpu.memref_slice %arg4[%dma_start3A, %dma_start3A_4] : memref<4096x256xf32, #tpu.memory_space<hbm>> -> memref<4096x256xf32, #tpu.memory_space<hbm>>
    tpu.enqueue_indirect_dma source(%arg7 : memref<64x256xf32, #tpu.memory_space<vmem>>) target(%dma_start3A_5 : memref<4096x256xf32, #tpu.memory_space<hbm>>) offsets(%arg5 : memref<64xi32, #tpu.memory_space<vmem>>) semaphore(%arg8 : memref<!tpu.dma_semaphore, #tpu.memory_space<semaphore_mem>>)
    %dma_start3A_6 = arith.constant 0 : i32
    %dma_start3A_7 = arith.constant 0 : i32
    %dma_start3A_8 = tpu.memref_slice %arg4[%dma_start3A_6, %dma_start3A_7] : memref<4096x256xf32, #tpu.memory_space<hbm>> -> memref<4096x256xf32, #tpu.memory_space<hbm>>
    tpu.enqueue_indirect_dma source(%arg7 : memref<64x256xf32, #tpu.memory_space<vmem>>) target(%dma_start3A_8 : memref<4096x256xf32, #tpu.memory_space<hbm>>) offsets(%arg6 : memref<64xi32, #tpu.memory_space<vmem>>) semaphore(%arg9 : memref<!tpu.dma_semaphore, #tpu.memory_space<semaphore_mem>>)
    %dma_wait3A = arith.constant 0 : i32
    %dma_wait3A_9 = arith.constant 0 : i32
    %dma_wait3A_10 = tpu.memref_slice %arg4[%dma_wait3A, %dma_wait3A_9] : memref<4096x256xf32, #tpu.memory_space<hbm>> -> memref<4096x256xf32, #tpu.memory_space<hbm>>
    tpu.wait_indirect_dma semaphore(%arg8 : memref<!tpu.dma_semaphore, #tpu.memory_space<semaphore_mem>>) src(%arg7 : memref<64x256xf32, #tpu.memory_space<vmem>>) dst(%dma_wait3A_10 : memref<4096x256xf32, #tpu.memory_space<hbm>>)
    %dma_wait3A_11 = arith.constant 0 : i32
    %dma_wait3A_12 = arith.constant 0 : i32
    %dma_wait3A_13 = tpu.memref_slice %arg4[%dma_wait3A_11, %dma_wait3A_12] : memref<4096x256xf32, #tpu.memory_space<hbm>> -> memref<4096x256xf32, #tpu.memory_space<hbm>>
    tpu.wait_indirect_dma semaphore(%arg9 : memref<!tpu.dma_semaphore, #tpu.memory_space<semaphore_mem>>) src(%arg7 : memref<64x256xf32, #tpu.memory_space<vmem>>) dst(%dma_wait3A_13 : memref<4096x256xf32, #tpu.memory_space<hbm>>)
    return
  }
}

module attributes {stable_mosaic.version = 14 : i64} {
  func.func @_front_body(%arg0: memref<2048x211xf32, #tpu.memory_space<vmem>>, %arg1: memref<211x128xf32, #tpu.memory_space<vmem>>, %arg2: memref<1x128xf32, #tpu.memory_space<vmem>>, %arg3: memref<1x211xf32, #tpu.memory_space<vmem>>, %arg4: memref<1x211xf32, #tpu.memory_space<vmem>>, %arg5: memref<211x256xf32, #tpu.memory_space<vmem>>, %arg6: memref<1x256xf32, #tpu.memory_space<vmem>>, %arg7: memref<211x256xf32, #tpu.memory_space<vmem>>, %arg8: memref<1x256xf32, #tpu.memory_space<vmem>>, %arg9: memref<256x211xf32, #tpu.memory_space<vmem>>, %arg10: memref<1x211xf32, #tpu.memory_space<vmem>>, %arg11: memref<2048x256xf32, #tpu.memory_space<vmem>>, %arg12: memref<2048x256xf32, #tpu.memory_space<vmem>>, %arg13: memref<2048x32xf32, #tpu.memory_space<vmem>>, %arg14: memref<4096x1xi32, #tpu.memory_space<vmem>>, %arg15: memref<128x1xi32, #tpu.memory_space<vmem>>, %arg16: memref<128x1xi32, #tpu.memory_space<vmem>>, %arg17: memref<128x1xi32, #tpu.memory_space<vmem>>, %arg18: memref<128x1xi32, #tpu.memory_space<vmem>>) attributes {dimension_semantics = [], scalar_prefetch = 0 : i64, scratch_operands = 0 : i64, tpu.core_type = #tpu.core_type<tc>} {
    %get3A = arith.constant 0 : index
    %get3A_0 = arith.constant 0 : index
    %get3A_1 = vector.load %arg0[%get3A, %get3A_0] : memref<2048x211xf32, #tpu.memory_space<vmem>>, vector<2048x211xf32>
    %reduce_sum3A = arith.constant dense<0.000000e+00> : vector<2048xf32>
    %reduce_sum3A_2 = vector.multi_reduction <add>, %get3A_1, %reduce_sum3A [1] : vector<2048x211xf32> to vector<2048xf32>
    %broadcast_in_dim3A = vector.shape_cast %reduce_sum3A_2 : vector<2048xf32> to vector<2048x1xf32>
    %div3A = arith.constant 2.110000e+02 : f32
    %div3A_3 = vector.broadcast %div3A : f32 to vector<2048x1xf32>
    %div3A_4 = arith.divf %broadcast_in_dim3A, %div3A_3 : vector<2048x1xf32>
    %sub3A = vector.broadcast %div3A_4 : vector<2048x1xf32> to vector<2048x211xf32>
    %sub3A_5 = arith.subf %get3A_1, %sub3A : vector<2048x211xf32>
    %mul3A = arith.mulf %sub3A_5, %sub3A_5 : vector<2048x211xf32>
    %reduce_sum3A_6 = arith.constant dense<0.000000e+00> : vector<2048xf32>
    %reduce_sum3A_7 = vector.multi_reduction <add>, %mul3A, %reduce_sum3A_6 [1] : vector<2048x211xf32> to vector<2048xf32>
    %broadcast_in_dim3A_8 = vector.shape_cast %reduce_sum3A_7 : vector<2048xf32> to vector<2048x1xf32>
    %div3A_9 = arith.constant 2.110000e+02 : f32
    %div3A_10 = vector.broadcast %div3A_9 : f32 to vector<2048x1xf32>
    %div3A_11 = arith.divf %broadcast_in_dim3A_8, %div3A_10 : vector<2048x1xf32>
    %add3A = arith.constant 9.99999974E-6 : f32
    %add3A_12 = vector.broadcast %add3A : f32 to vector<2048x1xf32>
    %add3A_13 = arith.addf %div3A_11, %add3A_12 : vector<2048x1xf32>
    %rsqrt3A = math.rsqrt %add3A_13 : vector<2048x1xf32>
    %mul3A_14 = vector.broadcast %rsqrt3A : vector<2048x1xf32> to vector<2048x211xf32>
    %mul3A_15 = arith.mulf %sub3A_5, %mul3A_14 : vector<2048x211xf32>
    %jit3A = arith.constant 0 : i32
    %convert_element_type3A = arith.sitofp %jit3A : i32 to f32
    %pad3A = vector.broadcast %convert_element_type3A : f32 to vector<2048x45xf32>
    %pad3A_16 = tpu.concatenate %mul3A_15, %pad3A in 1 : vector<2048x211xf32>, vector<2048x45xf32> -> vector<2048x256xf32>
    %swap3A = arith.constant 0 : index
    %swap3A_17 = arith.constant 0 : index
    %swap3A_18 = vector.load %arg11[%swap3A, %swap3A_17] : memref<2048x256xf32, #tpu.memory_space<vmem>>, vector<2048x256xf32>
    tpu.vector_store %arg11[%swap3A, %swap3A_17], %pad3A_16 {strides = array<i32>} : memref<2048x256xf32, #tpu.memory_space<vmem>>, vector<2048x256xf32>,
    %get3A_19 = arith.constant 0 : index
    %get3A_20 = arith.constant 0 : index
    %get3A_21 = vector.load %arg1[%get3A_19, %get3A_20] : memref<211x128xf32, #tpu.memory_space<vmem>>, vector<211x128xf32>
    %dot_general3A = arith.constant dense<0.000000e+00> : vector<2048x128xf32>
    %dot_general3A_22 = tpu.matmul %get3A_1, %get3A_21, %dot_general3A {dimension_numbers = #tpu.dot_dimension_numbers<[1], [0], [0], [1], [0, 0, 1, 1], [], []>, transpose_lhs_hint = false} : vector<2048x211xf32>, vector<211x128xf32>, vector<2048x128xf32> -> vector<2048x128xf32>
    %get3A_23 = arith.constant 0 : index
    %get3A_24 = arith.constant 0 : index
    %get3A_25 = vector.load %arg2[%get3A_23, %get3A_24] : memref<1x128xf32, #tpu.memory_space<vmem>>, vector<1x128xf32>
    %get3A_26 = vector.shape_cast %get3A_25 : vector<1x128xf32> to vector<128xf32>
    %broadcast_in_dim3A_27 = vector.shape_cast %get3A_26 : vector<128xf32> to vector<1x128xf32>
    %add3A_28 = vector.broadcast %broadcast_in_dim3A_27 : vector<1x128xf32> to vector<2048x128xf32>
    %add3A_29 = arith.addf %dot_general3A_22, %add3A_28 : vector<2048x128xf32>
    %logistic3A = arith.negf %add3A_29 : vector<2048x128xf32>
    %logistic3A_30 = math.exp %logistic3A : vector<2048x128xf32>
    %logistic3A_31 = arith.constant 1.000000e+00 : f32
    %logistic3A_32 = vector.broadcast %logistic3A_31 : f32 to vector<2048x128xf32>
    %logistic3A_33 = arith.addf %logistic3A_32, %logistic3A_30 : vector<2048x128xf32>
    %logistic3A_34 = arith.divf %logistic3A_32, %logistic3A_33 : vector<2048x128xf32>
    %iota3A = tpu.iota {dimensions = array<i32: 1>} : vector<2048x128xi32>
    %lt3A = arith.constant 100 : i32
    %lt3A_35 = vector.broadcast %lt3A : i32 to vector<2048x128xi32>
    %lt3A_36 = arith.cmpi slt, %iota3A, %lt3A_35 : vector<2048x128xi32>
    %jit3A_37 = arith.constant -1.000000e+00 : f32
    %broadcast_in_dim3A_38 = vector.broadcast %jit3A_37 : f32 to vector<2048x128xf32>
    %select_n3A = arith.select %lt3A_36, %logistic3A_34, %broadcast_in_dim3A_38 : vector<2048x128xi1>, vector<2048x128xf32>
    %reduce_max3A = arith.constant dense<0xFF800000> : vector<2048xf32>
    %reduce_max3A_39 = vector.multi_reduction <maximumf>, %select_n3A, %reduce_max3A [1] : vector<2048x128xf32> to vector<2048xf32>
    %broadcast_in_dim3A_40 = vector.shape_cast %reduce_max3A_39 : vector<2048xf32> to vector<2048x1xf32>
    %eq3A = vector.broadcast %broadcast_in_dim3A_40 : vector<2048x1xf32> to vector<2048x128xf32>
    %eq3A_41 = arith.cmpf oeq, %select_n3A, %eq3A : vector<2048x128xf32>
    %jit3A_42 = arith.constant 128 : i32
    %broadcast_in_dim3A_43 = vector.broadcast %jit3A_42 : i32 to vector<2048x128xi32>
    %select_n3A_44 = arith.select %eq3A_41, %iota3A, %broadcast_in_dim3A_43 : vector<2048x128xi1>, vector<2048x128xi32>
    %reduce_min3A = arith.constant dense<2147483647> : vector<2048xi32>
    %reduce_min3A_45 = vector.multi_reduction <minsi>, %select_n3A_44, %reduce_min3A [1] : vector<2048x128xi32> to vector<2048xi32>
    %broadcast_in_dim3A_46 = vector.shape_cast %reduce_min3A_45 : vector<2048xi32> to vector<2048x1xi32>
    %eq3A_47 = vector.broadcast %broadcast_in_dim3A_46 : vector<2048x1xi32> to vector<2048x128xi32>
    %eq3A_48 = arith.cmpi eq, %iota3A, %eq3A_47 : vector<2048x128xi32>
    %jit3A_49 = arith.constant -1.000000e+00 : f32
    %broadcast_in_dim3A_50 = vector.broadcast %jit3A_49 : f32 to vector<2048x128xf32>
    %select_n3A_51 = arith.select %eq3A_48, %broadcast_in_dim3A_50, %select_n3A : vector<2048x128xi1>, vector<2048x128xf32>
    %reduce_max3A_52 = arith.constant dense<0xFF800000> : vector<2048xf32>
    %reduce_max3A_53 = vector.multi_reduction <maximumf>, %select_n3A_51, %reduce_max3A_52 [1] : vector<2048x128xf32> to vector<2048xf32>
    %broadcast_in_dim3A_54 = vector.shape_cast %reduce_max3A_53 : vector<2048xf32> to vector<2048x1xf32>
    %eq3A_55 = vector.broadcast %broadcast_in_dim3A_54 : vector<2048x1xf32> to vector<2048x128xf32>
    %eq3A_56 = arith.cmpf oeq, %select_n3A_51, %eq3A_55 : vector<2048x128xf32>
    %jit3A_57 = arith.constant 128 : i32
    %broadcast_in_dim3A_58 = vector.broadcast %jit3A_57 : i32 to vector<2048x128xi32>
    %select_n3A_59 = arith.select %eq3A_56, %iota3A, %broadcast_in_dim3A_58 : vector<2048x128xi1>, vector<2048x128xi32>
    %reduce_min3A_60 = arith.constant dense<2147483647> : vector<2048xi32>
    %reduce_min3A_61 = vector.multi_reduction <minsi>, %select_n3A_59, %reduce_min3A_60 [1] : vector<2048x128xi32> to vector<2048xi32>
    %broadcast_in_dim3A_62 = vector.shape_cast %reduce_min3A_61 : vector<2048xi32> to vector<2048x1xi32>
    %add3A_63 = arith.addf %broadcast_in_dim3A_40, %broadcast_in_dim3A_54 : vector<2048x1xf32>
    %iota3A_64 = tpu.iota {dimensions = array<i32: 1>} : vector<2048x32xi32>
    %lt3A_65 = arith.constant 16 : i32
    %lt3A_66 = vector.broadcast %lt3A_65 : i32 to vector<2048x32xi32>
    %lt3A_67 = arith.cmpi slt, %iota3A_64, %lt3A_66 : vector<2048x32xi32>
    %div3A_68 = arith.divf %broadcast_in_dim3A_40, %add3A_63 : vector<2048x1xf32>
    %div3A_69 = arith.divf %broadcast_in_dim3A_54, %add3A_63 : vector<2048x1xf32>
    %broadcast_in_dim3A_70 = vector.shape_cast %div3A_68 : vector<2048x1xf32> to vector<2048x1xf32>
    %broadcast_in_dim3A_71 = vector.broadcast %broadcast_in_dim3A_70 : vector<2048x1xf32> to vector<2048x32xf32>
    %broadcast_in_dim3A_72 = vector.shape_cast %div3A_69 : vector<2048x1xf32> to vector<2048x1xf32>
    %broadcast_in_dim3A_73 = vector.broadcast %broadcast_in_dim3A_72 : vector<2048x1xf32> to vector<2048x32xf32>
    %select_n3A_74 = arith.select %lt3A_67, %broadcast_in_dim3A_71, %broadcast_in_dim3A_73 : vector<2048x32xi1>, vector<2048x32xf32>
    %swap3A_75 = arith.constant 0 : index
    %swap3A_76 = arith.constant 0 : index
    %swap3A_77 = vector.load %arg13[%swap3A_75, %swap3A_76] : memref<2048x32xf32, #tpu.memory_space<vmem>>, vector<2048x32xf32>
    tpu.vector_store %arg13[%swap3A_75, %swap3A_76], %select_n3A_74 {strides = array<i32>} : memref<2048x32xf32, #tpu.memory_space<vmem>>, vector<2048x32xf32>,
    %get3A_78 = arith.constant 0 : index
    %get3A_79 = arith.constant 0 : index
    %get3A_80 = vector.load %arg3[%get3A_78, %get3A_79] : memref<1x211xf32, #tpu.memory_space<vmem>>, vector<1x211xf32>
    %get3A_81 = vector.shape_cast %get3A_80 : vector<1x211xf32> to vector<211xf32>
    %broadcast_in_dim3A_82 = vector.shape_cast %get3A_81 : vector<211xf32> to vector<1x211xf32>
    %mul3A_83 = vector.broadcast %broadcast_in_dim3A_82 : vector<1x211xf32> to vector<2048x211xf32>
    %mul3A_84 = arith.mulf %mul3A_15, %mul3A_83 : vector<2048x211xf32>
    %get3A_85 = arith.constant 0 : index
    %get3A_86 = arith.constant 0 : index
    %get3A_87 = vector.load %arg4[%get3A_85, %get3A_86] : memref<1x211xf32, #tpu.memory_space<vmem>>, vector<1x211xf32>
    %get3A_88 = vector.shape_cast %get3A_87 : vector<1x211xf32> to vector<211xf32>
    %broadcast_in_dim3A_89 = vector.shape_cast %get3A_88 : vector<211xf32> to vector<1x211xf32>
    %add3A_90 = vector.broadcast %broadcast_in_dim3A_89 : vector<1x211xf32> to vector<2048x211xf32>
    %add3A_91 = arith.addf %mul3A_84, %add3A_90 : vector<2048x211xf32>
    %get3A_92 = arith.constant 0 : index
    %get3A_93 = arith.constant 0 : index
    %get3A_94 = vector.load %arg5[%get3A_92, %get3A_93] : memref<211x256xf32, #tpu.memory_space<vmem>>, vector<211x256xf32>
    %dot_general3A_95 = arith.constant dense<0.000000e+00> : vector<2048x256xf32>
    %dot_general3A_96 = tpu.matmul %add3A_91, %get3A_94, %dot_general3A_95 {dimension_numbers = #tpu.dot_dimension_numbers<[1], [0], [0], [1], [0, 0, 1, 1], [], []>, transpose_lhs_hint = false} : vector<2048x211xf32>, vector<211x256xf32>, vector<2048x256xf32> -> vector<2048x256xf32>
    %get3A_97 = arith.constant 0 : index
    %get3A_98 = arith.constant 0 : index
    %get3A_99 = vector.load %arg6[%get3A_97, %get3A_98] : memref<1x256xf32, #tpu.memory_space<vmem>>, vector<1x256xf32>
    %get3A_100 = vector.shape_cast %get3A_99 : vector<1x256xf32> to vector<256xf32>
    %broadcast_in_dim3A_101 = vector.shape_cast %get3A_100 : vector<256xf32> to vector<1x256xf32>
    %add3A_102 = vector.broadcast %broadcast_in_dim3A_101 : vector<1x256xf32> to vector<2048x256xf32>
    %add3A_103 = arith.addf %dot_general3A_96, %add3A_102 : vector<2048x256xf32>
    %get3A_104 = arith.constant 0 : index
    %get3A_105 = arith.constant 0 : index
    %get3A_106 = vector.load %arg7[%get3A_104, %get3A_105] : memref<211x256xf32, #tpu.memory_space<vmem>>, vector<211x256xf32>
    %dot_general3A_107 = arith.constant dense<0.000000e+00> : vector<2048x256xf32>
    %dot_general3A_108 = tpu.matmul %add3A_91, %get3A_106, %dot_general3A_107 {dimension_numbers = #tpu.dot_dimension_numbers<[1], [0], [0], [1], [0, 0, 1, 1], [], []>, transpose_lhs_hint = false} : vector<2048x211xf32>, vector<211x256xf32>, vector<2048x256xf32> -> vector<2048x256xf32>
    %get3A_109 = arith.constant 0 : index
    %get3A_110 = arith.constant 0 : index
    %get3A_111 = vector.load %arg8[%get3A_109, %get3A_110] : memref<1x256xf32, #tpu.memory_space<vmem>>, vector<1x256xf32>
    %get3A_112 = vector.shape_cast %get3A_111 : vector<1x256xf32> to vector<256xf32>
    %broadcast_in_dim3A_113 = vector.shape_cast %get3A_112 : vector<256xf32> to vector<1x256xf32>
    %add3A_114 = vector.broadcast %broadcast_in_dim3A_113 : vector<1x256xf32> to vector<2048x256xf32>
    %add3A_115 = arith.addf %dot_general3A_108, %add3A_114 : vector<2048x256xf32>
    %logistic3A_116 = arith.negf %add3A_103 : vector<2048x256xf32>
    %logistic3A_117 = math.exp %logistic3A_116 : vector<2048x256xf32>
    %logistic3A_118 = arith.constant 1.000000e+00 : f32
    %logistic3A_119 = vector.broadcast %logistic3A_118 : f32 to vector<2048x256xf32>
    %logistic3A_120 = arith.addf %logistic3A_119, %logistic3A_117 : vector<2048x256xf32>
    %logistic3A_121 = arith.divf %logistic3A_119, %logistic3A_120 : vector<2048x256xf32>
    %mul3A_122 = arith.mulf %add3A_103, %logistic3A_121 : vector<2048x256xf32>
    %mul3A_123 = arith.mulf %mul3A_122, %add3A_115 : vector<2048x256xf32>
    %get3A_124 = arith.constant 0 : index
    %get3A_125 = arith.constant 0 : index
    %get3A_126 = vector.load %arg9[%get3A_124, %get3A_125] : memref<256x211xf32, #tpu.memory_space<vmem>>, vector<256x211xf32>
    %dot_general3A_127 = arith.constant dense<0.000000e+00> : vector<2048x211xf32>
    %dot_general3A_128 = tpu.matmul %mul3A_123, %get3A_126, %dot_general3A_127 {dimension_numbers = #tpu.dot_dimension_numbers<[1], [0], [0], [1], [0, 0, 1, 1], [], []>, transpose_lhs_hint = false} : vector<2048x256xf32>, vector<256x211xf32>, vector<2048x211xf32> -> vector<2048x211xf32>
    %get3A_129 = arith.constant 0 : index
    %get3A_130 = arith.constant 0 : index
    %get3A_131 = vector.load %arg10[%get3A_129, %get3A_130] : memref<1x211xf32, #tpu.memory_space<vmem>>, vector<1x211xf32>
    %get3A_132 = vector.shape_cast %get3A_131 : vector<1x211xf32> to vector<211xf32>
    %broadcast_in_dim3A_133 = vector.shape_cast %get3A_132 : vector<211xf32> to vector<1x211xf32>
    %add3A_134 = vector.broadcast %broadcast_in_dim3A_133 : vector<1x211xf32> to vector<2048x211xf32>
    %add3A_135 = arith.addf %dot_general3A_128, %add3A_134 : vector<2048x211xf32>
    %jit3A_136 = arith.constant 0 : i32
    %convert_element_type3A_137 = arith.sitofp %jit3A_136 : i32 to f32
    %pad3A_138 = vector.broadcast %convert_element_type3A_137 : f32 to vector<2048x45xf32>
    %pad3A_139 = tpu.concatenate %add3A_135, %pad3A_138 in 1 : vector<2048x211xf32>, vector<2048x45xf32> -> vector<2048x256xf32>
    %swap3A_140 = arith.constant 0 : index
    %swap3A_141 = arith.constant 0 : index
    %swap3A_142 = vector.load %arg12[%swap3A_140, %swap3A_141] : memref<2048x256xf32, #tpu.memory_space<vmem>>, vector<2048x256xf32>
    tpu.vector_store %arg12[%swap3A_140, %swap3A_141], %pad3A_139 {strides = array<i32>} : memref<2048x256xf32, #tpu.memory_space<vmem>>, vector<2048x256xf32>,
    %iota3A_143 = tpu.iota {dimensions = array<i32: 1>} : vector<128x128xi32>
    %slice3A = vector.extract_strided_slice %broadcast_in_dim3A_46 {offsets = [0, 0], sizes = [128, 1], strides = [1, 1]} : vector<2048x1xi32> to vector<128x1xi32>
    %eq3A_144 = vector.broadcast %slice3A : vector<128x1xi32> to vector<128x128xi32>
    %eq3A_145 = arith.cmpi eq, %eq3A_144, %iota3A_143 : vector<128x128xi32>
    %convert_element_type3A_146 = arith.extui %eq3A_145 : vector<128x128xi1> to vector<128x128xi32>
    %convert_element_type3A_147 = arith.sitofp %convert_element_type3A_146 : vector<128x128xi32> to vector<128x128xf32>
    %reduce_sum3A_148 = arith.constant dense<0.000000e+00> : vector<128xf32>
    %reduce_sum3A_149 = vector.multi_reduction <add>, %convert_element_type3A_147, %reduce_sum3A_148 [0] : vector<128x128xf32> to vector<128xf32>
    %broadcast_in_dim3A_150 = vector.shape_cast %reduce_sum3A_149 : vector<128xf32> to vector<1x128xf32>
    %slice3A_151 = vector.extract_strided_slice %broadcast_in_dim3A_46 {offsets = [128, 0], sizes = [128, 1], strides = [1, 1]} : vector<2048x1xi32> to vector<128x1xi32>
    %eq3A_152 = vector.broadcast %slice3A_151 : vector<128x1xi32> to vector<128x128xi32>
    %eq3A_153 = arith.cmpi eq, %eq3A_152, %iota3A_143 : vector<128x128xi32>
    %convert_element_type3A_154 = arith.extui %eq3A_153 : vector<128x128xi1> to vector<128x128xi32>
    %convert_element_type3A_155 = arith.sitofp %convert_element_type3A_154 : vector<128x128xi32> to vector<128x128xf32>
    %reduce_sum3A_156 = arith.constant dense<0.000000e+00> : vector<128xf32>
    %reduce_sum3A_157 = vector.multi_reduction <add>, %convert_element_type3A_155, %reduce_sum3A_156 [0] : vector<128x128xf32> to vector<128xf32>
    %broadcast_in_dim3A_158 = vector.shape_cast %reduce_sum3A_157 : vector<128xf32> to vector<1x128xf32>
    %slice3A_159 = vector.extract_strided_slice %broadcast_in_dim3A_46 {offsets = [256, 0], sizes = [128, 1], strides = [1, 1]} : vector<2048x1xi32> to vector<128x1xi32>
    %eq3A_160 = vector.broadcast %slice3A_159 : vector<128x1xi32> to vector<128x128xi32>
    %eq3A_161 = arith.cmpi eq, %eq3A_160, %iota3A_143 : vector<128x128xi32>
    %convert_element_type3A_162 = arith.extui %eq3A_161 : vector<128x128xi1> to vector<128x128xi32>
    %convert_element_type3A_163 = arith.sitofp %convert_element_type3A_162 : vector<128x128xi32> to vector<128x128xf32>
    %reduce_sum3A_164 = arith.constant dense<0.000000e+00> : vector<128xf32>
    %reduce_sum3A_165 = vector.multi_reduction <add>, %convert_element_type3A_163, %reduce_sum3A_164 [0] : vector<128x128xf32> to vector<128xf32>
    %broadcast_in_dim3A_166 = vector.shape_cast %reduce_sum3A_165 : vector<128xf32> to vector<1x128xf32>
    %slice3A_167 = vector.extract_strided_slice %broadcast_in_dim3A_46 {offsets = [384, 0], sizes = [128, 1], strides = [1, 1]} : vector<2048x1xi32> to vector<128x1xi32>
    %eq3A_168 = vector.broadcast %slice3A_167 : vector<128x1xi32> to vector<128x128xi32>
    %eq3A_169 = arith.cmpi eq, %eq3A_168, %iota3A_143 : vector<128x128xi32>
    %convert_element_type3A_170 = arith.extui %eq3A_169 : vector<128x128xi1> to vector<128x128xi32>
    %convert_element_type3A_171 = arith.sitofp %convert_element_type3A_170 : vector<128x128xi32> to vector<128x128xf32>
    %reduce_sum3A_172 = arith.constant dense<0.000000e+00> : vector<128xf32>
    %reduce_sum3A_173 = vector.multi_reduction <add>, %convert_element_type3A_171, %reduce_sum3A_172 [0] : vector<128x128xf32> to vector<128xf32>
    %broadcast_in_dim3A_174 = vector.shape_cast %reduce_sum3A_173 : vector<128xf32> to vector<1x128xf32>
    %slice3A_175 = vector.extract_strided_slice %broadcast_in_dim3A_46 {offsets = [512, 0], sizes = [128, 1], strides = [1, 1]} : vector<2048x1xi32> to vector<128x1xi32>
    %eq3A_176 = vector.broadcast %slice3A_175 : vector<128x1xi32> to vector<128x128xi32>
    %eq3A_177 = arith.cmpi eq, %eq3A_176, %iota3A_143 : vector<128x128xi32>
    %convert_element_type3A_178 = arith.extui %eq3A_177 : vector<128x128xi1> to vector<128x128xi32>
    %convert_element_type3A_179 = arith.sitofp %convert_element_type3A_178 : vector<128x128xi32> to vector<128x128xf32>
    %reduce_sum3A_180 = arith.constant dense<0.000000e+00> : vector<128xf32>
    %reduce_sum3A_181 = vector.multi_reduction <add>, %convert_element_type3A_179, %reduce_sum3A_180 [0] : vector<128x128xf32> to vector<128xf32>
    %broadcast_in_dim3A_182 = vector.shape_cast %reduce_sum3A_181 : vector<128xf32> to vector<1x128xf32>
    %slice3A_183 = vector.extract_strided_slice %broadcast_in_dim3A_46 {offsets = [640, 0], sizes = [128, 1], strides = [1, 1]} : vector<2048x1xi32> to vector<128x1xi32>
    %eq3A_184 = vector.broadcast %slice3A_183 : vector<128x1xi32> to vector<128x128xi32>
    %eq3A_185 = arith.cmpi eq, %eq3A_184, %iota3A_143 : vector<128x128xi32>
    %convert_element_type3A_186 = arith.extui %eq3A_185 : vector<128x128xi1> to vector<128x128xi32>
    %convert_element_type3A_187 = arith.sitofp %convert_element_type3A_186 : vector<128x128xi32> to vector<128x128xf32>
    %reduce_sum3A_188 = arith.constant dense<0.000000e+00> : vector<128xf32>
    %reduce_sum3A_189 = vector.multi_reduction <add>, %convert_element_type3A_187, %reduce_sum3A_188 [0] : vector<128x128xf32> to vector<128xf32>
    %broadcast_in_dim3A_190 = vector.shape_cast %reduce_sum3A_189 : vector<128xf32> to vector<1x128xf32>
    %slice3A_191 = vector.extract_strided_slice %broadcast_in_dim3A_46 {offsets = [768, 0], sizes = [128, 1], strides = [1, 1]} : vector<2048x1xi32> to vector<128x1xi32>
    %eq3A_192 = vector.broadcast %slice3A_191 : vector<128x1xi32> to vector<128x128xi32>
    %eq3A_193 = arith.cmpi eq, %eq3A_192, %iota3A_143 : vector<128x128xi32>
    %convert_element_type3A_194 = arith.extui %eq3A_193 : vector<128x128xi1> to vector<128x128xi32>
    %convert_element_type3A_195 = arith.sitofp %convert_element_type3A_194 : vector<128x128xi32> to vector<128x128xf32>
    %reduce_sum3A_196 = arith.constant dense<0.000000e+00> : vector<128xf32>
    %reduce_sum3A_197 = vector.multi_reduction <add>, %convert_element_type3A_195, %reduce_sum3A_196 [0] : vector<128x128xf32> to vector<128xf32>
    %broadcast_in_dim3A_198 = vector.shape_cast %reduce_sum3A_197 : vector<128xf32> to vector<1x128xf32>
    %slice3A_199 = vector.extract_strided_slice %broadcast_in_dim3A_46 {offsets = [896, 0], sizes = [128, 1], strides = [1, 1]} : vector<2048x1xi32> to vector<128x1xi32>
    %eq3A_200 = vector.broadcast %slice3A_199 : vector<128x1xi32> to vector<128x128xi32>
    %eq3A_201 = arith.cmpi eq, %eq3A_200, %iota3A_143 : vector<128x128xi32>
    %convert_element_type3A_202 = arith.extui %eq3A_201 : vector<128x128xi1> to vector<128x128xi32>
    %convert_element_type3A_203 = arith.sitofp %convert_element_type3A_202 : vector<128x128xi32> to vector<128x128xf32>
    %reduce_sum3A_204 = arith.constant dense<0.000000e+00> : vector<128xf32>
    %reduce_sum3A_205 = vector.multi_reduction <add>, %convert_element_type3A_203, %reduce_sum3A_204 [0] : vector<128x128xf32> to vector<128xf32>
    %broadcast_in_dim3A_206 = vector.shape_cast %reduce_sum3A_205 : vector<128xf32> to vector<1x128xf32>
    %slice3A_207 = vector.extract_strided_slice %broadcast_in_dim3A_46 {offsets = [1024, 0], sizes = [128, 1], strides = [1, 1]} : vector<2048x1xi32> to vector<128x1xi32>
    %eq3A_208 = vector.broadcast %slice3A_207 : vector<128x1xi32> to vector<128x128xi32>
    %eq3A_209 = arith.cmpi eq, %eq3A_208, %iota3A_143 : vector<128x128xi32>
    %convert_element_type3A_210 = arith.extui %eq3A_209 : vector<128x128xi1> to vector<128x128xi32>
    %convert_element_type3A_211 = arith.sitofp %convert_element_type3A_210 : vector<128x128xi32> to vector<128x128xf32>
    %reduce_sum3A_212 = arith.constant dense<0.000000e+00> : vector<128xf32>
    %reduce_sum3A_213 = vector.multi_reduction <add>, %convert_element_type3A_211, %reduce_sum3A_212 [0] : vector<128x128xf32> to vector<128xf32>
    %broadcast_in_dim3A_214 = vector.shape_cast %reduce_sum3A_213 : vector<128xf32> to vector<1x128xf32>
    %slice3A_215 = vector.extract_strided_slice %broadcast_in_dim3A_46 {offsets = [1152, 0], sizes = [128, 1], strides = [1, 1]} : vector<2048x1xi32> to vector<128x1xi32>
    %eq3A_216 = vector.broadcast %slice3A_215 : vector<128x1xi32> to vector<128x128xi32>
    %eq3A_217 = arith.cmpi eq, %eq3A_216, %iota3A_143 : vector<128x128xi32>
    %convert_element_type3A_218 = arith.extui %eq3A_217 : vector<128x128xi1> to vector<128x128xi32>
    %convert_element_type3A_219 = arith.sitofp %convert_element_type3A_218 : vector<128x128xi32> to vector<128x128xf32>
    %reduce_sum3A_220 = arith.constant dense<0.000000e+00> : vector<128xf32>
    %reduce_sum3A_221 = vector.multi_reduction <add>, %convert_element_type3A_219, %reduce_sum3A_220 [0] : vector<128x128xf32> to vector<128xf32>
    %broadcast_in_dim3A_222 = vector.shape_cast %reduce_sum3A_221 : vector<128xf32> to vector<1x128xf32>
    %slice3A_223 = vector.extract_strided_slice %broadcast_in_dim3A_46 {offsets = [1280, 0], sizes = [128, 1], strides = [1, 1]} : vector<2048x1xi32> to vector<128x1xi32>
    %eq3A_224 = vector.broadcast %slice3A_223 : vector<128x1xi32> to vector<128x128xi32>
    %eq3A_225 = arith.cmpi eq, %eq3A_224, %iota3A_143 : vector<128x128xi32>
    %convert_element_type3A_226 = arith.extui %eq3A_225 : vector<128x128xi1> to vector<128x128xi32>
    %convert_element_type3A_227 = arith.sitofp %convert_element_type3A_226 : vector<128x128xi32> to vector<128x128xf32>
    %reduce_sum3A_228 = arith.constant dense<0.000000e+00> : vector<128xf32>
    %reduce_sum3A_229 = vector.multi_reduction <add>, %convert_element_type3A_227, %reduce_sum3A_228 [0] : vector<128x128xf32> to vector<128xf32>
    %broadcast_in_dim3A_230 = vector.shape_cast %reduce_sum3A_229 : vector<128xf32> to vector<1x128xf32>
    %slice3A_231 = vector.extract_strided_slice %broadcast_in_dim3A_46 {offsets = [1408, 0], sizes = [128, 1], strides = [1, 1]} : vector<2048x1xi32> to vector<128x1xi32>
    %eq3A_232 = vector.broadcast %slice3A_231 : vector<128x1xi32> to vector<128x128xi32>
    %eq3A_233 = arith.cmpi eq, %eq3A_232, %iota3A_143 : vector<128x128xi32>
    %convert_element_type3A_234 = arith.extui %eq3A_233 : vector<128x128xi1> to vector<128x128xi32>
    %convert_element_type3A_235 = arith.sitofp %convert_element_type3A_234 : vector<128x128xi32> to vector<128x128xf32>
    %reduce_sum3A_236 = arith.constant dense<0.000000e+00> : vector<128xf32>
    %reduce_sum3A_237 = vector.multi_reduction <add>, %convert_element_type3A_235, %reduce_sum3A_236 [0] : vector<128x128xf32> to vector<128xf32>
    %broadcast_in_dim3A_238 = vector.shape_cast %reduce_sum3A_237 : vector<128xf32> to vector<1x128xf32>
    %slice3A_239 = vector.extract_strided_slice %broadcast_in_dim3A_46 {offsets = [1536, 0], sizes = [128, 1], strides = [1, 1]} : vector<2048x1xi32> to vector<128x1xi32>
    %eq3A_240 = vector.broadcast %slice3A_239 : vector<128x1xi32> to vector<128x128xi32>
    %eq3A_241 = arith.cmpi eq, %eq3A_240, %iota3A_143 : vector<128x128xi32>
    %convert_element_type3A_242 = arith.extui %eq3A_241 : vector<128x128xi1> to vector<128x128xi32>
    %convert_element_type3A_243 = arith.sitofp %convert_element_type3A_242 : vector<128x128xi32> to vector<128x128xf32>
    %reduce_sum3A_244 = arith.constant dense<0.000000e+00> : vector<128xf32>
    %reduce_sum3A_245 = vector.multi_reduction <add>, %convert_element_type3A_243, %reduce_sum3A_244 [0] : vector<128x128xf32> to vector<128xf32>
    %broadcast_in_dim3A_246 = vector.shape_cast %reduce_sum3A_245 : vector<128xf32> to vector<1x128xf32>
    %slice3A_247 = vector.extract_strided_slice %broadcast_in_dim3A_46 {offsets = [1664, 0], sizes = [128, 1], strides = [1, 1]} : vector<2048x1xi32> to vector<128x1xi32>
    %eq3A_248 = vector.broadcast %slice3A_247 : vector<128x1xi32> to vector<128x128xi32>
    %eq3A_249 = arith.cmpi eq, %eq3A_248, %iota3A_143 : vector<128x128xi32>
    %convert_element_type3A_250 = arith.extui %eq3A_249 : vector<128x128xi1> to vector<128x128xi32>
    %convert_element_type3A_251 = arith.sitofp %convert_element_type3A_250 : vector<128x128xi32> to vector<128x128xf32>
    %reduce_sum3A_252 = arith.constant dense<0.000000e+00> : vector<128xf32>
    %reduce_sum3A_253 = vector.multi_reduction <add>, %convert_element_type3A_251, %reduce_sum3A_252 [0] : vector<128x128xf32> to vector<128xf32>
    %broadcast_in_dim3A_254 = vector.shape_cast %reduce_sum3A_253 : vector<128xf32> to vector<1x128xf32>
    %slice3A_255 = vector.extract_strided_slice %broadcast_in_dim3A_46 {offsets = [1792, 0], sizes = [128, 1], strides = [1, 1]} : vector<2048x1xi32> to vector<128x1xi32>
    %eq3A_256 = vector.broadcast %slice3A_255 : vector<128x1xi32> to vector<128x128xi32>
    %eq3A_257 = arith.cmpi eq, %eq3A_256, %iota3A_143 : vector<128x128xi32>
    %convert_element_type3A_258 = arith.extui %eq3A_257 : vector<128x128xi1> to vector<128x128xi32>
    %convert_element_type3A_259 = arith.sitofp %convert_element_type3A_258 : vector<128x128xi32> to vector<128x128xf32>
    %reduce_sum3A_260 = arith.constant dense<0.000000e+00> : vector<128xf32>
    %reduce_sum3A_261 = vector.multi_reduction <add>, %convert_element_type3A_259, %reduce_sum3A_260 [0] : vector<128x128xf32> to vector<128xf32>
    %broadcast_in_dim3A_262 = vector.shape_cast %reduce_sum3A_261 : vector<128xf32> to vector<1x128xf32>
    %slice3A_263 = vector.extract_strided_slice %broadcast_in_dim3A_46 {offsets = [1920, 0], sizes = [128, 1], strides = [1, 1]} : vector<2048x1xi32> to vector<128x1xi32>
    %eq3A_264 = vector.broadcast %slice3A_263 : vector<128x1xi32> to vector<128x128xi32>
    %eq3A_265 = arith.cmpi eq, %eq3A_264, %iota3A_143 : vector<128x128xi32>
    %convert_element_type3A_266 = arith.extui %eq3A_265 : vector<128x128xi1> to vector<128x128xi32>
    %convert_element_type3A_267 = arith.sitofp %convert_element_type3A_266 : vector<128x128xi32> to vector<128x128xf32>
    %reduce_sum3A_268 = arith.constant dense<0.000000e+00> : vector<128xf32>
    %reduce_sum3A_269 = vector.multi_reduction <add>, %convert_element_type3A_267, %reduce_sum3A_268 [0] : vector<128x128xf32> to vector<128xf32>
    %broadcast_in_dim3A_270 = vector.shape_cast %reduce_sum3A_269 : vector<128xf32> to vector<1x128xf32>
    %slice3A_271 = vector.extract_strided_slice %broadcast_in_dim3A_62 {offsets = [0, 0], sizes = [128, 1], strides = [1, 1]} : vector<2048x1xi32> to vector<128x1xi32>
    %eq3A_272 = vector.broadcast %slice3A_271 : vector<128x1xi32> to vector<128x128xi32>
    %eq3A_273 = arith.cmpi eq, %eq3A_272, %iota3A_143 : vector<128x128xi32>
    %convert_element_type3A_274 = arith.extui %eq3A_273 : vector<128x128xi1> to vector<128x128xi32>
    %convert_element_type3A_275 = arith.sitofp %convert_element_type3A_274 : vector<128x128xi32> to vector<128x128xf32>
    %reduce_sum3A_276 = arith.constant dense<0.000000e+00> : vector<128xf32>
    %reduce_sum3A_277 = vector.multi_reduction <add>, %convert_element_type3A_275, %reduce_sum3A_276 [0] : vector<128x128xf32> to vector<128xf32>
    %broadcast_in_dim3A_278 = vector.shape_cast %reduce_sum3A_277 : vector<128xf32> to vector<1x128xf32>
    %slice3A_279 = vector.extract_strided_slice %broadcast_in_dim3A_62 {offsets = [128, 0], sizes = [128, 1], strides = [1, 1]} : vector<2048x1xi32> to vector<128x1xi32>
    %eq3A_280 = vector.broadcast %slice3A_279 : vector<128x1xi32> to vector<128x128xi32>
    %eq3A_281 = arith.cmpi eq, %eq3A_280, %iota3A_143 : vector<128x128xi32>
    %convert_element_type3A_282 = arith.extui %eq3A_281 : vector<128x128xi1> to vector<128x128xi32>
    %convert_element_type3A_283 = arith.sitofp %convert_element_type3A_282 : vector<128x128xi32> to vector<128x128xf32>
    %reduce_sum3A_284 = arith.constant dense<0.000000e+00> : vector<128xf32>
    %reduce_sum3A_285 = vector.multi_reduction <add>, %convert_element_type3A_283, %reduce_sum3A_284 [0] : vector<128x128xf32> to vector<128xf32>
    %broadcast_in_dim3A_286 = vector.shape_cast %reduce_sum3A_285 : vector<128xf32> to vector<1x128xf32>
    %slice3A_287 = vector.extract_strided_slice %broadcast_in_dim3A_62 {offsets = [256, 0], sizes = [128, 1], strides = [1, 1]} : vector<2048x1xi32> to vector<128x1xi32>
    %eq3A_288 = vector.broadcast %slice3A_287 : vector<128x1xi32> to vector<128x128xi32>
    %eq3A_289 = arith.cmpi eq, %eq3A_288, %iota3A_143 : vector<128x128xi32>
    %convert_element_type3A_290 = arith.extui %eq3A_289 : vector<128x128xi1> to vector<128x128xi32>
    %convert_element_type3A_291 = arith.sitofp %convert_element_type3A_290 : vector<128x128xi32> to vector<128x128xf32>
    %reduce_sum3A_292 = arith.constant dense<0.000000e+00> : vector<128xf32>
    %reduce_sum3A_293 = vector.multi_reduction <add>, %convert_element_type3A_291, %reduce_sum3A_292 [0] : vector<128x128xf32> to vector<128xf32>
    %broadcast_in_dim3A_294 = vector.shape_cast %reduce_sum3A_293 : vector<128xf32> to vector<1x128xf32>
    %slice3A_295 = vector.extract_strided_slice %broadcast_in_dim3A_62 {offsets = [384, 0], sizes = [128, 1], strides = [1, 1]} : vector<2048x1xi32> to vector<128x1xi32>
    %eq3A_296 = vector.broadcast %slice3A_295 : vector<128x1xi32> to vector<128x128xi32>
    %eq3A_297 = arith.cmpi eq, %eq3A_296, %iota3A_143 : vector<128x128xi32>
    %convert_element_type3A_298 = arith.extui %eq3A_297 : vector<128x128xi1> to vector<128x128xi32>
    %convert_element_type3A_299 = arith.sitofp %convert_element_type3A_298 : vector<128x128xi32> to vector<128x128xf32>
    %reduce_sum3A_300 = arith.constant dense<0.000000e+00> : vector<128xf32>
    %reduce_sum3A_301 = vector.multi_reduction <add>, %convert_element_type3A_299, %reduce_sum3A_300 [0] : vector<128x128xf32> to vector<128xf32>
    %broadcast_in_dim3A_302 = vector.shape_cast %reduce_sum3A_301 : vector<128xf32> to vector<1x128xf32>
    %slice3A_303 = vector.extract_strided_slice %broadcast_in_dim3A_62 {offsets = [512, 0], sizes = [128, 1], strides = [1, 1]} : vector<2048x1xi32> to vector<128x1xi32>
    %eq3A_304 = vector.broadcast %slice3A_303 : vector<128x1xi32> to vector<128x128xi32>
    %eq3A_305 = arith.cmpi eq, %eq3A_304, %iota3A_143 : vector<128x128xi32>
    %convert_element_type3A_306 = arith.extui %eq3A_305 : vector<128x128xi1> to vector<128x128xi32>
    %convert_element_type3A_307 = arith.sitofp %convert_element_type3A_306 : vector<128x128xi32> to vector<128x128xf32>
    %reduce_sum3A_308 = arith.constant dense<0.000000e+00> : vector<128xf32>
    %reduce_sum3A_309 = vector.multi_reduction <add>, %convert_element_type3A_307, %reduce_sum3A_308 [0] : vector<128x128xf32> to vector<128xf32>
    %broadcast_in_dim3A_310 = vector.shape_cast %reduce_sum3A_309 : vector<128xf32> to vector<1x128xf32>
    %slice3A_311 = vector.extract_strided_slice %broadcast_in_dim3A_62 {offsets = [640, 0], sizes = [128, 1], strides = [1, 1]} : vector<2048x1xi32> to vector<128x1xi32>
    %eq3A_312 = vector.broadcast %slice3A_311 : vector<128x1xi32> to vector<128x128xi32>
    %eq3A_313 = arith.cmpi eq, %eq3A_312, %iota3A_143 : vector<128x128xi32>
    %convert_element_type3A_314 = arith.extui %eq3A_313 : vector<128x128xi1> to vector<128x128xi32>
    %convert_element_type3A_315 = arith.sitofp %convert_element_type3A_314 : vector<128x128xi32> to vector<128x128xf32>
    %reduce_sum3A_316 = arith.constant dense<0.000000e+00> : vector<128xf32>
    %reduce_sum3A_317 = vector.multi_reduction <add>, %convert_element_type3A_315, %reduce_sum3A_316 [0] : vector<128x128xf32> to vector<128xf32>
    %broadcast_in_dim3A_318 = vector.shape_cast %reduce_sum3A_317 : vector<128xf32> to vector<1x128xf32>
    %slice3A_319 = vector.extract_strided_slice %broadcast_in_dim3A_62 {offsets = [768, 0], sizes = [128, 1], strides = [1, 1]} : vector<2048x1xi32> to vector<128x1xi32>
    %eq3A_320 = vector.broadcast %slice3A_319 : vector<128x1xi32> to vector<128x128xi32>
    %eq3A_321 = arith.cmpi eq, %eq3A_320, %iota3A_143 : vector<128x128xi32>
    %convert_element_type3A_322 = arith.extui %eq3A_321 : vector<128x128xi1> to vector<128x128xi32>
    %convert_element_type3A_323 = arith.sitofp %convert_element_type3A_322 : vector<128x128xi32> to vector<128x128xf32>
    %reduce_sum3A_324 = arith.constant dense<0.000000e+00> : vector<128xf32>
    %reduce_sum3A_325 = vector.multi_reduction <add>, %convert_element_type3A_323, %reduce_sum3A_324 [0] : vector<128x128xf32> to vector<128xf32>
    %broadcast_in_dim3A_326 = vector.shape_cast %reduce_sum3A_325 : vector<128xf32> to vector<1x128xf32>
    %slice3A_327 = vector.extract_strided_slice %broadcast_in_dim3A_62 {offsets = [896, 0], sizes = [128, 1], strides = [1, 1]} : vector<2048x1xi32> to vector<128x1xi32>
    %eq3A_328 = vector.broadcast %slice3A_327 : vector<128x1xi32> to vector<128x128xi32>
    %eq3A_329 = arith.cmpi eq, %eq3A_328, %iota3A_143 : vector<128x128xi32>
    %convert_element_type3A_330 = arith.extui %eq3A_329 : vector<128x128xi1> to vector<128x128xi32>
    %convert_element_type3A_331 = arith.sitofp %convert_element_type3A_330 : vector<128x128xi32> to vector<128x128xf32>
    %reduce_sum3A_332 = arith.constant dense<0.000000e+00> : vector<128xf32>
    %reduce_sum3A_333 = vector.multi_reduction <add>, %convert_element_type3A_331, %reduce_sum3A_332 [0] : vector<128x128xf32> to vector<128xf32>
    %broadcast_in_dim3A_334 = vector.shape_cast %reduce_sum3A_333 : vector<128xf32> to vector<1x128xf32>
    %slice3A_335 = vector.extract_strided_slice %broadcast_in_dim3A_62 {offsets = [1024, 0], sizes = [128, 1], strides = [1, 1]} : vector<2048x1xi32> to vector<128x1xi32>
    %eq3A_336 = vector.broadcast %slice3A_335 : vector<128x1xi32> to vector<128x128xi32>
    %eq3A_337 = arith.cmpi eq, %eq3A_336, %iota3A_143 : vector<128x128xi32>
    %convert_element_type3A_338 = arith.extui %eq3A_337 : vector<128x128xi1> to vector<128x128xi32>
    %convert_element_type3A_339 = arith.sitofp %convert_element_type3A_338 : vector<128x128xi32> to vector<128x128xf32>
    %reduce_sum3A_340 = arith.constant dense<0.000000e+00> : vector<128xf32>
    %reduce_sum3A_341 = vector.multi_reduction <add>, %convert_element_type3A_339, %reduce_sum3A_340 [0] : vector<128x128xf32> to vector<128xf32>
    %broadcast_in_dim3A_342 = vector.shape_cast %reduce_sum3A_341 : vector<128xf32> to vector<1x128xf32>
    %slice3A_343 = vector.extract_strided_slice %broadcast_in_dim3A_62 {offsets = [1152, 0], sizes = [128, 1], strides = [1, 1]} : vector<2048x1xi32> to vector<128x1xi32>
    %eq3A_344 = vector.broadcast %slice3A_343 : vector<128x1xi32> to vector<128x128xi32>
    %eq3A_345 = arith.cmpi eq, %eq3A_344, %iota3A_143 : vector<128x128xi32>
    %convert_element_type3A_346 = arith.extui %eq3A_345 : vector<128x128xi1> to vector<128x128xi32>
    %convert_element_type3A_347 = arith.sitofp %convert_element_type3A_346 : vector<128x128xi32> to vector<128x128xf32>
    %reduce_sum3A_348 = arith.constant dense<0.000000e+00> : vector<128xf32>
    %reduce_sum3A_349 = vector.multi_reduction <add>, %convert_element_type3A_347, %reduce_sum3A_348 [0] : vector<128x128xf32> to vector<128xf32>
    %broadcast_in_dim3A_350 = vector.shape_cast %reduce_sum3A_349 : vector<128xf32> to vector<1x128xf32>
    %slice3A_351 = vector.extract_strided_slice %broadcast_in_dim3A_62 {offsets = [1280, 0], sizes = [128, 1], strides = [1, 1]} : vector<2048x1xi32> to vector<128x1xi32>
    %eq3A_352 = vector.broadcast %slice3A_351 : vector<128x1xi32> to vector<128x128xi32>
    %eq3A_353 = arith.cmpi eq, %eq3A_352, %iota3A_143 : vector<128x128xi32>
    %convert_element_type3A_354 = arith.extui %eq3A_353 : vector<128x128xi1> to vector<128x128xi32>
    %convert_element_type3A_355 = arith.sitofp %convert_element_type3A_354 : vector<128x128xi32> to vector<128x128xf32>
    %reduce_sum3A_356 = arith.constant dense<0.000000e+00> : vector<128xf32>
    %reduce_sum3A_357 = vector.multi_reduction <add>, %convert_element_type3A_355, %reduce_sum3A_356 [0] : vector<128x128xf32> to vector<128xf32>
    %broadcast_in_dim3A_358 = vector.shape_cast %reduce_sum3A_357 : vector<128xf32> to vector<1x128xf32>
    %slice3A_359 = vector.extract_strided_slice %broadcast_in_dim3A_62 {offsets = [1408, 0], sizes = [128, 1], strides = [1, 1]} : vector<2048x1xi32> to vector<128x1xi32>
    %eq3A_360 = vector.broadcast %slice3A_359 : vector<128x1xi32> to vector<128x128xi32>
    %eq3A_361 = arith.cmpi eq, %eq3A_360, %iota3A_143 : vector<128x128xi32>
    %convert_element_type3A_362 = arith.extui %eq3A_361 : vector<128x128xi1> to vector<128x128xi32>
    %convert_element_type3A_363 = arith.sitofp %convert_element_type3A_362 : vector<128x128xi32> to vector<128x128xf32>
    %reduce_sum3A_364 = arith.constant dense<0.000000e+00> : vector<128xf32>
    %reduce_sum3A_365 = vector.multi_reduction <add>, %convert_element_type3A_363, %reduce_sum3A_364 [0] : vector<128x128xf32> to vector<128xf32>
    %broadcast_in_dim3A_366 = vector.shape_cast %reduce_sum3A_365 : vector<128xf32> to vector<1x128xf32>
    %slice3A_367 = vector.extract_strided_slice %broadcast_in_dim3A_62 {offsets = [1536, 0], sizes = [128, 1], strides = [1, 1]} : vector<2048x1xi32> to vector<128x1xi32>
    %eq3A_368 = vector.broadcast %slice3A_367 : vector<128x1xi32> to vector<128x128xi32>
    %eq3A_369 = arith.cmpi eq, %eq3A_368, %iota3A_143 : vector<128x128xi32>
    %convert_element_type3A_370 = arith.extui %eq3A_369 : vector<128x128xi1> to vector<128x128xi32>
    %convert_element_type3A_371 = arith.sitofp %convert_element_type3A_370 : vector<128x128xi32> to vector<128x128xf32>
    %reduce_sum3A_372 = arith.constant dense<0.000000e+00> : vector<128xf32>
    %reduce_sum3A_373 = vector.multi_reduction <add>, %convert_element_type3A_371, %reduce_sum3A_372 [0] : vector<128x128xf32> to vector<128xf32>
    %broadcast_in_dim3A_374 = vector.shape_cast %reduce_sum3A_373 : vector<128xf32> to vector<1x128xf32>
    %slice3A_375 = vector.extract_strided_slice %broadcast_in_dim3A_62 {offsets = [1664, 0], sizes = [128, 1], strides = [1, 1]} : vector<2048x1xi32> to vector<128x1xi32>
    %eq3A_376 = vector.broadcast %slice3A_375 : vector<128x1xi32> to vector<128x128xi32>
    %eq3A_377 = arith.cmpi eq, %eq3A_376, %iota3A_143 : vector<128x128xi32>
    %convert_element_type3A_378 = arith.extui %eq3A_377 : vector<128x128xi1> to vector<128x128xi32>
    %convert_element_type3A_379 = arith.sitofp %convert_element_type3A_378 : vector<128x128xi32> to vector<128x128xf32>
    %reduce_sum3A_380 = arith.constant dense<0.000000e+00> : vector<128xf32>
    %reduce_sum3A_381 = vector.multi_reduction <add>, %convert_element_type3A_379, %reduce_sum3A_380 [0] : vector<128x128xf32> to vector<128xf32>
    %broadcast_in_dim3A_382 = vector.shape_cast %reduce_sum3A_381 : vector<128xf32> to vector<1x128xf32>
    %slice3A_383 = vector.extract_strided_slice %broadcast_in_dim3A_62 {offsets = [1792, 0], sizes = [128, 1], strides = [1, 1]} : vector<2048x1xi32> to vector<128x1xi32>
    %eq3A_384 = vector.broadcast %slice3A_383 : vector<128x1xi32> to vector<128x128xi32>
    %eq3A_385 = arith.cmpi eq, %eq3A_384, %iota3A_143 : vector<128x128xi32>
    %convert_element_type3A_386 = arith.extui %eq3A_385 : vector<128x128xi1> to vector<128x128xi32>
    %convert_element_type3A_387 = arith.sitofp %convert_element_type3A_386 : vector<128x128xi32> to vector<128x128xf32>
    %reduce_sum3A_388 = arith.constant dense<0.000000e+00> : vector<128xf32>
    %reduce_sum3A_389 = vector.multi_reduction <add>, %convert_element_type3A_387, %reduce_sum3A_388 [0] : vector<128x128xf32> to vector<128xf32>
    %broadcast_in_dim3A_390 = vector.shape_cast %reduce_sum3A_389 : vector<128xf32> to vector<1x128xf32>
    %slice3A_391 = vector.extract_strided_slice %broadcast_in_dim3A_62 {offsets = [1920, 0], sizes = [128, 1], strides = [1, 1]} : vector<2048x1xi32> to vector<128x1xi32>
    %eq3A_392 = vector.broadcast %slice3A_391 : vector<128x1xi32> to vector<128x128xi32>
    %eq3A_393 = arith.cmpi eq, %eq3A_392, %iota3A_143 : vector<128x128xi32>
    %convert_element_type3A_394 = arith.extui %eq3A_393 : vector<128x128xi1> to vector<128x128xi32>
    %convert_element_type3A_395 = arith.sitofp %convert_element_type3A_394 : vector<128x128xi32> to vector<128x128xf32>
    %reduce_sum3A_396 = arith.constant dense<0.000000e+00> : vector<128xf32>
    %reduce_sum3A_397 = vector.multi_reduction <add>, %convert_element_type3A_395, %reduce_sum3A_396 [0] : vector<128x128xf32> to vector<128xf32>
    %broadcast_in_dim3A_398 = vector.shape_cast %reduce_sum3A_397 : vector<128xf32> to vector<1x128xf32>
    %concatenate3A = tpu.concatenate %broadcast_in_dim3A_150, %broadcast_in_dim3A_158, %broadcast_in_dim3A_166, %broadcast_in_dim3A_174, %broadcast_in_dim3A_182, %broadcast_in_dim3A_190, %broadcast_in_dim3A_198, %broadcast_in_dim3A_206, %broadcast_in_dim3A_214, %broadcast_in_dim3A_222, %broadcast_in_dim3A_230, %broadcast_in_dim3A_238, %broadcast_in_dim3A_246, %broadcast_in_dim3A_254, %broadcast_in_dim3A_262, %broadcast_in_dim3A_270, %broadcast_in_dim3A_278, %broadcast_in_dim3A_286, %broadcast_in_dim3A_294, %broadcast_in_dim3A_302, %broadcast_in_dim3A_310, %broadcast_in_dim3A_318, %broadcast_in_dim3A_326, %broadcast_in_dim3A_334, %broadcast_in_dim3A_342, %broadcast_in_dim3A_350, %broadcast_in_dim3A_358, %broadcast_in_dim3A_366, %broadcast_in_dim3A_374, %broadcast_in_dim3A_382, %broadcast_in_dim3A_390, %broadcast_in_dim3A_398 in 0 : vector<1x128xf32>, vector<1x128xf32>, vector<1x128xf32>, vector<1x128xf32>, vector<1x128xf32>, vector<1x128xf32>, vector<1x128xf32>, vector<1x128xf32>, vector<1x128xf32>, vector<1x128xf32>, vector<1x128xf32>, vector<1x128xf32>, vector<1x128xf32>, vector<1x128xf32>, vector<1x128xf32>, vector<1x128xf32>, vector<1x128xf32>, vector<1x128xf32>, vector<1x128xf32>, vector<1x128xf32>, vector<1x128xf32>, vector<1x128xf32>, vector<1x128xf32>, vector<1x128xf32>, vector<1x128xf32>, vector<1x128xf32>, vector<1x128xf32>, vector<1x128xf32>, vector<1x128xf32>, vector<1x128xf32>, vector<1x128xf32>, vector<1x128xf32> -> vector<32x128xf32>
    %iota3A_399 = tpu.iota {dimensions = array<i32: 0>} : vector<32x32xi32>
    %iota3A_400 = tpu.iota {dimensions = array<i32: 1>} : vector<32x32xi32>
    %lt3A_401 = arith.cmpi slt, %iota3A_400, %iota3A_399 : vector<32x32xi32>
    %convert_element_type3A_402 = arith.extui %lt3A_401 : vector<32x32xi1> to vector<32x32xi32>
    %convert_element_type3A_403 = arith.sitofp %convert_element_type3A_402 : vector<32x32xi32> to vector<32x32xf32>
    %dot_general3A_404 = arith.constant dense<0.000000e+00> : vector<32x128xf32>
    %dot_general3A_405 = tpu.matmul %convert_element_type3A_403, %concatenate3A, %dot_general3A_404 {dimension_numbers = #tpu.dot_dimension_numbers<[1], [0], [0], [1], [0, 0, 1, 1], [], []>, transpose_lhs_hint = false} : vector<32x32xf32>, vector<32x128xf32>, vector<32x128xf32> -> vector<32x128xf32>
    %reduce_sum3A_406 = arith.constant dense<0.000000e+00> : vector<128xf32>
    %reduce_sum3A_407 = vector.multi_reduction <add>, %concatenate3A, %reduce_sum3A_406 [0] : vector<32x128xf32> to vector<128xf32>
    %broadcast_in_dim3A_408 = vector.shape_cast %reduce_sum3A_407 : vector<128xf32> to vector<1x128xf32>
    %broadcast_in_dim3A_409 = vector.shape_cast %broadcast_in_dim3A_408 : vector<1x128xf32> to vector<1x128xf32>
    %broadcast_in_dim3A_410 = vector.broadcast %broadcast_in_dim3A_409 : vector<1x128xf32> to vector<8x128xf32>
    %iota3A_411 = tpu.iota {dimensions = array<i32: 0>} : vector<128x128xi32>
    %iota3A_412 = tpu.iota {dimensions = array<i32: 1>} : vector<128x128xi32>
    %lt3A_413 = arith.cmpi slt, %iota3A_411, %iota3A_412 : vector<128x128xi32>
    %convert_element_type3A_414 = arith.extui %lt3A_413 : vector<128x128xi1> to vector<128x128xi32>
    %convert_element_type3A_415 = arith.sitofp %convert_element_type3A_414 : vector<128x128xi32> to vector<128x128xf32>
    %dot_general3A_416 = arith.constant dense<0.000000e+00> : vector<8x128xf32>
    %dot_general3A_417 = tpu.matmul %broadcast_in_dim3A_410, %convert_element_type3A_415, %dot_general3A_416 {dimension_numbers = #tpu.dot_dimension_numbers<[1], [0], [0], [1], [0, 0, 1, 1], [], []>, transpose_lhs_hint = false} : vector<8x128xf32>, vector<128x128xf32>, vector<8x128xf32> -> vector<8x128xf32>
    %slice3A_418 = vector.extract_strided_slice %dot_general3A_417 {offsets = [0, 0], sizes = [1, 128], strides = [1, 1]} : vector<8x128xf32> to vector<1x128xf32>
    %iota3A_419 = tpu.iota {dimensions = array<i32: 0>} : vector<128x128xi32>
    %iota3A_420 = tpu.iota {dimensions = array<i32: 1>} : vector<128x128xi32>
    %lt3A_421 = arith.cmpi slt, %iota3A_420, %iota3A_419 : vector<128x128xi32>
    %convert_element_type3A_422 = arith.extui %lt3A_421 : vector<128x128xi1> to vector<128x128xi32>
    %convert_element_type3A_423 = arith.sitofp %convert_element_type3A_422 : vector<128x128xi32> to vector<128x128xf32>
    %slice3A_424 = vector.extract_strided_slice %broadcast_in_dim3A_46 {offsets = [0, 0], sizes = [128, 1], strides = [1, 1]} : vector<2048x1xi32> to vector<128x1xi32>
    %eq3A_425 = vector.broadcast %slice3A_424 : vector<128x1xi32> to vector<128x128xi32>
    %eq3A_426 = arith.cmpi eq, %eq3A_425, %iota3A_143 : vector<128x128xi32>
    %convert_element_type3A_427 = arith.extui %eq3A_426 : vector<128x128xi1> to vector<128x128xi32>
    %convert_element_type3A_428 = arith.sitofp %convert_element_type3A_427 : vector<128x128xi32> to vector<128x128xf32>
    %dot_general3A_429 = arith.constant dense<0.000000e+00> : vector<128x128xf32>
    %dot_general3A_430 = tpu.matmul %convert_element_type3A_423, %convert_element_type3A_428, %dot_general3A_429 {dimension_numbers = #tpu.dot_dimension_numbers<[1], [0], [0], [1], [0, 0, 1, 1], [], []>, transpose_lhs_hint = false} : vector<128x128xf32>, vector<128x128xf32>, vector<128x128xf32> -> vector<128x128xf32>
    %slice3A_431 = vector.extract_strided_slice %dot_general3A_405 {offsets = [0, 0], sizes = [1, 128], strides = [1, 1]} : vector<32x128xf32> to vector<1x128xf32>
    %add3A_432 = vector.broadcast %slice3A_431 : vector<1x128xf32> to vector<128x128xf32>
    %add3A_433 = arith.addf %dot_general3A_430, %add3A_432 : vector<128x128xf32>
    %add3A_434 = vector.broadcast %slice3A_418 : vector<1x128xf32> to vector<128x128xf32>
    %add3A_435 = arith.addf %add3A_433, %add3A_434 : vector<128x128xf32>
    %mul3A_436 = arith.mulf %convert_element_type3A_428, %add3A_435 : vector<128x128xf32>
    %reduce_sum3A_437 = arith.constant dense<0.000000e+00> : vector<128xf32>
    %reduce_sum3A_438 = vector.multi_reduction <add>, %mul3A_436, %reduce_sum3A_437 [1] : vector<128x128xf32> to vector<128xf32>
    %broadcast_in_dim3A_439 = vector.shape_cast %reduce_sum3A_438 : vector<128xf32> to vector<128x1xf32>
    %convert_element_type3A_440 = arith.fptosi %broadcast_in_dim3A_439 : vector<128x1xf32> to vector<128x1xi32>
    %swap3A_441 = arith.constant 0 : index
    %swap3A_442 = arith.constant 0 : index
    %swap3A_443 = vector.load %arg14[%swap3A_441, %swap3A_442] : memref<4096x1xi32, #tpu.memory_space<vmem>>, vector<128x1xi32>
    tpu.vector_store %arg14[%swap3A_441, %swap3A_442], %convert_element_type3A_440 {strides = array<i32>} : memref<4096x1xi32, #tpu.memory_space<vmem>>, vector<128x1xi32>,
    %slice3A_444 = vector.extract_strided_slice %broadcast_in_dim3A_46 {offsets = [128, 0], sizes = [128, 1], strides = [1, 1]} : vector<2048x1xi32> to vector<128x1xi32>
    %eq3A_445 = vector.broadcast %slice3A_444 : vector<128x1xi32> to vector<128x128xi32>
    %eq3A_446 = arith.cmpi eq, %eq3A_445, %iota3A_143 : vector<128x128xi32>
    %convert_element_type3A_447 = arith.extui %eq3A_446 : vector<128x128xi1> to vector<128x128xi32>
    %convert_element_type3A_448 = arith.sitofp %convert_element_type3A_447 : vector<128x128xi32> to vector<128x128xf32>
    %dot_general3A_449 = arith.constant dense<0.000000e+00> : vector<128x128xf32>
    %dot_general3A_450 = tpu.matmul %convert_element_type3A_423, %convert_element_type3A_448, %dot_general3A_449 {dimension_numbers = #tpu.dot_dimension_numbers<[1], [0], [0], [1], [0, 0, 1, 1], [], []>, transpose_lhs_hint = false} : vector<128x128xf32>, vector<128x128xf32>, vector<128x128xf32> -> vector<128x128xf32>
    %slice3A_451 = vector.extract_strided_slice %dot_general3A_405 {offsets = [1, 0], sizes = [1, 128], strides = [1, 1]} : vector<32x128xf32> to vector<1x128xf32>
    %add3A_452 = vector.broadcast %slice3A_451 : vector<1x128xf32> to vector<128x128xf32>
    %add3A_453 = arith.addf %dot_general3A_450, %add3A_452 : vector<128x128xf32>
    %add3A_454 = vector.broadcast %slice3A_418 : vector<1x128xf32> to vector<128x128xf32>
    %add3A_455 = arith.addf %add3A_453, %add3A_454 : vector<128x128xf32>
    %mul3A_456 = arith.mulf %convert_element_type3A_448, %add3A_455 : vector<128x128xf32>
    %reduce_sum3A_457 = arith.constant dense<0.000000e+00> : vector<128xf32>
    %reduce_sum3A_458 = vector.multi_reduction <add>, %mul3A_456, %reduce_sum3A_457 [1] : vector<128x128xf32> to vector<128xf32>
    %broadcast_in_dim3A_459 = vector.shape_cast %reduce_sum3A_458 : vector<128xf32> to vector<128x1xf32>
    %convert_element_type3A_460 = arith.fptosi %broadcast_in_dim3A_459 : vector<128x1xf32> to vector<128x1xi32>
    %swap3A_461 = arith.constant 128 : index
    %swap3A_462 = arith.constant 0 : index
    %swap3A_463 = vector.load %arg14[%swap3A_461, %swap3A_462] : memref<4096x1xi32, #tpu.memory_space<vmem>>, vector<128x1xi32>
    tpu.vector_store %arg14[%swap3A_461, %swap3A_462], %convert_element_type3A_460 {strides = array<i32>} : memref<4096x1xi32, #tpu.memory_space<vmem>>, vector<128x1xi32>,
    %slice3A_464 = vector.extract_strided_slice %broadcast_in_dim3A_46 {offsets = [256, 0], sizes = [128, 1], strides = [1, 1]} : vector<2048x1xi32> to vector<128x1xi32>
    %eq3A_465 = vector.broadcast %slice3A_464 : vector<128x1xi32> to vector<128x128xi32>
    %eq3A_466 = arith.cmpi eq, %eq3A_465, %iota3A_143 : vector<128x128xi32>
    %convert_element_type3A_467 = arith.extui %eq3A_466 : vector<128x128xi1> to vector<128x128xi32>
    %convert_element_type3A_468 = arith.sitofp %convert_element_type3A_467 : vector<128x128xi32> to vector<128x128xf32>
    %dot_general3A_469 = arith.constant dense<0.000000e+00> : vector<128x128xf32>
    %dot_general3A_470 = tpu.matmul %convert_element_type3A_423, %convert_element_type3A_468, %dot_general3A_469 {dimension_numbers = #tpu.dot_dimension_numbers<[1], [0], [0], [1], [0, 0, 1, 1], [], []>, transpose_lhs_hint = false} : vector<128x128xf32>, vector<128x128xf32>, vector<128x128xf32> -> vector<128x128xf32>
    %slice3A_471 = vector.extract_strided_slice %dot_general3A_405 {offsets = [2, 0], sizes = [1, 128], strides = [1, 1]} : vector<32x128xf32> to vector<1x128xf32>
    %add3A_472 = vector.broadcast %slice3A_471 : vector<1x128xf32> to vector<128x128xf32>
    %add3A_473 = arith.addf %dot_general3A_470, %add3A_472 : vector<128x128xf32>
    %add3A_474 = vector.broadcast %slice3A_418 : vector<1x128xf32> to vector<128x128xf32>
    %add3A_475 = arith.addf %add3A_473, %add3A_474 : vector<128x128xf32>
    %mul3A_476 = arith.mulf %convert_element_type3A_468, %add3A_475 : vector<128x128xf32>
    %reduce_sum3A_477 = arith.constant dense<0.000000e+00> : vector<128xf32>
    %reduce_sum3A_478 = vector.multi_reduction <add>, %mul3A_476, %reduce_sum3A_477 [1] : vector<128x128xf32> to vector<128xf32>
    %broadcast_in_dim3A_479 = vector.shape_cast %reduce_sum3A_478 : vector<128xf32> to vector<128x1xf32>
    %convert_element_type3A_480 = arith.fptosi %broadcast_in_dim3A_479 : vector<128x1xf32> to vector<128x1xi32>
    %swap3A_481 = arith.constant 256 : index
    %swap3A_482 = arith.constant 0 : index
    %swap3A_483 = vector.load %arg14[%swap3A_481, %swap3A_482] : memref<4096x1xi32, #tpu.memory_space<vmem>>, vector<128x1xi32>
    tpu.vector_store %arg14[%swap3A_481, %swap3A_482], %convert_element_type3A_480 {strides = array<i32>} : memref<4096x1xi32, #tpu.memory_space<vmem>>, vector<128x1xi32>,
    %slice3A_484 = vector.extract_strided_slice %broadcast_in_dim3A_46 {offsets = [384, 0], sizes = [128, 1], strides = [1, 1]} : vector<2048x1xi32> to vector<128x1xi32>
    %eq3A_485 = vector.broadcast %slice3A_484 : vector<128x1xi32> to vector<128x128xi32>
    %eq3A_486 = arith.cmpi eq, %eq3A_485, %iota3A_143 : vector<128x128xi32>
    %convert_element_type3A_487 = arith.extui %eq3A_486 : vector<128x128xi1> to vector<128x128xi32>
    %convert_element_type3A_488 = arith.sitofp %convert_element_type3A_487 : vector<128x128xi32> to vector<128x128xf32>
    %dot_general3A_489 = arith.constant dense<0.000000e+00> : vector<128x128xf32>
    %dot_general3A_490 = tpu.matmul %convert_element_type3A_423, %convert_element_type3A_488, %dot_general3A_489 {dimension_numbers = #tpu.dot_dimension_numbers<[1], [0], [0], [1], [0, 0, 1, 1], [], []>, transpose_lhs_hint = false} : vector<128x128xf32>, vector<128x128xf32>, vector<128x128xf32> -> vector<128x128xf32>
    %slice3A_491 = vector.extract_strided_slice %dot_general3A_405 {offsets = [3, 0], sizes = [1, 128], strides = [1, 1]} : vector<32x128xf32> to vector<1x128xf32>
    %add3A_492 = vector.broadcast %slice3A_491 : vector<1x128xf32> to vector<128x128xf32>
    %add3A_493 = arith.addf %dot_general3A_490, %add3A_492 : vector<128x128xf32>
    %add3A_494 = vector.broadcast %slice3A_418 : vector<1x128xf32> to vector<128x128xf32>
    %add3A_495 = arith.addf %add3A_493, %add3A_494 : vector<128x128xf32>
    %mul3A_496 = arith.mulf %convert_element_type3A_488, %add3A_495 : vector<128x128xf32>
    %reduce_sum3A_497 = arith.constant dense<0.000000e+00> : vector<128xf32>
    %reduce_sum3A_498 = vector.multi_reduction <add>, %mul3A_496, %reduce_sum3A_497 [1] : vector<128x128xf32> to vector<128xf32>
    %broadcast_in_dim3A_499 = vector.shape_cast %reduce_sum3A_498 : vector<128xf32> to vector<128x1xf32>
    %convert_element_type3A_500 = arith.fptosi %broadcast_in_dim3A_499 : vector<128x1xf32> to vector<128x1xi32>
    %swap3A_501 = arith.constant 384 : index
    %swap3A_502 = arith.constant 0 : index
    %swap3A_503 = vector.load %arg14[%swap3A_501, %swap3A_502] : memref<4096x1xi32, #tpu.memory_space<vmem>>, vector<128x1xi32>
    tpu.vector_store %arg14[%swap3A_501, %swap3A_502], %convert_element_type3A_500 {strides = array<i32>} : memref<4096x1xi32, #tpu.memory_space<vmem>>, vector<128x1xi32>,
    %slice3A_504 = vector.extract_strided_slice %broadcast_in_dim3A_46 {offsets = [512, 0], sizes = [128, 1], strides = [1, 1]} : vector<2048x1xi32> to vector<128x1xi32>
    %eq3A_505 = vector.broadcast %slice3A_504 : vector<128x1xi32> to vector<128x128xi32>
    %eq3A_506 = arith.cmpi eq, %eq3A_505, %iota3A_143 : vector<128x128xi32>
    %convert_element_type3A_507 = arith.extui %eq3A_506 : vector<128x128xi1> to vector<128x128xi32>
    %convert_element_type3A_508 = arith.sitofp %convert_element_type3A_507 : vector<128x128xi32> to vector<128x128xf32>
    %dot_general3A_509 = arith.constant dense<0.000000e+00> : vector<128x128xf32>
    %dot_general3A_510 = tpu.matmul %convert_element_type3A_423, %convert_element_type3A_508, %dot_general3A_509 {dimension_numbers = #tpu.dot_dimension_numbers<[1], [0], [0], [1], [0, 0, 1, 1], [], []>, transpose_lhs_hint = false} : vector<128x128xf32>, vector<128x128xf32>, vector<128x128xf32> -> vector<128x128xf32>
    %slice3A_511 = vector.extract_strided_slice %dot_general3A_405 {offsets = [4, 0], sizes = [1, 128], strides = [1, 1]} : vector<32x128xf32> to vector<1x128xf32>
    %add3A_512 = vector.broadcast %slice3A_511 : vector<1x128xf32> to vector<128x128xf32>
    %add3A_513 = arith.addf %dot_general3A_510, %add3A_512 : vector<128x128xf32>
    %add3A_514 = vector.broadcast %slice3A_418 : vector<1x128xf32> to vector<128x128xf32>
    %add3A_515 = arith.addf %add3A_513, %add3A_514 : vector<128x128xf32>
    %mul3A_516 = arith.mulf %convert_element_type3A_508, %add3A_515 : vector<128x128xf32>
    %reduce_sum3A_517 = arith.constant dense<0.000000e+00> : vector<128xf32>
    %reduce_sum3A_518 = vector.multi_reduction <add>, %mul3A_516, %reduce_sum3A_517 [1] : vector<128x128xf32> to vector<128xf32>
    %broadcast_in_dim3A_519 = vector.shape_cast %reduce_sum3A_518 : vector<128xf32> to vector<128x1xf32>
    %convert_element_type3A_520 = arith.fptosi %broadcast_in_dim3A_519 : vector<128x1xf32> to vector<128x1xi32>
    %swap3A_521 = arith.constant 512 : index
    %swap3A_522 = arith.constant 0 : index
    %swap3A_523 = vector.load %arg14[%swap3A_521, %swap3A_522] : memref<4096x1xi32, #tpu.memory_space<vmem>>, vector<128x1xi32>
    tpu.vector_store %arg14[%swap3A_521, %swap3A_522], %convert_element_type3A_520 {strides = array<i32>} : memref<4096x1xi32, #tpu.memory_space<vmem>>, vector<128x1xi32>,
    %slice3A_524 = vector.extract_strided_slice %broadcast_in_dim3A_46 {offsets = [640, 0], sizes = [128, 1], strides = [1, 1]} : vector<2048x1xi32> to vector<128x1xi32>
    %eq3A_525 = vector.broadcast %slice3A_524 : vector<128x1xi32> to vector<128x128xi32>
    %eq3A_526 = arith.cmpi eq, %eq3A_525, %iota3A_143 : vector<128x128xi32>
    %convert_element_type3A_527 = arith.extui %eq3A_526 : vector<128x128xi1> to vector<128x128xi32>
    %convert_element_type3A_528 = arith.sitofp %convert_element_type3A_527 : vector<128x128xi32> to vector<128x128xf32>
    %dot_general3A_529 = arith.constant dense<0.000000e+00> : vector<128x128xf32>
    %dot_general3A_530 = tpu.matmul %convert_element_type3A_423, %convert_element_type3A_528, %dot_general3A_529 {dimension_numbers = #tpu.dot_dimension_numbers<[1], [0], [0], [1], [0, 0, 1, 1], [], []>, transpose_lhs_hint = false} : vector<128x128xf32>, vector<128x128xf32>, vector<128x128xf32> -> vector<128x128xf32>
    %slice3A_531 = vector.extract_strided_slice %dot_general3A_405 {offsets = [5, 0], sizes = [1, 128], strides = [1, 1]} : vector<32x128xf32> to vector<1x128xf32>
    %add3A_532 = vector.broadcast %slice3A_531 : vector<1x128xf32> to vector<128x128xf32>
    %add3A_533 = arith.addf %dot_general3A_530, %add3A_532 : vector<128x128xf32>
    %add3A_534 = vector.broadcast %slice3A_418 : vector<1x128xf32> to vector<128x128xf32>
    %add3A_535 = arith.addf %add3A_533, %add3A_534 : vector<128x128xf32>
    %mul3A_536 = arith.mulf %convert_element_type3A_528, %add3A_535 : vector<128x128xf32>
    %reduce_sum3A_537 = arith.constant dense<0.000000e+00> : vector<128xf32>
    %reduce_sum3A_538 = vector.multi_reduction <add>, %mul3A_536, %reduce_sum3A_537 [1] : vector<128x128xf32> to vector<128xf32>
    %broadcast_in_dim3A_539 = vector.shape_cast %reduce_sum3A_538 : vector<128xf32> to vector<128x1xf32>
    %convert_element_type3A_540 = arith.fptosi %broadcast_in_dim3A_539 : vector<128x1xf32> to vector<128x1xi32>
    %swap3A_541 = arith.constant 640 : index
    %swap3A_542 = arith.constant 0 : index
    %swap3A_543 = vector.load %arg14[%swap3A_541, %swap3A_542] : memref<4096x1xi32, #tpu.memory_space<vmem>>, vector<128x1xi32>
    tpu.vector_store %arg14[%swap3A_541, %swap3A_542], %convert_element_type3A_540 {strides = array<i32>} : memref<4096x1xi32, #tpu.memory_space<vmem>>, vector<128x1xi32>,
    %slice3A_544 = vector.extract_strided_slice %broadcast_in_dim3A_46 {offsets = [768, 0], sizes = [128, 1], strides = [1, 1]} : vector<2048x1xi32> to vector<128x1xi32>
    %eq3A_545 = vector.broadcast %slice3A_544 : vector<128x1xi32> to vector<128x128xi32>
    %eq3A_546 = arith.cmpi eq, %eq3A_545, %iota3A_143 : vector<128x128xi32>
    %convert_element_type3A_547 = arith.extui %eq3A_546 : vector<128x128xi1> to vector<128x128xi32>
    %convert_element_type3A_548 = arith.sitofp %convert_element_type3A_547 : vector<128x128xi32> to vector<128x128xf32>
    %dot_general3A_549 = arith.constant dense<0.000000e+00> : vector<128x128xf32>
    %dot_general3A_550 = tpu.matmul %convert_element_type3A_423, %convert_element_type3A_548, %dot_general3A_549 {dimension_numbers = #tpu.dot_dimension_numbers<[1], [0], [0], [1], [0, 0, 1, 1], [], []>, transpose_lhs_hint = false} : vector<128x128xf32>, vector<128x128xf32>, vector<128x128xf32> -> vector<128x128xf32>
    %slice3A_551 = vector.extract_strided_slice %dot_general3A_405 {offsets = [6, 0], sizes = [1, 128], strides = [1, 1]} : vector<32x128xf32> to vector<1x128xf32>
    %add3A_552 = vector.broadcast %slice3A_551 : vector<1x128xf32> to vector<128x128xf32>
    %add3A_553 = arith.addf %dot_general3A_550, %add3A_552 : vector<128x128xf32>
    %add3A_554 = vector.broadcast %slice3A_418 : vector<1x128xf32> to vector<128x128xf32>
    %add3A_555 = arith.addf %add3A_553, %add3A_554 : vector<128x128xf32>
    %mul3A_556 = arith.mulf %convert_element_type3A_548, %add3A_555 : vector<128x128xf32>
    %reduce_sum3A_557 = arith.constant dense<0.000000e+00> : vector<128xf32>
    %reduce_sum3A_558 = vector.multi_reduction <add>, %mul3A_556, %reduce_sum3A_557 [1] : vector<128x128xf32> to vector<128xf32>
    %broadcast_in_dim3A_559 = vector.shape_cast %reduce_sum3A_558 : vector<128xf32> to vector<128x1xf32>
    %convert_element_type3A_560 = arith.fptosi %broadcast_in_dim3A_559 : vector<128x1xf32> to vector<128x1xi32>
    %swap3A_561 = arith.constant 768 : index
    %swap3A_562 = arith.constant 0 : index
    %swap3A_563 = vector.load %arg14[%swap3A_561, %swap3A_562] : memref<4096x1xi32, #tpu.memory_space<vmem>>, vector<128x1xi32>
    tpu.vector_store %arg14[%swap3A_561, %swap3A_562], %convert_element_type3A_560 {strides = array<i32>} : memref<4096x1xi32, #tpu.memory_space<vmem>>, vector<128x1xi32>,
    %slice3A_564 = vector.extract_strided_slice %broadcast_in_dim3A_46 {offsets = [896, 0], sizes = [128, 1], strides = [1, 1]} : vector<2048x1xi32> to vector<128x1xi32>
    %eq3A_565 = vector.broadcast %slice3A_564 : vector<128x1xi32> to vector<128x128xi32>
    %eq3A_566 = arith.cmpi eq, %eq3A_565, %iota3A_143 : vector<128x128xi32>
    %convert_element_type3A_567 = arith.extui %eq3A_566 : vector<128x128xi1> to vector<128x128xi32>
    %convert_element_type3A_568 = arith.sitofp %convert_element_type3A_567 : vector<128x128xi32> to vector<128x128xf32>
    %dot_general3A_569 = arith.constant dense<0.000000e+00> : vector<128x128xf32>
    %dot_general3A_570 = tpu.matmul %convert_element_type3A_423, %convert_element_type3A_568, %dot_general3A_569 {dimension_numbers = #tpu.dot_dimension_numbers<[1], [0], [0], [1], [0, 0, 1, 1], [], []>, transpose_lhs_hint = false} : vector<128x128xf32>, vector<128x128xf32>, vector<128x128xf32> -> vector<128x128xf32>
    %slice3A_571 = vector.extract_strided_slice %dot_general3A_405 {offsets = [7, 0], sizes = [1, 128], strides = [1, 1]} : vector<32x128xf32> to vector<1x128xf32>
    %add3A_572 = vector.broadcast %slice3A_571 : vector<1x128xf32> to vector<128x128xf32>
    %add3A_573 = arith.addf %dot_general3A_570, %add3A_572 : vector<128x128xf32>
    %add3A_574 = vector.broadcast %slice3A_418 : vector<1x128xf32> to vector<128x128xf32>
    %add3A_575 = arith.addf %add3A_573, %add3A_574 : vector<128x128xf32>
    %mul3A_576 = arith.mulf %convert_element_type3A_568, %add3A_575 : vector<128x128xf32>
    %reduce_sum3A_577 = arith.constant dense<0.000000e+00> : vector<128xf32>
    %reduce_sum3A_578 = vector.multi_reduction <add>, %mul3A_576, %reduce_sum3A_577 [1] : vector<128x128xf32> to vector<128xf32>
    %broadcast_in_dim3A_579 = vector.shape_cast %reduce_sum3A_578 : vector<128xf32> to vector<128x1xf32>
    %convert_element_type3A_580 = arith.fptosi %broadcast_in_dim3A_579 : vector<128x1xf32> to vector<128x1xi32>
    %swap3A_581 = arith.constant 896 : index
    %swap3A_582 = arith.constant 0 : index
    %swap3A_583 = vector.load %arg14[%swap3A_581, %swap3A_582] : memref<4096x1xi32, #tpu.memory_space<vmem>>, vector<128x1xi32>
    tpu.vector_store %arg14[%swap3A_581, %swap3A_582], %convert_element_type3A_580 {strides = array<i32>} : memref<4096x1xi32, #tpu.memory_space<vmem>>, vector<128x1xi32>,
    %slice3A_584 = vector.extract_strided_slice %broadcast_in_dim3A_46 {offsets = [1024, 0], sizes = [128, 1], strides = [1, 1]} : vector<2048x1xi32> to vector<128x1xi32>
    %eq3A_585 = vector.broadcast %slice3A_584 : vector<128x1xi32> to vector<128x128xi32>
    %eq3A_586 = arith.cmpi eq, %eq3A_585, %iota3A_143 : vector<128x128xi32>
    %convert_element_type3A_587 = arith.extui %eq3A_586 : vector<128x128xi1> to vector<128x128xi32>
    %convert_element_type3A_588 = arith.sitofp %convert_element_type3A_587 : vector<128x128xi32> to vector<128x128xf32>
    %dot_general3A_589 = arith.constant dense<0.000000e+00> : vector<128x128xf32>
    %dot_general3A_590 = tpu.matmul %convert_element_type3A_423, %convert_element_type3A_588, %dot_general3A_589 {dimension_numbers = #tpu.dot_dimension_numbers<[1], [0], [0], [1], [0, 0, 1, 1], [], []>, transpose_lhs_hint = false} : vector<128x128xf32>, vector<128x128xf32>, vector<128x128xf32> -> vector<128x128xf32>
    %slice3A_591 = vector.extract_strided_slice %dot_general3A_405 {offsets = [8, 0], sizes = [1, 128], strides = [1, 1]} : vector<32x128xf32> to vector<1x128xf32>
    %add3A_592 = vector.broadcast %slice3A_591 : vector<1x128xf32> to vector<128x128xf32>
    %add3A_593 = arith.addf %dot_general3A_590, %add3A_592 : vector<128x128xf32>
    %add3A_594 = vector.broadcast %slice3A_418 : vector<1x128xf32> to vector<128x128xf32>
    %add3A_595 = arith.addf %add3A_593, %add3A_594 : vector<128x128xf32>
    %mul3A_596 = arith.mulf %convert_element_type3A_588, %add3A_595 : vector<128x128xf32>
    %reduce_sum3A_597 = arith.constant dense<0.000000e+00> : vector<128xf32>
    %reduce_sum3A_598 = vector.multi_reduction <add>, %mul3A_596, %reduce_sum3A_597 [1] : vector<128x128xf32> to vector<128xf32>
    %broadcast_in_dim3A_599 = vector.shape_cast %reduce_sum3A_598 : vector<128xf32> to vector<128x1xf32>
    %convert_element_type3A_600 = arith.fptosi %broadcast_in_dim3A_599 : vector<128x1xf32> to vector<128x1xi32>
    %swap3A_601 = arith.constant 1024 : index
    %swap3A_602 = arith.constant 0 : index
    %swap3A_603 = vector.load %arg14[%swap3A_601, %swap3A_602] : memref<4096x1xi32, #tpu.memory_space<vmem>>, vector<128x1xi32>
    tpu.vector_store %arg14[%swap3A_601, %swap3A_602], %convert_element_type3A_600 {strides = array<i32>} : memref<4096x1xi32, #tpu.memory_space<vmem>>, vector<128x1xi32>,
    %slice3A_604 = vector.extract_strided_slice %broadcast_in_dim3A_46 {offsets = [1152, 0], sizes = [128, 1], strides = [1, 1]} : vector<2048x1xi32> to vector<128x1xi32>
    %eq3A_605 = vector.broadcast %slice3A_604 : vector<128x1xi32> to vector<128x128xi32>
    %eq3A_606 = arith.cmpi eq, %eq3A_605, %iota3A_143 : vector<128x128xi32>
    %convert_element_type3A_607 = arith.extui %eq3A_606 : vector<128x128xi1> to vector<128x128xi32>
    %convert_element_type3A_608 = arith.sitofp %convert_element_type3A_607 : vector<128x128xi32> to vector<128x128xf32>
    %dot_general3A_609 = arith.constant dense<0.000000e+00> : vector<128x128xf32>
    %dot_general3A_610 = tpu.matmul %convert_element_type3A_423, %convert_element_type3A_608, %dot_general3A_609 {dimension_numbers = #tpu.dot_dimension_numbers<[1], [0], [0], [1], [0, 0, 1, 1], [], []>, transpose_lhs_hint = false} : vector<128x128xf32>, vector<128x128xf32>, vector<128x128xf32> -> vector<128x128xf32>
    %slice3A_611 = vector.extract_strided_slice %dot_general3A_405 {offsets = [9, 0], sizes = [1, 128], strides = [1, 1]} : vector<32x128xf32> to vector<1x128xf32>
    %add3A_612 = vector.broadcast %slice3A_611 : vector<1x128xf32> to vector<128x128xf32>
    %add3A_613 = arith.addf %dot_general3A_610, %add3A_612 : vector<128x128xf32>
    %add3A_614 = vector.broadcast %slice3A_418 : vector<1x128xf32> to vector<128x128xf32>
    %add3A_615 = arith.addf %add3A_613, %add3A_614 : vector<128x128xf32>
    %mul3A_616 = arith.mulf %convert_element_type3A_608, %add3A_615 : vector<128x128xf32>
    %reduce_sum3A_617 = arith.constant dense<0.000000e+00> : vector<128xf32>
    %reduce_sum3A_618 = vector.multi_reduction <add>, %mul3A_616, %reduce_sum3A_617 [1] : vector<128x128xf32> to vector<128xf32>
    %broadcast_in_dim3A_619 = vector.shape_cast %reduce_sum3A_618 : vector<128xf32> to vector<128x1xf32>
    %convert_element_type3A_620 = arith.fptosi %broadcast_in_dim3A_619 : vector<128x1xf32> to vector<128x1xi32>
    %swap3A_621 = arith.constant 1152 : index
    %swap3A_622 = arith.constant 0 : index
    %swap3A_623 = vector.load %arg14[%swap3A_621, %swap3A_622] : memref<4096x1xi32, #tpu.memory_space<vmem>>, vector<128x1xi32>
    tpu.vector_store %arg14[%swap3A_621, %swap3A_622], %convert_element_type3A_620 {strides = array<i32>} : memref<4096x1xi32, #tpu.memory_space<vmem>>, vector<128x1xi32>,
    %slice3A_624 = vector.extract_strided_slice %broadcast_in_dim3A_46 {offsets = [1280, 0], sizes = [128, 1], strides = [1, 1]} : vector<2048x1xi32> to vector<128x1xi32>
    %eq3A_625 = vector.broadcast %slice3A_624 : vector<128x1xi32> to vector<128x128xi32>
    %eq3A_626 = arith.cmpi eq, %eq3A_625, %iota3A_143 : vector<128x128xi32>
    %convert_element_type3A_627 = arith.extui %eq3A_626 : vector<128x128xi1> to vector<128x128xi32>
    %convert_element_type3A_628 = arith.sitofp %convert_element_type3A_627 : vector<128x128xi32> to vector<128x128xf32>
    %dot_general3A_629 = arith.constant dense<0.000000e+00> : vector<128x128xf32>
    %dot_general3A_630 = tpu.matmul %convert_element_type3A_423, %convert_element_type3A_628, %dot_general3A_629 {dimension_numbers = #tpu.dot_dimension_numbers<[1], [0], [0], [1], [0, 0, 1, 1], [], []>, transpose_lhs_hint = false} : vector<128x128xf32>, vector<128x128xf32>, vector<128x128xf32> -> vector<128x128xf32>
    %slice3A_631 = vector.extract_strided_slice %dot_general3A_405 {offsets = [10, 0], sizes = [1, 128], strides = [1, 1]} : vector<32x128xf32> to vector<1x128xf32>
    %add3A_632 = vector.broadcast %slice3A_631 : vector<1x128xf32> to vector<128x128xf32>
    %add3A_633 = arith.addf %dot_general3A_630, %add3A_632 : vector<128x128xf32>
    %add3A_634 = vector.broadcast %slice3A_418 : vector<1x128xf32> to vector<128x128xf32>
    %add3A_635 = arith.addf %add3A_633, %add3A_634 : vector<128x128xf32>
    %mul3A_636 = arith.mulf %convert_element_type3A_628, %add3A_635 : vector<128x128xf32>
    %reduce_sum3A_637 = arith.constant dense<0.000000e+00> : vector<128xf32>
    %reduce_sum3A_638 = vector.multi_reduction <add>, %mul3A_636, %reduce_sum3A_637 [1] : vector<128x128xf32> to vector<128xf32>
    %broadcast_in_dim3A_639 = vector.shape_cast %reduce_sum3A_638 : vector<128xf32> to vector<128x1xf32>
    %convert_element_type3A_640 = arith.fptosi %broadcast_in_dim3A_639 : vector<128x1xf32> to vector<128x1xi32>
    %swap3A_641 = arith.constant 1280 : index
    %swap3A_642 = arith.constant 0 : index
    %swap3A_643 = vector.load %arg14[%swap3A_641, %swap3A_642] : memref<4096x1xi32, #tpu.memory_space<vmem>>, vector<128x1xi32>
    tpu.vector_store %arg14[%swap3A_641, %swap3A_642], %convert_element_type3A_640 {strides = array<i32>} : memref<4096x1xi32, #tpu.memory_space<vmem>>, vector<128x1xi32>,
    %slice3A_644 = vector.extract_strided_slice %broadcast_in_dim3A_46 {offsets = [1408, 0], sizes = [128, 1], strides = [1, 1]} : vector<2048x1xi32> to vector<128x1xi32>
    %eq3A_645 = vector.broadcast %slice3A_644 : vector<128x1xi32> to vector<128x128xi32>
    %eq3A_646 = arith.cmpi eq, %eq3A_645, %iota3A_143 : vector<128x128xi32>
    %convert_element_type3A_647 = arith.extui %eq3A_646 : vector<128x128xi1> to vector<128x128xi32>
    %convert_element_type3A_648 = arith.sitofp %convert_element_type3A_647 : vector<128x128xi32> to vector<128x128xf32>
    %dot_general3A_649 = arith.constant dense<0.000000e+00> : vector<128x128xf32>
    %dot_general3A_650 = tpu.matmul %convert_element_type3A_423, %convert_element_type3A_648, %dot_general3A_649 {dimension_numbers = #tpu.dot_dimension_numbers<[1], [0], [0], [1], [0, 0, 1, 1], [], []>, transpose_lhs_hint = false} : vector<128x128xf32>, vector<128x128xf32>, vector<128x128xf32> -> vector<128x128xf32>
    %slice3A_651 = vector.extract_strided_slice %dot_general3A_405 {offsets = [11, 0], sizes = [1, 128], strides = [1, 1]} : vector<32x128xf32> to vector<1x128xf32>
    %add3A_652 = vector.broadcast %slice3A_651 : vector<1x128xf32> to vector<128x128xf32>
    %add3A_653 = arith.addf %dot_general3A_650, %add3A_652 : vector<128x128xf32>
    %add3A_654 = vector.broadcast %slice3A_418 : vector<1x128xf32> to vector<128x128xf32>
    %add3A_655 = arith.addf %add3A_653, %add3A_654 : vector<128x128xf32>
    %mul3A_656 = arith.mulf %convert_element_type3A_648, %add3A_655 : vector<128x128xf32>
    %reduce_sum3A_657 = arith.constant dense<0.000000e+00> : vector<128xf32>
    %reduce_sum3A_658 = vector.multi_reduction <add>, %mul3A_656, %reduce_sum3A_657 [1] : vector<128x128xf32> to vector<128xf32>
    %broadcast_in_dim3A_659 = vector.shape_cast %reduce_sum3A_658 : vector<128xf32> to vector<128x1xf32>
    %convert_element_type3A_660 = arith.fptosi %broadcast_in_dim3A_659 : vector<128x1xf32> to vector<128x1xi32>
    %swap3A_661 = arith.constant 1408 : index
    %swap3A_662 = arith.constant 0 : index
    %swap3A_663 = vector.load %arg14[%swap3A_661, %swap3A_662] : memref<4096x1xi32, #tpu.memory_space<vmem>>, vector<128x1xi32>
    tpu.vector_store %arg14[%swap3A_661, %swap3A_662], %convert_element_type3A_660 {strides = array<i32>} : memref<4096x1xi32, #tpu.memory_space<vmem>>, vector<128x1xi32>,
    %slice3A_664 = vector.extract_strided_slice %broadcast_in_dim3A_46 {offsets = [1536, 0], sizes = [128, 1], strides = [1, 1]} : vector<2048x1xi32> to vector<128x1xi32>
    %eq3A_665 = vector.broadcast %slice3A_664 : vector<128x1xi32> to vector<128x128xi32>
    %eq3A_666 = arith.cmpi eq, %eq3A_665, %iota3A_143 : vector<128x128xi32>
    %convert_element_type3A_667 = arith.extui %eq3A_666 : vector<128x128xi1> to vector<128x128xi32>
    %convert_element_type3A_668 = arith.sitofp %convert_element_type3A_667 : vector<128x128xi32> to vector<128x128xf32>
    %dot_general3A_669 = arith.constant dense<0.000000e+00> : vector<128x128xf32>
    %dot_general3A_670 = tpu.matmul %convert_element_type3A_423, %convert_element_type3A_668, %dot_general3A_669 {dimension_numbers = #tpu.dot_dimension_numbers<[1], [0], [0], [1], [0, 0, 1, 1], [], []>, transpose_lhs_hint = false} : vector<128x128xf32>, vector<128x128xf32>, vector<128x128xf32> -> vector<128x128xf32>
    %slice3A_671 = vector.extract_strided_slice %dot_general3A_405 {offsets = [12, 0], sizes = [1, 128], strides = [1, 1]} : vector<32x128xf32> to vector<1x128xf32>
    %add3A_672 = vector.broadcast %slice3A_671 : vector<1x128xf32> to vector<128x128xf32>
    %add3A_673 = arith.addf %dot_general3A_670, %add3A_672 : vector<128x128xf32>
    %add3A_674 = vector.broadcast %slice3A_418 : vector<1x128xf32> to vector<128x128xf32>
    %add3A_675 = arith.addf %add3A_673, %add3A_674 : vector<128x128xf32>
    %mul3A_676 = arith.mulf %convert_element_type3A_668, %add3A_675 : vector<128x128xf32>
    %reduce_sum3A_677 = arith.constant dense<0.000000e+00> : vector<128xf32>
    %reduce_sum3A_678 = vector.multi_reduction <add>, %mul3A_676, %reduce_sum3A_677 [1] : vector<128x128xf32> to vector<128xf32>
    %broadcast_in_dim3A_679 = vector.shape_cast %reduce_sum3A_678 : vector<128xf32> to vector<128x1xf32>
    %convert_element_type3A_680 = arith.fptosi %broadcast_in_dim3A_679 : vector<128x1xf32> to vector<128x1xi32>
    %swap3A_681 = arith.constant 1536 : index
    %swap3A_682 = arith.constant 0 : index
    %swap3A_683 = vector.load %arg14[%swap3A_681, %swap3A_682] : memref<4096x1xi32, #tpu.memory_space<vmem>>, vector<128x1xi32>
    tpu.vector_store %arg14[%swap3A_681, %swap3A_682], %convert_element_type3A_680 {strides = array<i32>} : memref<4096x1xi32, #tpu.memory_space<vmem>>, vector<128x1xi32>,
    %slice3A_684 = vector.extract_strided_slice %broadcast_in_dim3A_46 {offsets = [1664, 0], sizes = [128, 1], strides = [1, 1]} : vector<2048x1xi32> to vector<128x1xi32>
    %eq3A_685 = vector.broadcast %slice3A_684 : vector<128x1xi32> to vector<128x128xi32>
    %eq3A_686 = arith.cmpi eq, %eq3A_685, %iota3A_143 : vector<128x128xi32>
    %convert_element_type3A_687 = arith.extui %eq3A_686 : vector<128x128xi1> to vector<128x128xi32>
    %convert_element_type3A_688 = arith.sitofp %convert_element_type3A_687 : vector<128x128xi32> to vector<128x128xf32>
    %dot_general3A_689 = arith.constant dense<0.000000e+00> : vector<128x128xf32>
    %dot_general3A_690 = tpu.matmul %convert_element_type3A_423, %convert_element_type3A_688, %dot_general3A_689 {dimension_numbers = #tpu.dot_dimension_numbers<[1], [0], [0], [1], [0, 0, 1, 1], [], []>, transpose_lhs_hint = false} : vector<128x128xf32>, vector<128x128xf32>, vector<128x128xf32> -> vector<128x128xf32>
    %slice3A_691 = vector.extract_strided_slice %dot_general3A_405 {offsets = [13, 0], sizes = [1, 128], strides = [1, 1]} : vector<32x128xf32> to vector<1x128xf32>
    %add3A_692 = vector.broadcast %slice3A_691 : vector<1x128xf32> to vector<128x128xf32>
    %add3A_693 = arith.addf %dot_general3A_690, %add3A_692 : vector<128x128xf32>
    %add3A_694 = vector.broadcast %slice3A_418 : vector<1x128xf32> to vector<128x128xf32>
    %add3A_695 = arith.addf %add3A_693, %add3A_694 : vector<128x128xf32>
    %mul3A_696 = arith.mulf %convert_element_type3A_688, %add3A_695 : vector<128x128xf32>
    %reduce_sum3A_697 = arith.constant dense<0.000000e+00> : vector<128xf32>
    %reduce_sum3A_698 = vector.multi_reduction <add>, %mul3A_696, %reduce_sum3A_697 [1] : vector<128x128xf32> to vector<128xf32>
    %broadcast_in_dim3A_699 = vector.shape_cast %reduce_sum3A_698 : vector<128xf32> to vector<128x1xf32>
    %convert_element_type3A_700 = arith.fptosi %broadcast_in_dim3A_699 : vector<128x1xf32> to vector<128x1xi32>
    %swap3A_701 = arith.constant 1664 : index
    %swap3A_702 = arith.constant 0 : index
    %swap3A_703 = vector.load %arg14[%swap3A_701, %swap3A_702] : memref<4096x1xi32, #tpu.memory_space<vmem>>, vector<128x1xi32>
    tpu.vector_store %arg14[%swap3A_701, %swap3A_702], %convert_element_type3A_700 {strides = array<i32>} : memref<4096x1xi32, #tpu.memory_space<vmem>>, vector<128x1xi32>,
    %slice3A_704 = vector.extract_strided_slice %broadcast_in_dim3A_46 {offsets = [1792, 0], sizes = [128, 1], strides = [1, 1]} : vector<2048x1xi32> to vector<128x1xi32>
    %eq3A_705 = vector.broadcast %slice3A_704 : vector<128x1xi32> to vector<128x128xi32>
    %eq3A_706 = arith.cmpi eq, %eq3A_705, %iota3A_143 : vector<128x128xi32>
    %convert_element_type3A_707 = arith.extui %eq3A_706 : vector<128x128xi1> to vector<128x128xi32>
    %convert_element_type3A_708 = arith.sitofp %convert_element_type3A_707 : vector<128x128xi32> to vector<128x128xf32>
    %dot_general3A_709 = arith.constant dense<0.000000e+00> : vector<128x128xf32>
    %dot_general3A_710 = tpu.matmul %convert_element_type3A_423, %convert_element_type3A_708, %dot_general3A_709 {dimension_numbers = #tpu.dot_dimension_numbers<[1], [0], [0], [1], [0, 0, 1, 1], [], []>, transpose_lhs_hint = false} : vector<128x128xf32>, vector<128x128xf32>, vector<128x128xf32> -> vector<128x128xf32>
    %slice3A_711 = vector.extract_strided_slice %dot_general3A_405 {offsets = [14, 0], sizes = [1, 128], strides = [1, 1]} : vector<32x128xf32> to vector<1x128xf32>
    %add3A_712 = vector.broadcast %slice3A_711 : vector<1x128xf32> to vector<128x128xf32>
    %add3A_713 = arith.addf %dot_general3A_710, %add3A_712 : vector<128x128xf32>
    %add3A_714 = vector.broadcast %slice3A_418 : vector<1x128xf32> to vector<128x128xf32>
    %add3A_715 = arith.addf %add3A_713, %add3A_714 : vector<128x128xf32>
    %mul3A_716 = arith.mulf %convert_element_type3A_708, %add3A_715 : vector<128x128xf32>
    %reduce_sum3A_717 = arith.constant dense<0.000000e+00> : vector<128xf32>
    %reduce_sum3A_718 = vector.multi_reduction <add>, %mul3A_716, %reduce_sum3A_717 [1] : vector<128x128xf32> to vector<128xf32>
    %broadcast_in_dim3A_719 = vector.shape_cast %reduce_sum3A_718 : vector<128xf32> to vector<128x1xf32>
    %convert_element_type3A_720 = arith.fptosi %broadcast_in_dim3A_719 : vector<128x1xf32> to vector<128x1xi32>
    %swap3A_721 = arith.constant 1792 : index
    %swap3A_722 = arith.constant 0 : index
    %swap3A_723 = vector.load %arg14[%swap3A_721, %swap3A_722] : memref<4096x1xi32, #tpu.memory_space<vmem>>, vector<128x1xi32>
    tpu.vector_store %arg14[%swap3A_721, %swap3A_722], %convert_element_type3A_720 {strides = array<i32>} : memref<4096x1xi32, #tpu.memory_space<vmem>>, vector<128x1xi32>,
    %slice3A_724 = vector.extract_strided_slice %broadcast_in_dim3A_46 {offsets = [1920, 0], sizes = [128, 1], strides = [1, 1]} : vector<2048x1xi32> to vector<128x1xi32>
    %eq3A_725 = vector.broadcast %slice3A_724 : vector<128x1xi32> to vector<128x128xi32>
    %eq3A_726 = arith.cmpi eq, %eq3A_725, %iota3A_143 : vector<128x128xi32>
    %convert_element_type3A_727 = arith.extui %eq3A_726 : vector<128x128xi1> to vector<128x128xi32>
    %convert_element_type3A_728 = arith.sitofp %convert_element_type3A_727 : vector<128x128xi32> to vector<128x128xf32>
    %dot_general3A_729 = arith.constant dense<0.000000e+00> : vector<128x128xf32>
    %dot_general3A_730 = tpu.matmul %convert_element_type3A_423, %convert_element_type3A_728, %dot_general3A_729 {dimension_numbers = #tpu.dot_dimension_numbers<[1], [0], [0], [1], [0, 0, 1, 1], [], []>, transpose_lhs_hint = false} : vector<128x128xf32>, vector<128x128xf32>, vector<128x128xf32> -> vector<128x128xf32>
    %slice3A_731 = vector.extract_strided_slice %dot_general3A_405 {offsets = [15, 0], sizes = [1, 128], strides = [1, 1]} : vector<32x128xf32> to vector<1x128xf32>
    %add3A_732 = vector.broadcast %slice3A_731 : vector<1x128xf32> to vector<128x128xf32>
    %add3A_733 = arith.addf %dot_general3A_730, %add3A_732 : vector<128x128xf32>
    %add3A_734 = vector.broadcast %slice3A_418 : vector<1x128xf32> to vector<128x128xf32>
    %add3A_735 = arith.addf %add3A_733, %add3A_734 : vector<128x128xf32>
    %mul3A_736 = arith.mulf %convert_element_type3A_728, %add3A_735 : vector<128x128xf32>
    %reduce_sum3A_737 = arith.constant dense<0.000000e+00> : vector<128xf32>
    %reduce_sum3A_738 = vector.multi_reduction <add>, %mul3A_736, %reduce_sum3A_737 [1] : vector<128x128xf32> to vector<128xf32>
    %broadcast_in_dim3A_739 = vector.shape_cast %reduce_sum3A_738 : vector<128xf32> to vector<128x1xf32>
    %convert_element_type3A_740 = arith.fptosi %broadcast_in_dim3A_739 : vector<128x1xf32> to vector<128x1xi32>
    %swap3A_741 = arith.constant 1920 : index
    %swap3A_742 = arith.constant 0 : index
    %swap3A_743 = vector.load %arg14[%swap3A_741, %swap3A_742] : memref<4096x1xi32, #tpu.memory_space<vmem>>, vector<128x1xi32>
    tpu.vector_store %arg14[%swap3A_741, %swap3A_742], %convert_element_type3A_740 {strides = array<i32>} : memref<4096x1xi32, #tpu.memory_space<vmem>>, vector<128x1xi32>,
    %slice3A_744 = vector.extract_strided_slice %broadcast_in_dim3A_62 {offsets = [0, 0], sizes = [128, 1], strides = [1, 1]} : vector<2048x1xi32> to vector<128x1xi32>
    %eq3A_745 = vector.broadcast %slice3A_744 : vector<128x1xi32> to vector<128x128xi32>
    %eq3A_746 = arith.cmpi eq, %eq3A_745, %iota3A_143 : vector<128x128xi32>
    %convert_element_type3A_747 = arith.extui %eq3A_746 : vector<128x128xi1> to vector<128x128xi32>
    %convert_element_type3A_748 = arith.sitofp %convert_element_type3A_747 : vector<128x128xi32> to vector<128x128xf32>
    %dot_general3A_749 = arith.constant dense<0.000000e+00> : vector<128x128xf32>
    %dot_general3A_750 = tpu.matmul %convert_element_type3A_423, %convert_element_type3A_748, %dot_general3A_749 {dimension_numbers = #tpu.dot_dimension_numbers<[1], [0], [0], [1], [0, 0, 1, 1], [], []>, transpose_lhs_hint = false} : vector<128x128xf32>, vector<128x128xf32>, vector<128x128xf32> -> vector<128x128xf32>
    %slice3A_751 = vector.extract_strided_slice %dot_general3A_405 {offsets = [16, 0], sizes = [1, 128], strides = [1, 1]} : vector<32x128xf32> to vector<1x128xf32>
    %add3A_752 = vector.broadcast %slice3A_751 : vector<1x128xf32> to vector<128x128xf32>
    %add3A_753 = arith.addf %dot_general3A_750, %add3A_752 : vector<128x128xf32>
    %add3A_754 = vector.broadcast %slice3A_418 : vector<1x128xf32> to vector<128x128xf32>
    %add3A_755 = arith.addf %add3A_753, %add3A_754 : vector<128x128xf32>
    %mul3A_756 = arith.mulf %convert_element_type3A_748, %add3A_755 : vector<128x128xf32>
    %reduce_sum3A_757 = arith.constant dense<0.000000e+00> : vector<128xf32>
    %reduce_sum3A_758 = vector.multi_reduction <add>, %mul3A_756, %reduce_sum3A_757 [1] : vector<128x128xf32> to vector<128xf32>
    %broadcast_in_dim3A_759 = vector.shape_cast %reduce_sum3A_758 : vector<128xf32> to vector<128x1xf32>
    %convert_element_type3A_760 = arith.fptosi %broadcast_in_dim3A_759 : vector<128x1xf32> to vector<128x1xi32>
    %swap3A_761 = arith.constant 2048 : index
    %swap3A_762 = arith.constant 0 : index
    %swap3A_763 = vector.load %arg14[%swap3A_761, %swap3A_762] : memref<4096x1xi32, #tpu.memory_space<vmem>>, vector<128x1xi32>
    tpu.vector_store %arg14[%swap3A_761, %swap3A_762], %convert_element_type3A_760 {strides = array<i32>} : memref<4096x1xi32, #tpu.memory_space<vmem>>, vector<128x1xi32>,
    %slice3A_764 = vector.extract_strided_slice %broadcast_in_dim3A_62 {offsets = [128, 0], sizes = [128, 1], strides = [1, 1]} : vector<2048x1xi32> to vector<128x1xi32>
    %eq3A_765 = vector.broadcast %slice3A_764 : vector<128x1xi32> to vector<128x128xi32>
    %eq3A_766 = arith.cmpi eq, %eq3A_765, %iota3A_143 : vector<128x128xi32>
    %convert_element_type3A_767 = arith.extui %eq3A_766 : vector<128x128xi1> to vector<128x128xi32>
    %convert_element_type3A_768 = arith.sitofp %convert_element_type3A_767 : vector<128x128xi32> to vector<128x128xf32>
    %dot_general3A_769 = arith.constant dense<0.000000e+00> : vector<128x128xf32>
    %dot_general3A_770 = tpu.matmul %convert_element_type3A_423, %convert_element_type3A_768, %dot_general3A_769 {dimension_numbers = #tpu.dot_dimension_numbers<[1], [0], [0], [1], [0, 0, 1, 1], [], []>, transpose_lhs_hint = false} : vector<128x128xf32>, vector<128x128xf32>, vector<128x128xf32> -> vector<128x128xf32>
    %slice3A_771 = vector.extract_strided_slice %dot_general3A_405 {offsets = [17, 0], sizes = [1, 128], strides = [1, 1]} : vector<32x128xf32> to vector<1x128xf32>
    %add3A_772 = vector.broadcast %slice3A_771 : vector<1x128xf32> to vector<128x128xf32>
    %add3A_773 = arith.addf %dot_general3A_770, %add3A_772 : vector<128x128xf32>
    %add3A_774 = vector.broadcast %slice3A_418 : vector<1x128xf32> to vector<128x128xf32>
    %add3A_775 = arith.addf %add3A_773, %add3A_774 : vector<128x128xf32>
    %mul3A_776 = arith.mulf %convert_element_type3A_768, %add3A_775 : vector<128x128xf32>
    %reduce_sum3A_777 = arith.constant dense<0.000000e+00> : vector<128xf32>
    %reduce_sum3A_778 = vector.multi_reduction <add>, %mul3A_776, %reduce_sum3A_777 [1] : vector<128x128xf32> to vector<128xf32>
    %broadcast_in_dim3A_779 = vector.shape_cast %reduce_sum3A_778 : vector<128xf32> to vector<128x1xf32>
    %convert_element_type3A_780 = arith.fptosi %broadcast_in_dim3A_779 : vector<128x1xf32> to vector<128x1xi32>
    %swap3A_781 = arith.constant 2176 : index
    %swap3A_782 = arith.constant 0 : index
    %swap3A_783 = vector.load %arg14[%swap3A_781, %swap3A_782] : memref<4096x1xi32, #tpu.memory_space<vmem>>, vector<128x1xi32>
    tpu.vector_store %arg14[%swap3A_781, %swap3A_782], %convert_element_type3A_780 {strides = array<i32>} : memref<4096x1xi32, #tpu.memory_space<vmem>>, vector<128x1xi32>,
    %slice3A_784 = vector.extract_strided_slice %broadcast_in_dim3A_62 {offsets = [256, 0], sizes = [128, 1], strides = [1, 1]} : vector<2048x1xi32> to vector<128x1xi32>
    %eq3A_785 = vector.broadcast %slice3A_784 : vector<128x1xi32> to vector<128x128xi32>
    %eq3A_786 = arith.cmpi eq, %eq3A_785, %iota3A_143 : vector<128x128xi32>
    %convert_element_type3A_787 = arith.extui %eq3A_786 : vector<128x128xi1> to vector<128x128xi32>
    %convert_element_type3A_788 = arith.sitofp %convert_element_type3A_787 : vector<128x128xi32> to vector<128x128xf32>
    %dot_general3A_789 = arith.constant dense<0.000000e+00> : vector<128x128xf32>
    %dot_general3A_790 = tpu.matmul %convert_element_type3A_423, %convert_element_type3A_788, %dot_general3A_789 {dimension_numbers = #tpu.dot_dimension_numbers<[1], [0], [0], [1], [0, 0, 1, 1], [], []>, transpose_lhs_hint = false} : vector<128x128xf32>, vector<128x128xf32>, vector<128x128xf32> -> vector<128x128xf32>
    %slice3A_791 = vector.extract_strided_slice %dot_general3A_405 {offsets = [18, 0], sizes = [1, 128], strides = [1, 1]} : vector<32x128xf32> to vector<1x128xf32>
    %add3A_792 = vector.broadcast %slice3A_791 : vector<1x128xf32> to vector<128x128xf32>
    %add3A_793 = arith.addf %dot_general3A_790, %add3A_792 : vector<128x128xf32>
    %add3A_794 = vector.broadcast %slice3A_418 : vector<1x128xf32> to vector<128x128xf32>
    %add3A_795 = arith.addf %add3A_793, %add3A_794 : vector<128x128xf32>
    %mul3A_796 = arith.mulf %convert_element_type3A_788, %add3A_795 : vector<128x128xf32>
    %reduce_sum3A_797 = arith.constant dense<0.000000e+00> : vector<128xf32>
    %reduce_sum3A_798 = vector.multi_reduction <add>, %mul3A_796, %reduce_sum3A_797 [1] : vector<128x128xf32> to vector<128xf32>
    %broadcast_in_dim3A_799 = vector.shape_cast %reduce_sum3A_798 : vector<128xf32> to vector<128x1xf32>
    %convert_element_type3A_800 = arith.fptosi %broadcast_in_dim3A_799 : vector<128x1xf32> to vector<128x1xi32>
    %swap3A_801 = arith.constant 2304 : index
    %swap3A_802 = arith.constant 0 : index
    %swap3A_803 = vector.load %arg14[%swap3A_801, %swap3A_802] : memref<4096x1xi32, #tpu.memory_space<vmem>>, vector<128x1xi32>
    tpu.vector_store %arg14[%swap3A_801, %swap3A_802], %convert_element_type3A_800 {strides = array<i32>} : memref<4096x1xi32, #tpu.memory_space<vmem>>, vector<128x1xi32>,
    %slice3A_804 = vector.extract_strided_slice %broadcast_in_dim3A_62 {offsets = [384, 0], sizes = [128, 1], strides = [1, 1]} : vector<2048x1xi32> to vector<128x1xi32>
    %eq3A_805 = vector.broadcast %slice3A_804 : vector<128x1xi32> to vector<128x128xi32>
    %eq3A_806 = arith.cmpi eq, %eq3A_805, %iota3A_143 : vector<128x128xi32>
    %convert_element_type3A_807 = arith.extui %eq3A_806 : vector<128x128xi1> to vector<128x128xi32>
    %convert_element_type3A_808 = arith.sitofp %convert_element_type3A_807 : vector<128x128xi32> to vector<128x128xf32>
    %dot_general3A_809 = arith.constant dense<0.000000e+00> : vector<128x128xf32>
    %dot_general3A_810 = tpu.matmul %convert_element_type3A_423, %convert_element_type3A_808, %dot_general3A_809 {dimension_numbers = #tpu.dot_dimension_numbers<[1], [0], [0], [1], [0, 0, 1, 1], [], []>, transpose_lhs_hint = false} : vector<128x128xf32>, vector<128x128xf32>, vector<128x128xf32> -> vector<128x128xf32>
    %slice3A_811 = vector.extract_strided_slice %dot_general3A_405 {offsets = [19, 0], sizes = [1, 128], strides = [1, 1]} : vector<32x128xf32> to vector<1x128xf32>
    %add3A_812 = vector.broadcast %slice3A_811 : vector<1x128xf32> to vector<128x128xf32>
    %add3A_813 = arith.addf %dot_general3A_810, %add3A_812 : vector<128x128xf32>
    %add3A_814 = vector.broadcast %slice3A_418 : vector<1x128xf32> to vector<128x128xf32>
    %add3A_815 = arith.addf %add3A_813, %add3A_814 : vector<128x128xf32>
    %mul3A_816 = arith.mulf %convert_element_type3A_808, %add3A_815 : vector<128x128xf32>
    %reduce_sum3A_817 = arith.constant dense<0.000000e+00> : vector<128xf32>
    %reduce_sum3A_818 = vector.multi_reduction <add>, %mul3A_816, %reduce_sum3A_817 [1] : vector<128x128xf32> to vector<128xf32>
    %broadcast_in_dim3A_819 = vector.shape_cast %reduce_sum3A_818 : vector<128xf32> to vector<128x1xf32>
    %convert_element_type3A_820 = arith.fptosi %broadcast_in_dim3A_819 : vector<128x1xf32> to vector<128x1xi32>
    %swap3A_821 = arith.constant 2432 : index
    %swap3A_822 = arith.constant 0 : index
    %swap3A_823 = vector.load %arg14[%swap3A_821, %swap3A_822] : memref<4096x1xi32, #tpu.memory_space<vmem>>, vector<128x1xi32>
    tpu.vector_store %arg14[%swap3A_821, %swap3A_822], %convert_element_type3A_820 {strides = array<i32>} : memref<4096x1xi32, #tpu.memory_space<vmem>>, vector<128x1xi32>,
    %slice3A_824 = vector.extract_strided_slice %broadcast_in_dim3A_62 {offsets = [512, 0], sizes = [128, 1], strides = [1, 1]} : vector<2048x1xi32> to vector<128x1xi32>
    %eq3A_825 = vector.broadcast %slice3A_824 : vector<128x1xi32> to vector<128x128xi32>
    %eq3A_826 = arith.cmpi eq, %eq3A_825, %iota3A_143 : vector<128x128xi32>
    %convert_element_type3A_827 = arith.extui %eq3A_826 : vector<128x128xi1> to vector<128x128xi32>
    %convert_element_type3A_828 = arith.sitofp %convert_element_type3A_827 : vector<128x128xi32> to vector<128x128xf32>
    %dot_general3A_829 = arith.constant dense<0.000000e+00> : vector<128x128xf32>
    %dot_general3A_830 = tpu.matmul %convert_element_type3A_423, %convert_element_type3A_828, %dot_general3A_829 {dimension_numbers = #tpu.dot_dimension_numbers<[1], [0], [0], [1], [0, 0, 1, 1], [], []>, transpose_lhs_hint = false} : vector<128x128xf32>, vector<128x128xf32>, vector<128x128xf32> -> vector<128x128xf32>
    %slice3A_831 = vector.extract_strided_slice %dot_general3A_405 {offsets = [20, 0], sizes = [1, 128], strides = [1, 1]} : vector<32x128xf32> to vector<1x128xf32>
    %add3A_832 = vector.broadcast %slice3A_831 : vector<1x128xf32> to vector<128x128xf32>
    %add3A_833 = arith.addf %dot_general3A_830, %add3A_832 : vector<128x128xf32>
    %add3A_834 = vector.broadcast %slice3A_418 : vector<1x128xf32> to vector<128x128xf32>
    %add3A_835 = arith.addf %add3A_833, %add3A_834 : vector<128x128xf32>
    %mul3A_836 = arith.mulf %convert_element_type3A_828, %add3A_835 : vector<128x128xf32>
    %reduce_sum3A_837 = arith.constant dense<0.000000e+00> : vector<128xf32>
    %reduce_sum3A_838 = vector.multi_reduction <add>, %mul3A_836, %reduce_sum3A_837 [1] : vector<128x128xf32> to vector<128xf32>
    %broadcast_in_dim3A_839 = vector.shape_cast %reduce_sum3A_838 : vector<128xf32> to vector<128x1xf32>
    %convert_element_type3A_840 = arith.fptosi %broadcast_in_dim3A_839 : vector<128x1xf32> to vector<128x1xi32>
    %swap3A_841 = arith.constant 2560 : index
    %swap3A_842 = arith.constant 0 : index
    %swap3A_843 = vector.load %arg14[%swap3A_841, %swap3A_842] : memref<4096x1xi32, #tpu.memory_space<vmem>>, vector<128x1xi32>
    tpu.vector_store %arg14[%swap3A_841, %swap3A_842], %convert_element_type3A_840 {strides = array<i32>} : memref<4096x1xi32, #tpu.memory_space<vmem>>, vector<128x1xi32>,
    %slice3A_844 = vector.extract_strided_slice %broadcast_in_dim3A_62 {offsets = [640, 0], sizes = [128, 1], strides = [1, 1]} : vector<2048x1xi32> to vector<128x1xi32>
    %eq3A_845 = vector.broadcast %slice3A_844 : vector<128x1xi32> to vector<128x128xi32>
    %eq3A_846 = arith.cmpi eq, %eq3A_845, %iota3A_143 : vector<128x128xi32>
    %convert_element_type3A_847 = arith.extui %eq3A_846 : vector<128x128xi1> to vector<128x128xi32>
    %convert_element_type3A_848 = arith.sitofp %convert_element_type3A_847 : vector<128x128xi32> to vector<128x128xf32>
    %dot_general3A_849 = arith.constant dense<0.000000e+00> : vector<128x128xf32>
    %dot_general3A_850 = tpu.matmul %convert_element_type3A_423, %convert_element_type3A_848, %dot_general3A_849 {dimension_numbers = #tpu.dot_dimension_numbers<[1], [0], [0], [1], [0, 0, 1, 1], [], []>, transpose_lhs_hint = false} : vector<128x128xf32>, vector<128x128xf32>, vector<128x128xf32> -> vector<128x128xf32>
    %slice3A_851 = vector.extract_strided_slice %dot_general3A_405 {offsets = [21, 0], sizes = [1, 128], strides = [1, 1]} : vector<32x128xf32> to vector<1x128xf32>
    %add3A_852 = vector.broadcast %slice3A_851 : vector<1x128xf32> to vector<128x128xf32>
    %add3A_853 = arith.addf %dot_general3A_850, %add3A_852 : vector<128x128xf32>
    %add3A_854 = vector.broadcast %slice3A_418 : vector<1x128xf32> to vector<128x128xf32>
    %add3A_855 = arith.addf %add3A_853, %add3A_854 : vector<128x128xf32>
    %mul3A_856 = arith.mulf %convert_element_type3A_848, %add3A_855 : vector<128x128xf32>
    %reduce_sum3A_857 = arith.constant dense<0.000000e+00> : vector<128xf32>
    %reduce_sum3A_858 = vector.multi_reduction <add>, %mul3A_856, %reduce_sum3A_857 [1] : vector<128x128xf32> to vector<128xf32>
    %broadcast_in_dim3A_859 = vector.shape_cast %reduce_sum3A_858 : vector<128xf32> to vector<128x1xf32>
    %convert_element_type3A_860 = arith.fptosi %broadcast_in_dim3A_859 : vector<128x1xf32> to vector<128x1xi32>
    %swap3A_861 = arith.constant 2688 : index
    %swap3A_862 = arith.constant 0 : index
    %swap3A_863 = vector.load %arg14[%swap3A_861, %swap3A_862] : memref<4096x1xi32, #tpu.memory_space<vmem>>, vector<128x1xi32>
    tpu.vector_store %arg14[%swap3A_861, %swap3A_862], %convert_element_type3A_860 {strides = array<i32>} : memref<4096x1xi32, #tpu.memory_space<vmem>>, vector<128x1xi32>,
    %slice3A_864 = vector.extract_strided_slice %broadcast_in_dim3A_62 {offsets = [768, 0], sizes = [128, 1], strides = [1, 1]} : vector<2048x1xi32> to vector<128x1xi32>
    %eq3A_865 = vector.broadcast %slice3A_864 : vector<128x1xi32> to vector<128x128xi32>
    %eq3A_866 = arith.cmpi eq, %eq3A_865, %iota3A_143 : vector<128x128xi32>
    %convert_element_type3A_867 = arith.extui %eq3A_866 : vector<128x128xi1> to vector<128x128xi32>
    %convert_element_type3A_868 = arith.sitofp %convert_element_type3A_867 : vector<128x128xi32> to vector<128x128xf32>
    %dot_general3A_869 = arith.constant dense<0.000000e+00> : vector<128x128xf32>
    %dot_general3A_870 = tpu.matmul %convert_element_type3A_423, %convert_element_type3A_868, %dot_general3A_869 {dimension_numbers = #tpu.dot_dimension_numbers<[1], [0], [0], [1], [0, 0, 1, 1], [], []>, transpose_lhs_hint = false} : vector<128x128xf32>, vector<128x128xf32>, vector<128x128xf32> -> vector<128x128xf32>
    %slice3A_871 = vector.extract_strided_slice %dot_general3A_405 {offsets = [22, 0], sizes = [1, 128], strides = [1, 1]} : vector<32x128xf32> to vector<1x128xf32>
    %add3A_872 = vector.broadcast %slice3A_871 : vector<1x128xf32> to vector<128x128xf32>
    %add3A_873 = arith.addf %dot_general3A_870, %add3A_872 : vector<128x128xf32>
    %add3A_874 = vector.broadcast %slice3A_418 : vector<1x128xf32> to vector<128x128xf32>
    %add3A_875 = arith.addf %add3A_873, %add3A_874 : vector<128x128xf32>
    %mul3A_876 = arith.mulf %convert_element_type3A_868, %add3A_875 : vector<128x128xf32>
    %reduce_sum3A_877 = arith.constant dense<0.000000e+00> : vector<128xf32>
    %reduce_sum3A_878 = vector.multi_reduction <add>, %mul3A_876, %reduce_sum3A_877 [1] : vector<128x128xf32> to vector<128xf32>
    %broadcast_in_dim3A_879 = vector.shape_cast %reduce_sum3A_878 : vector<128xf32> to vector<128x1xf32>
    %convert_element_type3A_880 = arith.fptosi %broadcast_in_dim3A_879 : vector<128x1xf32> to vector<128x1xi32>
    %swap3A_881 = arith.constant 2816 : index
    %swap3A_882 = arith.constant 0 : index
    %swap3A_883 = vector.load %arg14[%swap3A_881, %swap3A_882] : memref<4096x1xi32, #tpu.memory_space<vmem>>, vector<128x1xi32>
    tpu.vector_store %arg14[%swap3A_881, %swap3A_882], %convert_element_type3A_880 {strides = array<i32>} : memref<4096x1xi32, #tpu.memory_space<vmem>>, vector<128x1xi32>,
    %slice3A_884 = vector.extract_strided_slice %broadcast_in_dim3A_62 {offsets = [896, 0], sizes = [128, 1], strides = [1, 1]} : vector<2048x1xi32> to vector<128x1xi32>
    %eq3A_885 = vector.broadcast %slice3A_884 : vector<128x1xi32> to vector<128x128xi32>
    %eq3A_886 = arith.cmpi eq, %eq3A_885, %iota3A_143 : vector<128x128xi32>
    %convert_element_type3A_887 = arith.extui %eq3A_886 : vector<128x128xi1> to vector<128x128xi32>
    %convert_element_type3A_888 = arith.sitofp %convert_element_type3A_887 : vector<128x128xi32> to vector<128x128xf32>
    %dot_general3A_889 = arith.constant dense<0.000000e+00> : vector<128x128xf32>
    %dot_general3A_890 = tpu.matmul %convert_element_type3A_423, %convert_element_type3A_888, %dot_general3A_889 {dimension_numbers = #tpu.dot_dimension_numbers<[1], [0], [0], [1], [0, 0, 1, 1], [], []>, transpose_lhs_hint = false} : vector<128x128xf32>, vector<128x128xf32>, vector<128x128xf32> -> vector<128x128xf32>
    %slice3A_891 = vector.extract_strided_slice %dot_general3A_405 {offsets = [23, 0], sizes = [1, 128], strides = [1, 1]} : vector<32x128xf32> to vector<1x128xf32>
    %add3A_892 = vector.broadcast %slice3A_891 : vector<1x128xf32> to vector<128x128xf32>
    %add3A_893 = arith.addf %dot_general3A_890, %add3A_892 : vector<128x128xf32>
    %add3A_894 = vector.broadcast %slice3A_418 : vector<1x128xf32> to vector<128x128xf32>
    %add3A_895 = arith.addf %add3A_893, %add3A_894 : vector<128x128xf32>
    %mul3A_896 = arith.mulf %convert_element_type3A_888, %add3A_895 : vector<128x128xf32>
    %reduce_sum3A_897 = arith.constant dense<0.000000e+00> : vector<128xf32>
    %reduce_sum3A_898 = vector.multi_reduction <add>, %mul3A_896, %reduce_sum3A_897 [1] : vector<128x128xf32> to vector<128xf32>
    %broadcast_in_dim3A_899 = vector.shape_cast %reduce_sum3A_898 : vector<128xf32> to vector<128x1xf32>
    %convert_element_type3A_900 = arith.fptosi %broadcast_in_dim3A_899 : vector<128x1xf32> to vector<128x1xi32>
    %swap3A_901 = arith.constant 2944 : index
    %swap3A_902 = arith.constant 0 : index
    %swap3A_903 = vector.load %arg14[%swap3A_901, %swap3A_902] : memref<4096x1xi32, #tpu.memory_space<vmem>>, vector<128x1xi32>
    tpu.vector_store %arg14[%swap3A_901, %swap3A_902], %convert_element_type3A_900 {strides = array<i32>} : memref<4096x1xi32, #tpu.memory_space<vmem>>, vector<128x1xi32>,
    %slice3A_904 = vector.extract_strided_slice %broadcast_in_dim3A_62 {offsets = [1024, 0], sizes = [128, 1], strides = [1, 1]} : vector<2048x1xi32> to vector<128x1xi32>
    %eq3A_905 = vector.broadcast %slice3A_904 : vector<128x1xi32> to vector<128x128xi32>
    %eq3A_906 = arith.cmpi eq, %eq3A_905, %iota3A_143 : vector<128x128xi32>
    %convert_element_type3A_907 = arith.extui %eq3A_906 : vector<128x128xi1> to vector<128x128xi32>
    %convert_element_type3A_908 = arith.sitofp %convert_element_type3A_907 : vector<128x128xi32> to vector<128x128xf32>
    %dot_general3A_909 = arith.constant dense<0.000000e+00> : vector<128x128xf32>
    %dot_general3A_910 = tpu.matmul %convert_element_type3A_423, %convert_element_type3A_908, %dot_general3A_909 {dimension_numbers = #tpu.dot_dimension_numbers<[1], [0], [0], [1], [0, 0, 1, 1], [], []>, transpose_lhs_hint = false} : vector<128x128xf32>, vector<128x128xf32>, vector<128x128xf32> -> vector<128x128xf32>
    %slice3A_911 = vector.extract_strided_slice %dot_general3A_405 {offsets = [24, 0], sizes = [1, 128], strides = [1, 1]} : vector<32x128xf32> to vector<1x128xf32>
    %add3A_912 = vector.broadcast %slice3A_911 : vector<1x128xf32> to vector<128x128xf32>
    %add3A_913 = arith.addf %dot_general3A_910, %add3A_912 : vector<128x128xf32>
    %add3A_914 = vector.broadcast %slice3A_418 : vector<1x128xf32> to vector<128x128xf32>
    %add3A_915 = arith.addf %add3A_913, %add3A_914 : vector<128x128xf32>
    %mul3A_916 = arith.mulf %convert_element_type3A_908, %add3A_915 : vector<128x128xf32>
    %reduce_sum3A_917 = arith.constant dense<0.000000e+00> : vector<128xf32>
    %reduce_sum3A_918 = vector.multi_reduction <add>, %mul3A_916, %reduce_sum3A_917 [1] : vector<128x128xf32> to vector<128xf32>
    %broadcast_in_dim3A_919 = vector.shape_cast %reduce_sum3A_918 : vector<128xf32> to vector<128x1xf32>
    %convert_element_type3A_920 = arith.fptosi %broadcast_in_dim3A_919 : vector<128x1xf32> to vector<128x1xi32>
    %swap3A_921 = arith.constant 3072 : index
    %swap3A_922 = arith.constant 0 : index
    %swap3A_923 = vector.load %arg14[%swap3A_921, %swap3A_922] : memref<4096x1xi32, #tpu.memory_space<vmem>>, vector<128x1xi32>
    tpu.vector_store %arg14[%swap3A_921, %swap3A_922], %convert_element_type3A_920 {strides = array<i32>} : memref<4096x1xi32, #tpu.memory_space<vmem>>, vector<128x1xi32>,
    %slice3A_924 = vector.extract_strided_slice %broadcast_in_dim3A_62 {offsets = [1152, 0], sizes = [128, 1], strides = [1, 1]} : vector<2048x1xi32> to vector<128x1xi32>
    %eq3A_925 = vector.broadcast %slice3A_924 : vector<128x1xi32> to vector<128x128xi32>
    %eq3A_926 = arith.cmpi eq, %eq3A_925, %iota3A_143 : vector<128x128xi32>
    %convert_element_type3A_927 = arith.extui %eq3A_926 : vector<128x128xi1> to vector<128x128xi32>
    %convert_element_type3A_928 = arith.sitofp %convert_element_type3A_927 : vector<128x128xi32> to vector<128x128xf32>
    %dot_general3A_929 = arith.constant dense<0.000000e+00> : vector<128x128xf32>
    %dot_general3A_930 = tpu.matmul %convert_element_type3A_423, %convert_element_type3A_928, %dot_general3A_929 {dimension_numbers = #tpu.dot_dimension_numbers<[1], [0], [0], [1], [0, 0, 1, 1], [], []>, transpose_lhs_hint = false} : vector<128x128xf32>, vector<128x128xf32>, vector<128x128xf32> -> vector<128x128xf32>
    %slice3A_931 = vector.extract_strided_slice %dot_general3A_405 {offsets = [25, 0], sizes = [1, 128], strides = [1, 1]} : vector<32x128xf32> to vector<1x128xf32>
    %add3A_932 = vector.broadcast %slice3A_931 : vector<1x128xf32> to vector<128x128xf32>
    %add3A_933 = arith.addf %dot_general3A_930, %add3A_932 : vector<128x128xf32>
    %add3A_934 = vector.broadcast %slice3A_418 : vector<1x128xf32> to vector<128x128xf32>
    %add3A_935 = arith.addf %add3A_933, %add3A_934 : vector<128x128xf32>
    %mul3A_936 = arith.mulf %convert_element_type3A_928, %add3A_935 : vector<128x128xf32>
    %reduce_sum3A_937 = arith.constant dense<0.000000e+00> : vector<128xf32>
    %reduce_sum3A_938 = vector.multi_reduction <add>, %mul3A_936, %reduce_sum3A_937 [1] : vector<128x128xf32> to vector<128xf32>
    %broadcast_in_dim3A_939 = vector.shape_cast %reduce_sum3A_938 : vector<128xf32> to vector<128x1xf32>
    %convert_element_type3A_940 = arith.fptosi %broadcast_in_dim3A_939 : vector<128x1xf32> to vector<128x1xi32>
    %swap3A_941 = arith.constant 3200 : index
    %swap3A_942 = arith.constant 0 : index
    %swap3A_943 = vector.load %arg14[%swap3A_941, %swap3A_942] : memref<4096x1xi32, #tpu.memory_space<vmem>>, vector<128x1xi32>
    tpu.vector_store %arg14[%swap3A_941, %swap3A_942], %convert_element_type3A_940 {strides = array<i32>} : memref<4096x1xi32, #tpu.memory_space<vmem>>, vector<128x1xi32>,
    %slice3A_944 = vector.extract_strided_slice %broadcast_in_dim3A_62 {offsets = [1280, 0], sizes = [128, 1], strides = [1, 1]} : vector<2048x1xi32> to vector<128x1xi32>
    %eq3A_945 = vector.broadcast %slice3A_944 : vector<128x1xi32> to vector<128x128xi32>
    %eq3A_946 = arith.cmpi eq, %eq3A_945, %iota3A_143 : vector<128x128xi32>
    %convert_element_type3A_947 = arith.extui %eq3A_946 : vector<128x128xi1> to vector<128x128xi32>
    %convert_element_type3A_948 = arith.sitofp %convert_element_type3A_947 : vector<128x128xi32> to vector<128x128xf32>
    %dot_general3A_949 = arith.constant dense<0.000000e+00> : vector<128x128xf32>
    %dot_general3A_950 = tpu.matmul %convert_element_type3A_423, %convert_element_type3A_948, %dot_general3A_949 {dimension_numbers = #tpu.dot_dimension_numbers<[1], [0], [0], [1], [0, 0, 1, 1], [], []>, transpose_lhs_hint = false} : vector<128x128xf32>, vector<128x128xf32>, vector<128x128xf32> -> vector<128x128xf32>
    %slice3A_951 = vector.extract_strided_slice %dot_general3A_405 {offsets = [26, 0], sizes = [1, 128], strides = [1, 1]} : vector<32x128xf32> to vector<1x128xf32>
    %add3A_952 = vector.broadcast %slice3A_951 : vector<1x128xf32> to vector<128x128xf32>
    %add3A_953 = arith.addf %dot_general3A_950, %add3A_952 : vector<128x128xf32>
    %add3A_954 = vector.broadcast %slice3A_418 : vector<1x128xf32> to vector<128x128xf32>
    %add3A_955 = arith.addf %add3A_953, %add3A_954 : vector<128x128xf32>
    %mul3A_956 = arith.mulf %convert_element_type3A_948, %add3A_955 : vector<128x128xf32>
    %reduce_sum3A_957 = arith.constant dense<0.000000e+00> : vector<128xf32>
    %reduce_sum3A_958 = vector.multi_reduction <add>, %mul3A_956, %reduce_sum3A_957 [1] : vector<128x128xf32> to vector<128xf32>
    %broadcast_in_dim3A_959 = vector.shape_cast %reduce_sum3A_958 : vector<128xf32> to vector<128x1xf32>
    %convert_element_type3A_960 = arith.fptosi %broadcast_in_dim3A_959 : vector<128x1xf32> to vector<128x1xi32>
    %swap3A_961 = arith.constant 3328 : index
    %swap3A_962 = arith.constant 0 : index
    %swap3A_963 = vector.load %arg14[%swap3A_961, %swap3A_962] : memref<4096x1xi32, #tpu.memory_space<vmem>>, vector<128x1xi32>
    tpu.vector_store %arg14[%swap3A_961, %swap3A_962], %convert_element_type3A_960 {strides = array<i32>} : memref<4096x1xi32, #tpu.memory_space<vmem>>, vector<128x1xi32>,
    %slice3A_964 = vector.extract_strided_slice %broadcast_in_dim3A_62 {offsets = [1408, 0], sizes = [128, 1], strides = [1, 1]} : vector<2048x1xi32> to vector<128x1xi32>
    %eq3A_965 = vector.broadcast %slice3A_964 : vector<128x1xi32> to vector<128x128xi32>
    %eq3A_966 = arith.cmpi eq, %eq3A_965, %iota3A_143 : vector<128x128xi32>
    %convert_element_type3A_967 = arith.extui %eq3A_966 : vector<128x128xi1> to vector<128x128xi32>
    %convert_element_type3A_968 = arith.sitofp %convert_element_type3A_967 : vector<128x128xi32> to vector<128x128xf32>
    %dot_general3A_969 = arith.constant dense<0.000000e+00> : vector<128x128xf32>
    %dot_general3A_970 = tpu.matmul %convert_element_type3A_423, %convert_element_type3A_968, %dot_general3A_969 {dimension_numbers = #tpu.dot_dimension_numbers<[1], [0], [0], [1], [0, 0, 1, 1], [], []>, transpose_lhs_hint = false} : vector<128x128xf32>, vector<128x128xf32>, vector<128x128xf32> -> vector<128x128xf32>
    %slice3A_971 = vector.extract_strided_slice %dot_general3A_405 {offsets = [27, 0], sizes = [1, 128], strides = [1, 1]} : vector<32x128xf32> to vector<1x128xf32>
    %add3A_972 = vector.broadcast %slice3A_971 : vector<1x128xf32> to vector<128x128xf32>
    %add3A_973 = arith.addf %dot_general3A_970, %add3A_972 : vector<128x128xf32>
    %add3A_974 = vector.broadcast %slice3A_418 : vector<1x128xf32> to vector<128x128xf32>
    %add3A_975 = arith.addf %add3A_973, %add3A_974 : vector<128x128xf32>
    %mul3A_976 = arith.mulf %convert_element_type3A_968, %add3A_975 : vector<128x128xf32>
    %reduce_sum3A_977 = arith.constant dense<0.000000e+00> : vector<128xf32>
    %reduce_sum3A_978 = vector.multi_reduction <add>, %mul3A_976, %reduce_sum3A_977 [1] : vector<128x128xf32> to vector<128xf32>
    %broadcast_in_dim3A_979 = vector.shape_cast %reduce_sum3A_978 : vector<128xf32> to vector<128x1xf32>
    %convert_element_type3A_980 = arith.fptosi %broadcast_in_dim3A_979 : vector<128x1xf32> to vector<128x1xi32>
    %swap3A_981 = arith.constant 3456 : index
    %swap3A_982 = arith.constant 0 : index
    %swap3A_983 = vector.load %arg14[%swap3A_981, %swap3A_982] : memref<4096x1xi32, #tpu.memory_space<vmem>>, vector<128x1xi32>
    tpu.vector_store %arg14[%swap3A_981, %swap3A_982], %convert_element_type3A_980 {strides = array<i32>} : memref<4096x1xi32, #tpu.memory_space<vmem>>, vector<128x1xi32>,
    %slice3A_984 = vector.extract_strided_slice %broadcast_in_dim3A_62 {offsets = [1536, 0], sizes = [128, 1], strides = [1, 1]} : vector<2048x1xi32> to vector<128x1xi32>
    %eq3A_985 = vector.broadcast %slice3A_984 : vector<128x1xi32> to vector<128x128xi32>
    %eq3A_986 = arith.cmpi eq, %eq3A_985, %iota3A_143 : vector<128x128xi32>
    %convert_element_type3A_987 = arith.extui %eq3A_986 : vector<128x128xi1> to vector<128x128xi32>
    %convert_element_type3A_988 = arith.sitofp %convert_element_type3A_987 : vector<128x128xi32> to vector<128x128xf32>
    %dot_general3A_989 = arith.constant dense<0.000000e+00> : vector<128x128xf32>
    %dot_general3A_990 = tpu.matmul %convert_element_type3A_423, %convert_element_type3A_988, %dot_general3A_989 {dimension_numbers = #tpu.dot_dimension_numbers<[1], [0], [0], [1], [0, 0, 1, 1], [], []>, transpose_lhs_hint = false} : vector<128x128xf32>, vector<128x128xf32>, vector<128x128xf32> -> vector<128x128xf32>
    %slice3A_991 = vector.extract_strided_slice %dot_general3A_405 {offsets = [28, 0], sizes = [1, 128], strides = [1, 1]} : vector<32x128xf32> to vector<1x128xf32>
    %add3A_992 = vector.broadcast %slice3A_991 : vector<1x128xf32> to vector<128x128xf32>
    %add3A_993 = arith.addf %dot_general3A_990, %add3A_992 : vector<128x128xf32>
    %add3A_994 = vector.broadcast %slice3A_418 : vector<1x128xf32> to vector<128x128xf32>
    %add3A_995 = arith.addf %add3A_993, %add3A_994 : vector<128x128xf32>
    %mul3A_996 = arith.mulf %convert_element_type3A_988, %add3A_995 : vector<128x128xf32>
    %reduce_sum3A_997 = arith.constant dense<0.000000e+00> : vector<128xf32>
    %reduce_sum3A_998 = vector.multi_reduction <add>, %mul3A_996, %reduce_sum3A_997 [1] : vector<128x128xf32> to vector<128xf32>
    %broadcast_in_dim3A_999 = vector.shape_cast %reduce_sum3A_998 : vector<128xf32> to vector<128x1xf32>
    %convert_element_type3A_1000 = arith.fptosi %broadcast_in_dim3A_999 : vector<128x1xf32> to vector<128x1xi32>
    %swap3A_1001 = arith.constant 3584 : index
    %swap3A_1002 = arith.constant 0 : index
    %swap3A_1003 = vector.load %arg14[%swap3A_1001, %swap3A_1002] : memref<4096x1xi32, #tpu.memory_space<vmem>>, vector<128x1xi32>
    tpu.vector_store %arg14[%swap3A_1001, %swap3A_1002], %convert_element_type3A_1000 {strides = array<i32>} : memref<4096x1xi32, #tpu.memory_space<vmem>>, vector<128x1xi32>,
    %slice3A_1004 = vector.extract_strided_slice %broadcast_in_dim3A_62 {offsets = [1664, 0], sizes = [128, 1], strides = [1, 1]} : vector<2048x1xi32> to vector<128x1xi32>
    %eq3A_1005 = vector.broadcast %slice3A_1004 : vector<128x1xi32> to vector<128x128xi32>
    %eq3A_1006 = arith.cmpi eq, %eq3A_1005, %iota3A_143 : vector<128x128xi32>
    %convert_element_type3A_1007 = arith.extui %eq3A_1006 : vector<128x128xi1> to vector<128x128xi32>
    %convert_element_type3A_1008 = arith.sitofp %convert_element_type3A_1007 : vector<128x128xi32> to vector<128x128xf32>
    %dot_general3A_1009 = arith.constant dense<0.000000e+00> : vector<128x128xf32>
    %dot_general3A_1010 = tpu.matmul %convert_element_type3A_423, %convert_element_type3A_1008, %dot_general3A_1009 {dimension_numbers = #tpu.dot_dimension_numbers<[1], [0], [0], [1], [0, 0, 1, 1], [], []>, transpose_lhs_hint = false} : vector<128x128xf32>, vector<128x128xf32>, vector<128x128xf32> -> vector<128x128xf32>
    %slice3A_1011 = vector.extract_strided_slice %dot_general3A_405 {offsets = [29, 0], sizes = [1, 128], strides = [1, 1]} : vector<32x128xf32> to vector<1x128xf32>
    %add3A_1012 = vector.broadcast %slice3A_1011 : vector<1x128xf32> to vector<128x128xf32>
    %add3A_1013 = arith.addf %dot_general3A_1010, %add3A_1012 : vector<128x128xf32>
    %add3A_1014 = vector.broadcast %slice3A_418 : vector<1x128xf32> to vector<128x128xf32>
    %add3A_1015 = arith.addf %add3A_1013, %add3A_1014 : vector<128x128xf32>
    %mul3A_1016 = arith.mulf %convert_element_type3A_1008, %add3A_1015 : vector<128x128xf32>
    %reduce_sum3A_1017 = arith.constant dense<0.000000e+00> : vector<128xf32>
    %reduce_sum3A_1018 = vector.multi_reduction <add>, %mul3A_1016, %reduce_sum3A_1017 [1] : vector<128x128xf32> to vector<128xf32>
    %broadcast_in_dim3A_1019 = vector.shape_cast %reduce_sum3A_1018 : vector<128xf32> to vector<128x1xf32>
    %convert_element_type3A_1020 = arith.fptosi %broadcast_in_dim3A_1019 : vector<128x1xf32> to vector<128x1xi32>
    %swap3A_1021 = arith.constant 3712 : index
    %swap3A_1022 = arith.constant 0 : index
    %swap3A_1023 = vector.load %arg14[%swap3A_1021, %swap3A_1022] : memref<4096x1xi32, #tpu.memory_space<vmem>>, vector<128x1xi32>
    tpu.vector_store %arg14[%swap3A_1021, %swap3A_1022], %convert_element_type3A_1020 {strides = array<i32>} : memref<4096x1xi32, #tpu.memory_space<vmem>>, vector<128x1xi32>,
    %slice3A_1024 = vector.extract_strided_slice %broadcast_in_dim3A_62 {offsets = [1792, 0], sizes = [128, 1], strides = [1, 1]} : vector<2048x1xi32> to vector<128x1xi32>
    %eq3A_1025 = vector.broadcast %slice3A_1024 : vector<128x1xi32> to vector<128x128xi32>
    %eq3A_1026 = arith.cmpi eq, %eq3A_1025, %iota3A_143 : vector<128x128xi32>
    %convert_element_type3A_1027 = arith.extui %eq3A_1026 : vector<128x128xi1> to vector<128x128xi32>
    %convert_element_type3A_1028 = arith.sitofp %convert_element_type3A_1027 : vector<128x128xi32> to vector<128x128xf32>
    %dot_general3A_1029 = arith.constant dense<0.000000e+00> : vector<128x128xf32>
    %dot_general3A_1030 = tpu.matmul %convert_element_type3A_423, %convert_element_type3A_1028, %dot_general3A_1029 {dimension_numbers = #tpu.dot_dimension_numbers<[1], [0], [0], [1], [0, 0, 1, 1], [], []>, transpose_lhs_hint = false} : vector<128x128xf32>, vector<128x128xf32>, vector<128x128xf32> -> vector<128x128xf32>
    %slice3A_1031 = vector.extract_strided_slice %dot_general3A_405 {offsets = [30, 0], sizes = [1, 128], strides = [1, 1]} : vector<32x128xf32> to vector<1x128xf32>
    %add3A_1032 = vector.broadcast %slice3A_1031 : vector<1x128xf32> to vector<128x128xf32>
    %add3A_1033 = arith.addf %dot_general3A_1030, %add3A_1032 : vector<128x128xf32>
    %add3A_1034 = vector.broadcast %slice3A_418 : vector<1x128xf32> to vector<128x128xf32>
    %add3A_1035 = arith.addf %add3A_1033, %add3A_1034 : vector<128x128xf32>
    %mul3A_1036 = arith.mulf %convert_element_type3A_1028, %add3A_1035 : vector<128x128xf32>
    %reduce_sum3A_1037 = arith.constant dense<0.000000e+00> : vector<128xf32>
    %reduce_sum3A_1038 = vector.multi_reduction <add>, %mul3A_1036, %reduce_sum3A_1037 [1] : vector<128x128xf32> to vector<128xf32>
    %broadcast_in_dim3A_1039 = vector.shape_cast %reduce_sum3A_1038 : vector<128xf32> to vector<128x1xf32>
    %convert_element_type3A_1040 = arith.fptosi %broadcast_in_dim3A_1039 : vector<128x1xf32> to vector<128x1xi32>
    %swap3A_1041 = arith.constant 3840 : index
    %swap3A_1042 = arith.constant 0 : index
    %swap3A_1043 = vector.load %arg14[%swap3A_1041, %swap3A_1042] : memref<4096x1xi32, #tpu.memory_space<vmem>>, vector<128x1xi32>
    tpu.vector_store %arg14[%swap3A_1041, %swap3A_1042], %convert_element_type3A_1040 {strides = array<i32>} : memref<4096x1xi32, #tpu.memory_space<vmem>>, vector<128x1xi32>,
    %slice3A_1044 = vector.extract_strided_slice %broadcast_in_dim3A_62 {offsets = [1920, 0], sizes = [128, 1], strides = [1, 1]} : vector<2048x1xi32> to vector<128x1xi32>
    %eq3A_1045 = vector.broadcast %slice3A_1044 : vector<128x1xi32> to vector<128x128xi32>
    %eq3A_1046 = arith.cmpi eq, %eq3A_1045, %iota3A_143 : vector<128x128xi32>
    %convert_element_type3A_1047 = arith.extui %eq3A_1046 : vector<128x128xi1> to vector<128x128xi32>
    %convert_element_type3A_1048 = arith.sitofp %convert_element_type3A_1047 : vector<128x128xi32> to vector<128x128xf32>
    %dot_general3A_1049 = arith.constant dense<0.000000e+00> : vector<128x128xf32>
    %dot_general3A_1050 = tpu.matmul %convert_element_type3A_423, %convert_element_type3A_1048, %dot_general3A_1049 {dimension_numbers = #tpu.dot_dimension_numbers<[1], [0], [0], [1], [0, 0, 1, 1], [], []>, transpose_lhs_hint = false} : vector<128x128xf32>, vector<128x128xf32>, vector<128x128xf32> -> vector<128x128xf32>
    %slice3A_1051 = vector.extract_strided_slice %dot_general3A_405 {offsets = [31, 0], sizes = [1, 128], strides = [1, 1]} : vector<32x128xf32> to vector<1x128xf32>
    %add3A_1052 = vector.broadcast %slice3A_1051 : vector<1x128xf32> to vector<128x128xf32>
    %add3A_1053 = arith.addf %dot_general3A_1050, %add3A_1052 : vector<128x128xf32>
    %add3A_1054 = vector.broadcast %slice3A_418 : vector<1x128xf32> to vector<128x128xf32>
    %add3A_1055 = arith.addf %add3A_1053, %add3A_1054 : vector<128x128xf32>
    %mul3A_1056 = arith.mulf %convert_element_type3A_1048, %add3A_1055 : vector<128x128xf32>
    %reduce_sum3A_1057 = arith.constant dense<0.000000e+00> : vector<128xf32>
    %reduce_sum3A_1058 = vector.multi_reduction <add>, %mul3A_1056, %reduce_sum3A_1057 [1] : vector<128x128xf32> to vector<128xf32>
    %broadcast_in_dim3A_1059 = vector.shape_cast %reduce_sum3A_1058 : vector<128xf32> to vector<128x1xf32>
    %convert_element_type3A_1060 = arith.fptosi %broadcast_in_dim3A_1059 : vector<128x1xf32> to vector<128x1xi32>
    %swap3A_1061 = arith.constant 3968 : index
    %swap3A_1062 = arith.constant 0 : index
    %swap3A_1063 = vector.load %arg14[%swap3A_1061, %swap3A_1062] : memref<4096x1xi32, #tpu.memory_space<vmem>>, vector<128x1xi32>
    tpu.vector_store %arg14[%swap3A_1061, %swap3A_1062], %convert_element_type3A_1060 {strides = array<i32>} : memref<4096x1xi32, #tpu.memory_space<vmem>>, vector<128x1xi32>,
    %div3A_1064 = arith.constant 2.560000e+02 : f32
    %div3A_1065 = vector.broadcast %div3A_1064 : f32 to vector<1x128xf32>
    %div3A_1066 = arith.divf %slice3A_418, %div3A_1065 : vector<1x128xf32>
    %floor3A = math.floor %div3A_1066 : vector<1x128xf32>
    %add3A_1067 = arith.addf %slice3A_418, %broadcast_in_dim3A_408 : vector<1x128xf32>
    %sub3A_1068 = arith.constant 1.000000e+00 : f32
    %sub3A_1069 = vector.broadcast %sub3A_1068 : f32 to vector<1x128xf32>
    %sub3A_1070 = arith.subf %add3A_1067, %sub3A_1069 : vector<1x128xf32>
    %div3A_1071 = arith.constant 2.560000e+02 : f32
    %div3A_1072 = vector.broadcast %div3A_1071 : f32 to vector<1x128xf32>
    %div3A_1073 = arith.divf %sub3A_1070, %div3A_1072 : vector<1x128xf32>
    %floor3A_1074 = math.floor %div3A_1073 : vector<1x128xf32>
    %gt3A = arith.constant 0.000000e+00 : f32
    %gt3A_1075 = vector.broadcast %gt3A : f32 to vector<1x128xf32>
    %gt3A_1076 = arith.cmpf ogt, %broadcast_in_dim3A_408, %gt3A_1075 : vector<1x128xf32>
    %sub3A_1077 = arith.subf %floor3A_1074, %floor3A : vector<1x128xf32>
    %add3A_1078 = arith.constant 1.000000e+00 : f32
    %add3A_1079 = vector.broadcast %add3A_1078 : f32 to vector<1x128xf32>
    %add3A_1080 = arith.addf %sub3A_1077, %add3A_1079 : vector<1x128xf32>
    %jit3A_1081 = arith.constant 0.000000e+00 : f32
    %broadcast_in_dim3A_1082 = vector.broadcast %jit3A_1081 : f32 to vector<1x128xf32>
    %select_n3A_1083 = arith.select %gt3A_1076, %add3A_1080, %broadcast_in_dim3A_1082 : vector<1x128xi1>, vector<1x128xf32>
    %broadcast_in_dim3A_1084 = vector.shape_cast %select_n3A_1083 : vector<1x128xf32> to vector<1x128xf32>
    %broadcast_in_dim3A_1085 = vector.broadcast %broadcast_in_dim3A_1084 : vector<1x128xf32> to vector<8x128xf32>
    %dot_general3A_1086 = arith.constant dense<0.000000e+00> : vector<8x128xf32>
    %dot_general3A_1087 = tpu.matmul %broadcast_in_dim3A_1085, %convert_element_type3A_415, %dot_general3A_1086 {dimension_numbers = #tpu.dot_dimension_numbers<[1], [0], [0], [1], [0, 0, 1, 1], [], []>, transpose_lhs_hint = false} : vector<8x128xf32>, vector<128x128xf32>, vector<8x128xf32> -> vector<8x128xf32>
    %slice3A_1088 = vector.extract_strided_slice %dot_general3A_1087 {offsets = [0, 0], sizes = [1, 128], strides = [1, 1]} : vector<8x128xf32> to vector<1x128xf32>
    %iota3A_1089 = tpu.iota {dimensions = array<i32: 1>} : vector<1x128xi32>
    %le3A = arith.constant 100 : i32
    %le3A_1090 = vector.broadcast %le3A : i32 to vector<1x128xi32>
    %le3A_1091 = arith.cmpi sle, %iota3A_1089, %le3A_1090 : vector<1x128xi32>
    %jit3A_1092 = arith.constant 1.000000e+09 : f32
    %broadcast_in_dim3A_1093 = vector.broadcast %jit3A_1092 : f32 to vector<1x128xf32>
    %select_n3A_1094 = arith.select %le3A_1091, %slice3A_1088, %broadcast_in_dim3A_1093 : vector<1x128xi1>, vector<1x128xf32>
    %broadcast_in_dim3A_1095 = vector.shape_cast %select_n3A_1094 : vector<1x128xf32> to vector<1x128xf32>
    %broadcast_in_dim3A_1096 = vector.broadcast %broadcast_in_dim3A_1095 : vector<1x128xf32> to vector<128x128xf32>
    %iota3A_1097 = tpu.iota {dimensions = array<i32: 0>} : vector<128x1xi32>
    %convert_element_type3A_1098 = arith.sitofp %iota3A_1097 : vector<128x1xi32> to vector<128x1xf32>
    %le3A_1099 = vector.broadcast %convert_element_type3A_1098 : vector<128x1xf32> to vector<128x128xf32>
    %le3A_1100 = arith.cmpf ole, %broadcast_in_dim3A_1096, %le3A_1099 : vector<128x128xf32>
    %convert_element_type3A_1101 = arith.extui %le3A_1100 : vector<128x128xi1> to vector<128x128xi32>
    %convert_element_type3A_1102 = arith.sitofp %convert_element_type3A_1101 : vector<128x128xi32> to vector<128x128xf32>
    %reduce_sum3A_1103 = arith.constant dense<0.000000e+00> : vector<128xf32>
    %reduce_sum3A_1104 = vector.multi_reduction <add>, %convert_element_type3A_1102, %reduce_sum3A_1103 [1] : vector<128x128xf32> to vector<128xf32>
    %broadcast_in_dim3A_1105 = vector.shape_cast %reduce_sum3A_1104 : vector<128xf32> to vector<128x1xf32>
    %sub3A_1106 = arith.constant 1.000000e+00 : f32
    %sub3A_1107 = vector.broadcast %sub3A_1106 : f32 to vector<128x1xf32>
    %sub3A_1108 = arith.subf %broadcast_in_dim3A_1105, %sub3A_1107 : vector<128x1xf32>
    %min3A = arith.constant 9.900000e+01 : f32
    %min3A_1109 = vector.broadcast %min3A : f32 to vector<128x1xf32>
    %min3A_1110 = arith.minimumf %sub3A_1108, %min3A_1109 : vector<128x1xf32>
    %iota3A_1111 = tpu.iota {dimensions = array<i32: 1>} : vector<128x128xi32>
    %convert_element_type3A_1112 = arith.sitofp %iota3A_1111 : vector<128x128xi32> to vector<128x128xf32>
    %eq3A_1113 = vector.broadcast %min3A_1110 : vector<128x1xf32> to vector<128x128xf32>
    %eq3A_1114 = arith.cmpf oeq, %convert_element_type3A_1112, %eq3A_1113 : vector<128x128xf32>
    %convert_element_type3A_1115 = arith.extui %eq3A_1114 : vector<128x128xi1> to vector<128x128xi32>
    %convert_element_type3A_1116 = arith.sitofp %convert_element_type3A_1115 : vector<128x128xi32> to vector<128x128xf32>
    %broadcast_in_dim3A_1117 = vector.shape_cast %slice3A_1088 : vector<1x128xf32> to vector<1x128xf32>
    %broadcast_in_dim3A_1118 = vector.broadcast %broadcast_in_dim3A_1117 : vector<1x128xf32> to vector<128x128xf32>
    %mul3A_1119 = arith.mulf %convert_element_type3A_1116, %broadcast_in_dim3A_1118 : vector<128x128xf32>
    %reduce_sum3A_1120 = arith.constant dense<0.000000e+00> : vector<128xf32>
    %reduce_sum3A_1121 = vector.multi_reduction <add>, %mul3A_1119, %reduce_sum3A_1120 [1] : vector<128x128xf32> to vector<128xf32>
    %broadcast_in_dim3A_1122 = vector.shape_cast %reduce_sum3A_1121 : vector<128xf32> to vector<128x1xf32>
    %broadcast_in_dim3A_1123 = vector.shape_cast %floor3A : vector<1x128xf32> to vector<1x128xf32>
    %broadcast_in_dim3A_1124 = vector.broadcast %broadcast_in_dim3A_1123 : vector<1x128xf32> to vector<128x128xf32>
    %mul3A_1125 = arith.mulf %convert_element_type3A_1116, %broadcast_in_dim3A_1124 : vector<128x128xf32>
    %reduce_sum3A_1126 = arith.constant dense<0.000000e+00> : vector<128xf32>
    %reduce_sum3A_1127 = vector.multi_reduction <add>, %mul3A_1125, %reduce_sum3A_1126 [1] : vector<128x128xf32> to vector<128xf32>
    %broadcast_in_dim3A_1128 = vector.shape_cast %reduce_sum3A_1127 : vector<128xf32> to vector<128x1xf32>
    %broadcast_in_dim3A_1129 = vector.shape_cast %slice3A_418 : vector<1x128xf32> to vector<1x128xf32>
    %broadcast_in_dim3A_1130 = vector.broadcast %broadcast_in_dim3A_1129 : vector<1x128xf32> to vector<128x128xf32>
    %mul3A_1131 = arith.mulf %convert_element_type3A_1116, %broadcast_in_dim3A_1130 : vector<128x128xf32>
    %reduce_sum3A_1132 = arith.constant dense<0.000000e+00> : vector<128xf32>
    %reduce_sum3A_1133 = vector.multi_reduction <add>, %mul3A_1131, %reduce_sum3A_1132 [1] : vector<128x128xf32> to vector<128xf32>
    %broadcast_in_dim3A_1134 = vector.shape_cast %reduce_sum3A_1133 : vector<128xf32> to vector<128x1xf32>
    %broadcast_in_dim3A_1135 = vector.shape_cast %broadcast_in_dim3A_408 : vector<1x128xf32> to vector<1x128xf32>
    %broadcast_in_dim3A_1136 = vector.broadcast %broadcast_in_dim3A_1135 : vector<1x128xf32> to vector<128x128xf32>
    %mul3A_1137 = arith.mulf %convert_element_type3A_1116, %broadcast_in_dim3A_1136 : vector<128x128xf32>
    %reduce_sum3A_1138 = arith.constant dense<0.000000e+00> : vector<128xf32>
    %reduce_sum3A_1139 = vector.multi_reduction <add>, %mul3A_1137, %reduce_sum3A_1138 [1] : vector<128x128xf32> to vector<128xf32>
    %broadcast_in_dim3A_1140 = vector.shape_cast %reduce_sum3A_1139 : vector<128xf32> to vector<128x1xf32>
    %sub3A_1141 = arith.subf %convert_element_type3A_1098, %broadcast_in_dim3A_1122 : vector<128x1xf32>
    %add3A_1142 = arith.addf %broadcast_in_dim3A_1128, %sub3A_1141 : vector<128x1xf32>
    %mul3A_1143 = arith.constant 2.560000e+02 : f32
    %mul3A_1144 = vector.broadcast %mul3A_1143 : f32 to vector<128x1xf32>
    %mul3A_1145 = arith.mulf %add3A_1142, %mul3A_1144 : vector<128x1xf32>
    %max3A = arith.maximumf %broadcast_in_dim3A_1134, %mul3A_1145 : vector<128x1xf32>
    %add3A_1146 = arith.addf %broadcast_in_dim3A_1134, %broadcast_in_dim3A_1140 : vector<128x1xf32>
    %add3A_1147 = arith.constant 1.000000e+00 : f32
    %add3A_1148 = vector.broadcast %add3A_1147 : f32 to vector<128x1xf32>
    %add3A_1149 = arith.addf %add3A_1142, %add3A_1148 : vector<128x1xf32>
    %mul3A_1150 = arith.constant 2.560000e+02 : f32
    %mul3A_1151 = vector.broadcast %mul3A_1150 : f32 to vector<128x1xf32>
    %mul3A_1152 = arith.mulf %add3A_1149, %mul3A_1151 : vector<128x1xf32>
    %min3A_1153 = arith.minimumf %add3A_1146, %mul3A_1152 : vector<128x1xf32>
    %eq3A_1154 = arith.constant 1.000000e+02 : f32
    %eq3A_1155 = vector.broadcast %eq3A_1154 : f32 to vector<128x128xf32>
    %eq3A_1156 = arith.cmpf oeq, %convert_element_type3A_1112, %eq3A_1155 : vector<128x128xf32>
    %broadcast_in_dim3A_1157 = vector.shape_cast %slice3A_1088 : vector<1x128xf32> to vector<1x128xf32>
    %broadcast_in_dim3A_1158 = vector.broadcast %broadcast_in_dim3A_1157 : vector<1x128xf32> to vector<128x128xf32>
    %jit3A_1159 = arith.constant 0.000000e+00 : f32
    %broadcast_in_dim3A_1160 = vector.broadcast %jit3A_1159 : f32 to vector<128x128xf32>
    %select_n3A_1161 = arith.select %eq3A_1156, %broadcast_in_dim3A_1158, %broadcast_in_dim3A_1160 : vector<128x128xi1>, vector<128x128xf32>
    %reduce_sum3A_1162 = arith.constant dense<0.000000e+00> : vector<128xf32>
    %reduce_sum3A_1163 = vector.multi_reduction <add>, %select_n3A_1161, %reduce_sum3A_1162 [1] : vector<128x128xf32> to vector<128xf32>
    %broadcast_in_dim3A_1164 = vector.shape_cast %reduce_sum3A_1163 : vector<128xf32> to vector<128x1xf32>
    %lt3A_1165 = arith.cmpf olt, %convert_element_type3A_1098, %broadcast_in_dim3A_1164 : vector<128x1xf32>
    %jit3A_1166 = arith.constant 1.500000e+01 : f32
    %broadcast_in_dim3A_1167 = vector.broadcast %jit3A_1166 : f32 to vector<128x1xf32>
    %select_n3A_1168 = arith.select %lt3A_1165, %add3A_1142, %broadcast_in_dim3A_1167 : vector<128x1xi1>, vector<128x1xf32>
    %convert_element_type3A_1169 = arith.fptosi %select_n3A_1168 : vector<128x1xf32> to vector<128x1xi32>
    %swap3A_1170 = arith.constant 0 : index
    %swap3A_1171 = arith.constant 0 : index
    %swap3A_1172 = vector.load %arg15[%swap3A_1170, %swap3A_1171] : memref<128x1xi32, #tpu.memory_space<vmem>>, vector<128x1xi32>
    tpu.vector_store %arg15[%swap3A_1170, %swap3A_1171], %convert_element_type3A_1169 {strides = array<i32>} : memref<128x1xi32, #tpu.memory_space<vmem>>, vector<128x1xi32>,
    %convert_element_type3A_1173 = arith.fptosi %min3A_1110 : vector<128x1xf32> to vector<128x1xi32>
    %swap3A_1174 = arith.constant 0 : index
    %swap3A_1175 = arith.constant 0 : index
    %swap3A_1176 = vector.load %arg16[%swap3A_1174, %swap3A_1175] : memref<128x1xi32, #tpu.memory_space<vmem>>, vector<128x1xi32>
    tpu.vector_store %arg16[%swap3A_1174, %swap3A_1175], %convert_element_type3A_1173 {strides = array<i32>} : memref<128x1xi32, #tpu.memory_space<vmem>>, vector<128x1xi32>,
    %mul3A_1177 = arith.constant 2.560000e+02 : f32
    %mul3A_1178 = vector.broadcast %mul3A_1177 : f32 to vector<128x1xf32>
    %mul3A_1179 = arith.mulf %add3A_1142, %mul3A_1178 : vector<128x1xf32>
    %sub3A_1180 = arith.subf %max3A, %mul3A_1179 : vector<128x1xf32>
    %jit3A_1181 = arith.constant 0.000000e+00 : f32
    %broadcast_in_dim3A_1182 = vector.broadcast %jit3A_1181 : f32 to vector<128x1xf32>
    %select_n3A_1183 = arith.select %lt3A_1165, %sub3A_1180, %broadcast_in_dim3A_1182 : vector<128x1xi1>, vector<128x1xf32>
    %convert_element_type3A_1184 = arith.fptosi %select_n3A_1183 : vector<128x1xf32> to vector<128x1xi32>
    %swap3A_1185 = arith.constant 0 : index
    %swap3A_1186 = arith.constant 0 : index
    %swap3A_1187 = vector.load %arg17[%swap3A_1185, %swap3A_1186] : memref<128x1xi32, #tpu.memory_space<vmem>>, vector<128x1xi32>
    tpu.vector_store %arg17[%swap3A_1185, %swap3A_1186], %convert_element_type3A_1184 {strides = array<i32>} : memref<128x1xi32, #tpu.memory_space<vmem>>, vector<128x1xi32>,
    %mul3A_1188 = arith.constant 2.560000e+02 : f32
    %mul3A_1189 = vector.broadcast %mul3A_1188 : f32 to vector<128x1xf32>
    %mul3A_1190 = arith.mulf %add3A_1142, %mul3A_1189 : vector<128x1xf32>
    %sub3A_1191 = arith.subf %min3A_1153, %mul3A_1190 : vector<128x1xf32>
    %jit3A_1192 = arith.constant 0.000000e+00 : f32
    %broadcast_in_dim3A_1193 = vector.broadcast %jit3A_1192 : f32 to vector<128x1xf32>
    %select_n3A_1194 = arith.select %lt3A_1165, %sub3A_1191, %broadcast_in_dim3A_1193 : vector<128x1xi1>, vector<128x1xf32>
    %convert_element_type3A_1195 = arith.fptosi %select_n3A_1194 : vector<128x1xf32> to vector<128x1xi32>
    %swap3A_1196 = arith.constant 0 : index
    %swap3A_1197 = arith.constant 0 : index
    %swap3A_1198 = vector.load %arg18[%swap3A_1196, %swap3A_1197] : memref<128x1xi32, #tpu.memory_space<vmem>>, vector<128x1xi32>
    tpu.vector_store %arg18[%swap3A_1196, %swap3A_1197], %convert_element_type3A_1195 {strides = array<i32>} : memref<128x1xi32, #tpu.memory_space<vmem>>, vector<128x1xi32>,
    return
  }
}

module attributes {stable_mosaic.version = 14 : i64} {
  func.func @_group_body(%arg0: i32, %arg1: memref<128x1xi32, #tpu.memory_space<smem>>, %arg2: memref<128x1xi32, #tpu.memory_space<smem>>, %arg3: memref<128x1xi32, #tpu.memory_space<smem>>, %arg4: memref<128x1xi32, #tpu.memory_space<smem>>, %arg5: memref<256x256xf32, #tpu.memory_space<vmem>>, %arg6: memref<1x211x256xf32, #tpu.memory_space<vmem>>, %arg7: memref<1x211x256xf32, #tpu.memory_space<vmem>>, %arg8: memref<1x256x211xf32, #tpu.memory_space<vmem>>, %arg9: memref<1x5x256xf32, #tpu.memory_space<vmem>>, %arg10: memref<256x256xf32, #tpu.memory_space<vmem>>) attributes {dimension_semantics = [#tpu.dimension_semantics<arbitrary>], iteration_bounds = array<i64: 116>, scalar_prefetch = 4 : i64, scratch_operands = 0 : i64, tpu.core_type = #tpu.core_type<tc>, window_params = [{transform_indices = @transform_0, window_bounds = array<i64: 256, 256>}, {transform_indices = @transform_1, window_bounds = array<i64: 1, 211, 256>}, {transform_indices = @transform_2, window_bounds = array<i64: 1, 211, 256>}, {transform_indices = @transform_3, window_bounds = array<i64: 1, 256, 211>}, {transform_indices = @transform_4, window_bounds = array<i64: 1, 5, 256>}, {transform_indices = @transform_5, window_bounds = array<i64: 256, 256>}]} {
    %get3A = arith.index_cast %arg0 : i32 to index
    %get3A_0 = arith.constant 0 : index
    %get3A_1 = memref.load %arg1[%get3A, %get3A_0] : memref<128x1xi32, #tpu.memory_space<smem>>
    %get3A_2 = arith.index_cast %arg0 : i32 to index
    %get3A_3 = arith.constant 0 : index
    %get3A_4 = memref.load %arg3[%get3A_2, %get3A_3] : memref<128x1xi32, #tpu.memory_space<smem>>
    %get3A_5 = arith.index_cast %arg0 : i32 to index
    %get3A_6 = arith.constant 0 : index
    %get3A_7 = memref.load %arg4[%get3A_5, %get3A_6] : memref<128x1xi32, #tpu.memory_space<smem>>
    %sub3A = arith.constant 1 : i32
    %sub3A_8 = arith.subi %arg0, %sub3A : i32
    %max3A = arith.constant 0 : i32
    %max3A_9 = arith.maxsi %sub3A_8, %max3A : i32
    %get3A_10 = arith.index_cast %max3A_9 : i32 to index
    %get3A_11 = arith.constant 0 : index
    %get3A_12 = memref.load %arg1[%get3A_10, %get3A_11] : memref<128x1xi32, #tpu.memory_space<smem>>
    %eq3A = arith.constant 0 : i32
    %eq3A_13 = arith.cmpi eq, %arg0, %eq3A : i32
    %ne3A = arith.cmpi ne, %get3A_1, %get3A_12 : i32
    %or3A = arith.ori %eq3A_13, %ne3A : i1
    %convert_element_type3A = arith.extui %or3A : i1 to i32
    %cond3A = arith.constant 0 : i32
    %cond3A_14 = arith.cmpi ne, %convert_element_type3A, %cond3A : i32
    scf.if %cond3A_14 {
      %broadcast_in_dim3A = arith.constant 0.000000e+00 : f32
      %broadcast_in_dim3A_18 = vector.broadcast %broadcast_in_dim3A : f32 to vector<256x256xf32>
      %swap3A = arith.constant 0 : index
      %swap3A_19 = arith.constant 0 : index
      %swap3A_20 = vector.load %arg10[%swap3A, %swap3A_19] : memref<256x256xf32, #tpu.memory_space<vmem>>, vector<256x256xf32>
      tpu.vector_store %arg10[%swap3A, %swap3A_19], %broadcast_in_dim3A_18 {strides = array<i32>} : memref<256x256xf32, #tpu.memory_space<vmem>>, vector<256x256xf32>,
    } else {
    }
    %gt3A = arith.cmpi sgt, %get3A_7, %get3A_4 : i32
    %convert_element_type3A_15 = arith.extui %gt3A : i1 to i32
    %cond3A_16 = arith.constant 0 : i32
    %cond3A_17 = arith.cmpi ne, %convert_element_type3A_15, %cond3A_16 : i32
    scf.if %cond3A_17 {
      %get3A_18 = arith.constant 0 : index
      %get3A_19 = arith.constant 0 : index
      %get3A_20 = vector.load %arg5[%get3A_18, %get3A_19] : memref<256x256xf32, #tpu.memory_space<vmem>>, vector<256x256xf32>
      %slice3A = vector.extract_strided_slice %get3A_20 {offsets = [0, 0], sizes = [256, 211], strides = [1, 1]} : vector<256x256xf32> to vector<256x211xf32>
      %get3A_21 = arith.constant 0 : index
      %get3A_22 = arith.constant 0 : index
      %get3A_23 = arith.constant 0 : index
      %get3A_24 = vector.load %arg9[%get3A_21, %get3A_22, %get3A_23] : memref<1x5x256xf32, #tpu.memory_space<vmem>>, vector<1x5x256xf32>
      %get3A_25 = vector.shape_cast %get3A_24 : vector<1x5x256xf32> to vector<5x256xf32>
      %slice3A_26 = vector.extract_strided_slice %get3A_25 {offsets = [0, 0], sizes = [1, 211], strides = [1, 1]} : vector<5x256xf32> to vector<1x211xf32>
      %squeeze3A = vector.shape_cast %slice3A_26 : vector<1x211xf32> to vector<211xf32>
      %broadcast_in_dim3A = vector.shape_cast %squeeze3A : vector<211xf32> to vector<1x211xf32>
      %mul3A = vector.broadcast %broadcast_in_dim3A : vector<1x211xf32> to vector<256x211xf32>
      %mul3A_27 = arith.mulf %slice3A, %mul3A : vector<256x211xf32>
      %slice3A_28 = vector.extract_strided_slice %get3A_25 {offsets = [1, 0], sizes = [1, 211], strides = [1, 1]} : vector<5x256xf32> to vector<1x211xf32>
      %squeeze3A_29 = vector.shape_cast %slice3A_28 : vector<1x211xf32> to vector<211xf32>
      %broadcast_in_dim3A_30 = vector.shape_cast %squeeze3A_29 : vector<211xf32> to vector<1x211xf32>
      %add3A = vector.broadcast %broadcast_in_dim3A_30 : vector<1x211xf32> to vector<256x211xf32>
      %add3A_31 = arith.addf %mul3A_27, %add3A : vector<256x211xf32>
      %convert_element_type3A_32 = arith.truncf %add3A_31 : vector<256x211xf32> to vector<256x211xbf16>
      %get3A_33 = arith.constant 0 : index
      %get3A_34 = arith.constant 0 : index
      %get3A_35 = arith.constant 0 : index
      %get3A_36 = vector.load %arg6[%get3A_33, %get3A_34, %get3A_35] : memref<1x211x256xf32, #tpu.memory_space<vmem>>, vector<1x211x256xf32>
      %get3A_37 = vector.shape_cast %get3A_36 : vector<1x211x256xf32> to vector<211x256xf32>
      %convert_element_type3A_38 = arith.truncf %get3A_37 : vector<211x256xf32> to vector<211x256xbf16>
      %get3A_39 = arith.constant 0 : index
      %get3A_40 = arith.constant 0 : index
      %get3A_41 = arith.constant 0 : index
      %get3A_42 = vector.load %arg7[%get3A_39, %get3A_40, %get3A_41] : memref<1x211x256xf32, #tpu.memory_space<vmem>>, vector<1x211x256xf32>
      %get3A_43 = vector.shape_cast %get3A_42 : vector<1x211x256xf32> to vector<211x256xf32>
      %convert_element_type3A_44 = arith.truncf %get3A_43 : vector<211x256xf32> to vector<211x256xbf16>
      %dot_general3A = arith.constant dense<0.000000e+00> : vector<256x256xf32>
      %dot_general3A_45 = tpu.matmul %convert_element_type3A_32, %convert_element_type3A_38, %dot_general3A {dimension_numbers = #tpu.dot_dimension_numbers<[1], [0], [0], [1], [0, 0, 1, 1], [], []>, transpose_lhs_hint = false} : vector<256x211xbf16>, vector<211x256xbf16>, vector<256x256xf32> -> vector<256x256xf32>
      %slice3A_46 = vector.extract_strided_slice %get3A_25 {offsets = [2, 0], sizes = [1, 256], strides = [1, 1]} : vector<5x256xf32> to vector<1x256xf32>
      %squeeze3A_47 = vector.shape_cast %slice3A_46 : vector<1x256xf32> to vector<256xf32>
      %broadcast_in_dim3A_48 = vector.shape_cast %squeeze3A_47 : vector<256xf32> to vector<1x256xf32>
      %add3A_49 = vector.broadcast %broadcast_in_dim3A_48 : vector<1x256xf32> to vector<256x256xf32>
      %add3A_50 = arith.addf %dot_general3A_45, %add3A_49 : vector<256x256xf32>
      %dot_general3A_51 = arith.constant dense<0.000000e+00> : vector<256x256xf32>
      %dot_general3A_52 = tpu.matmul %convert_element_type3A_32, %convert_element_type3A_44, %dot_general3A_51 {dimension_numbers = #tpu.dot_dimension_numbers<[1], [0], [0], [1], [0, 0, 1, 1], [], []>, transpose_lhs_hint = false} : vector<256x211xbf16>, vector<211x256xbf16>, vector<256x256xf32> -> vector<256x256xf32>
      %slice3A_53 = vector.extract_strided_slice %get3A_25 {offsets = [3, 0], sizes = [1, 256], strides = [1, 1]} : vector<5x256xf32> to vector<1x256xf32>
      %squeeze3A_54 = vector.shape_cast %slice3A_53 : vector<1x256xf32> to vector<256xf32>
      %broadcast_in_dim3A_55 = vector.shape_cast %squeeze3A_54 : vector<256xf32> to vector<1x256xf32>
      %add3A_56 = vector.broadcast %broadcast_in_dim3A_55 : vector<1x256xf32> to vector<256x256xf32>
      %add3A_57 = arith.addf %dot_general3A_52, %add3A_56 : vector<256x256xf32>
      %logistic3A = arith.negf %add3A_50 : vector<256x256xf32>
      %logistic3A_58 = math.exp %logistic3A : vector<256x256xf32>
      %logistic3A_59 = arith.constant 1.000000e+00 : f32
      %logistic3A_60 = vector.broadcast %logistic3A_59 : f32 to vector<256x256xf32>
      %logistic3A_61 = arith.addf %logistic3A_60, %logistic3A_58 : vector<256x256xf32>
      %logistic3A_62 = arith.divf %logistic3A_60, %logistic3A_61 : vector<256x256xf32>
      %mul3A_63 = arith.mulf %add3A_50, %logistic3A_62 : vector<256x256xf32>
      %mul3A_64 = arith.mulf %mul3A_63, %add3A_57 : vector<256x256xf32>
      %convert_element_type3A_65 = arith.truncf %mul3A_64 : vector<256x256xf32> to vector<256x256xbf16>
      %get3A_66 = arith.constant 0 : index
      %get3A_67 = arith.constant 0 : index
      %get3A_68 = arith.constant 0 : index
      %get3A_69 = vector.load %arg8[%get3A_66, %get3A_67, %get3A_68] : memref<1x256x211xf32, #tpu.memory_space<vmem>>, vector<1x256x211xf32>
      %get3A_70 = vector.shape_cast %get3A_69 : vector<1x256x211xf32> to vector<256x211xf32>
      %convert_element_type3A_71 = arith.truncf %get3A_70 : vector<256x211xf32> to vector<256x211xbf16>
      %dot_general3A_72 = arith.constant dense<0.000000e+00> : vector<256x211xf32>
      %dot_general3A_73 = tpu.matmul %convert_element_type3A_65, %convert_element_type3A_71, %dot_general3A_72 {dimension_numbers = #tpu.dot_dimension_numbers<[1], [0], [0], [1], [0, 0, 1, 1], [], []>, transpose_lhs_hint = false} : vector<256x256xbf16>, vector<256x211xbf16>, vector<256x211xf32> -> vector<256x211xf32>
      %slice3A_74 = vector.extract_strided_slice %get3A_25 {offsets = [4, 0], sizes = [1, 211], strides = [1, 1]} : vector<5x256xf32> to vector<1x211xf32>
      %squeeze3A_75 = vector.shape_cast %slice3A_74 : vector<1x211xf32> to vector<211xf32>
      %broadcast_in_dim3A_76 = vector.shape_cast %squeeze3A_75 : vector<211xf32> to vector<1x211xf32>
      %add3A_77 = vector.broadcast %broadcast_in_dim3A_76 : vector<1x211xf32> to vector<256x211xf32>
      %add3A_78 = arith.addf %dot_general3A_73, %add3A_77 : vector<256x211xf32>
      %iota3A = tpu.iota {dimensions = array<i32: 0>} : vector<256x1xi32>
      %ge3A = vector.broadcast %get3A_4 : i32 to vector<256x1xi32>
      %ge3A_79 = arith.cmpi sge, %iota3A, %ge3A : vector<256x1xi32>
      %lt3A = vector.broadcast %get3A_7 : i32 to vector<256x1xi32>
      %lt3A_80 = arith.cmpi slt, %iota3A, %lt3A : vector<256x1xi32>
      %and3A = arith.andi %ge3A_79, %lt3A_80 : vector<256x1xi1>
      %jit3A = arith.constant 0.000000e+00 : f32
      %broadcast_in_dim3A_81 = vector.shape_cast %and3A : vector<256x1xi1> to vector<256x1xi1>
      %broadcast_in_dim3A_82 = vector.broadcast %broadcast_in_dim3A_81 : vector<256x1xi1> to vector<256x211xi1>
      %broadcast_in_dim3A_83 = vector.broadcast %jit3A : f32 to vector<256x211xf32>
      %select_n3A = arith.select %broadcast_in_dim3A_82, %add3A_78, %broadcast_in_dim3A_83 : vector<256x211xi1>, vector<256x211xf32>
      %jit3A_84 = arith.constant 0 : i32
      %convert_element_type3A_85 = arith.sitofp %jit3A_84 : i32 to f32
      %pad3A = vector.broadcast %convert_element_type3A_85 : f32 to vector<256x45xf32>
      %pad3A_86 = tpu.concatenate %select_n3A, %pad3A in 1 : vector<256x211xf32>, vector<256x45xf32> -> vector<256x256xf32>
      %get3A_87 = arith.constant 0 : index
      %get3A_88 = arith.constant 0 : index
      %get3A_89 = vector.load %arg10[%get3A_87, %get3A_88] : memref<256x256xf32, #tpu.memory_space<vmem>>, vector<256x256xf32>
      %add3A_90 = arith.addf %get3A_89, %pad3A_86 : vector<256x256xf32>
      %swap3A = arith.constant 0 : index
      %swap3A_91 = arith.constant 0 : index
      %swap3A_92 = vector.load %arg10[%swap3A, %swap3A_91] : memref<256x256xf32, #tpu.memory_space<vmem>>, vector<256x256xf32>
      tpu.vector_store %arg10[%swap3A, %swap3A_91], %add3A_90 {strides = array<i32>} : memref<256x256xf32, #tpu.memory_space<vmem>>, vector<256x256xf32>,
    } else {
    }
    return
  }
  func.func @transform_0(%arg0: i32, %arg1: memref<128x1xi32, #tpu.memory_space<smem>>, %arg2: memref<128x1xi32, #tpu.memory_space<smem>>, %arg3: memref<128x1xi32, #tpu.memory_space<smem>>, %arg4: memref<128x1xi32, #tpu.memory_space<smem>>) -> (i32, i32) {
    %get3A = arith.index_cast %arg0 : i32 to index
    %get3A_0 = arith.constant 0 : index
    %get3A_1 = memref.load %arg1[%get3A, %get3A_0] : memref<128x1xi32, #tpu.memory_space<smem>>
    %c0_i32 = arith.constant 0 : i32
    %c0_i32_2 = arith.constant 0 : i32
    return %get3A_1, %c0_i32 : i32, i32
  }
  func.func @transform_1(%arg0: i32, %arg1: memref<128x1xi32, #tpu.memory_space<smem>>, %arg2: memref<128x1xi32, #tpu.memory_space<smem>>, %arg3: memref<128x1xi32, #tpu.memory_space<smem>>, %arg4: memref<128x1xi32, #tpu.memory_space<smem>>) -> (i32, i32, i32) {
    %get3A = arith.index_cast %arg0 : i32 to index
    %get3A_0 = arith.constant 0 : index
    %get3A_1 = memref.load %arg2[%get3A, %get3A_0] : memref<128x1xi32, #tpu.memory_space<smem>>
    %c0_i32 = arith.constant 0 : i32
    %c0_i32_2 = arith.constant 0 : i32
    %c0_i32_3 = arith.constant 0 : i32
    return %get3A_1, %c0_i32, %c0_i32_2 : i32, i32, i32
  }
  func.func @transform_2(%arg0: i32, %arg1: memref<128x1xi32, #tpu.memory_space<smem>>, %arg2: memref<128x1xi32, #tpu.memory_space<smem>>, %arg3: memref<128x1xi32, #tpu.memory_space<smem>>, %arg4: memref<128x1xi32, #tpu.memory_space<smem>>) -> (i32, i32, i32) {
    %get3A = arith.index_cast %arg0 : i32 to index
    %get3A_0 = arith.constant 0 : index
    %get3A_1 = memref.load %arg2[%get3A, %get3A_0] : memref<128x1xi32, #tpu.memory_space<smem>>
    %c0_i32 = arith.constant 0 : i32
    %c0_i32_2 = arith.constant 0 : i32
    %c0_i32_3 = arith.constant 0 : i32
    return %get3A_1, %c0_i32, %c0_i32_2 : i32, i32, i32
  }
  func.func @transform_3(%arg0: i32, %arg1: memref<128x1xi32, #tpu.memory_space<smem>>, %arg2: memref<128x1xi32, #tpu.memory_space<smem>>, %arg3: memref<128x1xi32, #tpu.memory_space<smem>>, %arg4: memref<128x1xi32, #tpu.memory_space<smem>>) -> (i32, i32, i32) {
    %get3A = arith.index_cast %arg0 : i32 to index
    %get3A_0 = arith.constant 0 : index
    %get3A_1 = memref.load %arg2[%get3A, %get3A_0] : memref<128x1xi32, #tpu.memory_space<smem>>
    %c0_i32 = arith.constant 0 : i32
    %c0_i32_2 = arith.constant 0 : i32
    %c0_i32_3 = arith.constant 0 : i32
    return %get3A_1, %c0_i32, %c0_i32_2 : i32, i32, i32
  }
  func.func @transform_4(%arg0: i32, %arg1: memref<128x1xi32, #tpu.memory_space<smem>>, %arg2: memref<128x1xi32, #tpu.memory_space<smem>>, %arg3: memref<128x1xi32, #tpu.memory_space<smem>>, %arg4: memref<128x1xi32, #tpu.memory_space<smem>>) -> (i32, i32, i32) {
    %get3A = arith.index_cast %arg0 : i32 to index
    %get3A_0 = arith.constant 0 : index
    %get3A_1 = memref.load %arg2[%get3A, %get3A_0] : memref<128x1xi32, #tpu.memory_space<smem>>
    %c0_i32 = arith.constant 0 : i32
    %c0_i32_2 = arith.constant 0 : i32
    %c0_i32_3 = arith.constant 0 : i32
    return %get3A_1, %c0_i32, %c0_i32_2 : i32, i32, i32
  }
  func.func @transform_5(%arg0: i32, %arg1: memref<128x1xi32, #tpu.memory_space<smem>>, %arg2: memref<128x1xi32, #tpu.memory_space<smem>>, %arg3: memref<128x1xi32, #tpu.memory_space<smem>>, %arg4: memref<128x1xi32, #tpu.memory_space<smem>>) -> (i32, i32) {
    %get3A = arith.index_cast %arg0 : i32 to index
    %get3A_0 = arith.constant 0 : index
    %get3A_1 = memref.load %arg1[%get3A, %get3A_0] : memref<128x1xi32, #tpu.memory_space<smem>>
    %c0_i32 = arith.constant 0 : i32
    %c0_i32_2 = arith.constant 0 : i32
    return %get3A_1, %c0_i32 : i32, i32
  }
}

</mosaic_0001>

<sc_bundles>
// kernel: kernel.6.cloned.1.call-start
scs
__scs_entry_jumppad:
0x0: {  	(pc) =	sbr.rel $0x88, $3  }
0x1: {  	(tag) =	ssettag $0x0;
	lr =	simm.s32 $0x1  }
0x2: {  	[smem:$0x3F8E] =	sst lr;
	_ =	strace $0xD0000000  }
0x3: {  	_ = 	snop  }
0x4: {  	_ = 	snop  }
0x5: {  	_ = 	snop  }
0x6: {  	_ = 	snop  }
0x7: {  	_ = 	snop  }
__scs_overlays_trampoline_lowered:
0x8: {  	[smem:$0x3F9D] =	sst s0  }
0x9: {  	[smem:$0x3F9E] =	sst s1  }
0xa: {  	[smem:$0x3F9F] =	sst s2  }
0xb: {  	[smem:$0x3FA0] =	sst s3  }
0xc: {  	[smem:$0x3FA1] =	sst s4  }
0xd: {  	[smem:$0x3FA2] =	sst s5  }
0xe: {  	[smem:$0x3FA3] =	sst s6  }
0xf: {  	[smem:$0x3FA4] =	sst s7  }
0x10: {  	[smem:$0x3FA5] =	sst s8  }
0x11: {  	[smem:$0x3FA6] =	sst s9;
	s0 =	simm.s32 @!p0 $0x0  }
0x12: {  	s1 =	sld [smem:$0x3F8C];
	s0 =	simm.s32 @p0 $0x1  }
0x13: {  	[smem:$0x3FA7] =	sst s0;
	s0 =	simm.s32 @!p1 $0x0  }
0x14: {  	s2 =	sld [smem:$0x3F8B];
	s0 =	simm.s32 @p1 $0x1  }
0x15: {  	[smem:$0x3FA8] =	sst s0;
	s0 =	simm.s32 @!p2 $0x0  }
0x16: {  	s3 =	sld [smem:$0x3FDB];
	s0 =	simm.s32 @p2 $0x1  }
0x17: {  	s4 =	simm.s32 $0x1BF5;
	[smem:$0x3FAA] =	sst s0  }
0x18: {  	s0 =	sld [smem:$0x3F8D];
	_ =	swait.ge [sflag:s4], $0x0  }
0x19: {  	s7 =	sld [smem:$0x3F8E]  }
0x1a: {  	s8 =	sadd.s32 $0xFFFFE003, lr  }
0x1b: {  	s9 =	sadd.s32 $0xFFFFFEF7, lr;
	s5 =	simm.s32 $0xFFFFFFFF;
	p2 =	slt.u32 s8, $0xFFFFF086  }
0x1c: {  	p1 =	slt.u32 s9, $0xF7A;
	s5 =	simm.s32 @!p2 $0x0  }
0x1d: {  	s5 =	simm.s32 @p1 $0x1;
	p0 =	seq.s32 s7, s2  }
0x1e: {  	s7 =	smul.u32 @!p0 $0xF7A, s2;
	p2 =	seq.s32 @!p0 s5, $0x0  }
0x1f: {  	s9 =	smul.u32 $0xF7A, s1;
	s8 =	simm.s32 @!p0 $0x1BF5;
	p2 =	por !p2, p0  }
0x20: {  	[sflag:s8] =	ssyncset.s32 @!p0 $0xFFFFF086;
	s6 =	sadd.s32 @!p0 s3, s7;
	s7 =	simm.s32 @!p0 $0x108  }
0x21: {  	s3 =	sadd.s32 s3, s9;
	s6 =	sadd.s32 @!p0 $0x88, s6;
	s7 =	simm.s32 @p2 $0x1082  }
0x22: {  	[simem:s7], [sflag:s8] =	dma.local @!p0 [hbm:s6], $0xF7A  }
0x23: {  	s9 =	sor.u32 $0xD0000000, s2;
	s6 =	simm.s32 $0x108;
	_ =	swait.ge @!p0 [sflag:s8], $0x0  }
0x24: {  	s3 =	sadd.s32 $0x88, s3;
	s6 =	simm.s32 @!p1 $0x1082;
	[sflag:s4] =	ssyncset.s32 $0xFFFFF086  }
0x25: {  	[simem:s6], [sflag:s4] =	dma.local [hbm:s3], $0xF7A  }
0x26: {  	[smem:$0x3F8E] =	sst s1;
	(tag) =	ssettag s2;
	_ =	strace s9  }
0x27: {  	s1 =	sld [smem:$0x3F9E]  }
0x28: {  	s2 =	sld [smem:$0x3F9F]  }
0x29: {  	s4 =	sld [smem:$0x3FA1]  }
0x2a: {  	p0 =	seq.s32 s5, $0x0;
	s5 =	sld [smem:$0x3FA2]  }
0x2b: {  	s6 =	sld [smem:$0x3FA3]  }
0x2c: {  	s7 =	sld [smem:$0x3FA4]  }
0x2d: {  	s3 =	simm.s32 $0x108;
	s8 =	sld [smem:$0x3FA5]  }
0x2e: {  	s3 =	simm.s32 @!p0 $0x1082;
	s9 =	sld [smem:$0x3FA6]  }
0x2f: {  	lr =	sadd.s32 s0, s3;
	s0 =	sld [smem:$0x3F9D]  }
0x30: {  	s3 =	sld [smem:$0x3FA0]  }
0x31: {  	[smem:$0x3FA9] =	sst s10  }
0x32: {  	s10 =	sld [smem:$0x3FA7];
	_ =	sdelay $0x3  }
0x33: {  	p0 =	seq.s32 s10, $0x1;
	s10 =	sld [smem:$0x3FA9];
	_ =	sdelay $0x3  }
0x34: {  	[smem:$0x3FA9] =	sst s10  }
0x35: {  	s10 =	sld [smem:$0x3FA8];
	_ =	sdelay $0x3  }
0x36: {  	p1 =	seq.s32 s10, $0x1;
	s10 =	sld [smem:$0x3FA9];
	_ =	sdelay $0x3  }
0x37: {  	[smem:$0x3FA9] =	sst s10  }
0x38: {  	s10 =	sld [smem:$0x3FAA]  }
0x39: {  	_ = 	snop;
	(pc) =	sbr.ind lr, $3  }
0x3a: {  	_ = 	snop  }
0x3b: {  	_ = 	snop  }
0x3c: {  	p2 =	seq.s32 s10, $0x1;
	s10 =	sld [smem:$0x3FA9]  }
0x3d: {  	_ =	shalt  }
0x3e: {  	_ =	shalt  }
0x3f: {  	_ =	shalt  }
0x40: {  	_ =	shalt  }
0x41: {  	_ =	shalt  }
0x42: {  	_ =	shalt  }
0x43: {  	_ =	shalt  }
0x44: {  	_ =	shalt  }
0x45: {  	_ =	shalt  }
0x46: {  	_ =	shalt  }
0x47: {  	_ =	shalt  }
0x48: {  	_ =	shalt  }
0x49: {  	_ =	shalt  }
0x4a: {  	_ =	shalt  }
0x4b: {  	_ =	shalt  }
0x4c: {  	_ =	shalt  }
0x4d: {  	_ =	shalt  }
0x4e: {  	_ =	shalt  }
0x4f: {  	_ =	shalt  }
0x50: {  	_ =	shalt  }
0x51: {  	_ =	shalt  }
0x52: {  	_ =	shalt  }
0x53: {  	_ =	shalt  }
0x54: {  	_ =	shalt  }
0x55: {  	_ =	shalt  }
0x56: {  	_ =	shalt  }
0x57: {  	_ =	shalt  }
0x58: {  	_ =	shalt  }
0x59: {  	_ =	shalt  }
0x5a: {  	_ =	shalt  }
0x5b: {  	_ =	shalt  }
0x5c: {  	_ =	shalt  }
0x5d: {  	_ =	shalt  }
0x5e: {  	_ =	shalt  }
0x5f: {  	_ =	shalt  }
0x60: {  	_ =	shalt  }
0x61: {  	_ =	shalt  }
0x62: {  	_ =	shalt  }
0x63: {  	_ =	shalt  }
0x64: {  	_ =	shalt  }
0x65: {  	_ =	shalt  }
0x66: {  	_ =	shalt  }
0x67: {  	_ =	shalt  }
0x68: {  	_ =	shalt  }
0x69: {  	_ =	shalt  }
0x6a: {  	_ =	shalt  }
0x6b: {  	_ =	shalt  }
0x6c: {  	_ =	shalt  }
0x6d: {  	_ =	shalt  }
0x6e: {  	_ =	shalt  }
0x6f: {  	_ =	shalt  }
0x70: {  	_ =	shalt  }
0x71: {  	_ =	shalt  }
0x72: {  	_ =	shalt  }
0x73: {  	_ =	shalt  }
0x74: {  	_ =	shalt  }
0x75: {  	_ =	shalt  }
0x76: {  	_ =	shalt  }
0x77: {  	_ =	shalt  }
0x78: {  	_ =	shalt  }
0x79: {  	_ =	shalt  }
0x7a: {  	_ =	shalt  }
0x7b: {  	_ =	shalt  }
0x7c: {  	_ =	shalt  }
0x7d: {  	_ =	shalt  }
0x7e: {  	_ =	shalt  }
0x7f: {  	_ =	shalt  }
0x80: {  	_ =	shalt  }
0x81: {  	_ =	shalt  }
0x82: {  	_ =	shalt  }
0x83: {  	_ =	shalt  }
0x84: {  	_ =	shalt  }
0x85: {  	_ =	shalt  }
0x86: {  	_ =	shalt  }
0x87: {  	_ =	shalt  }
.Lfunc_end0:
.L_simem_size_0:
called_computation_lowered:
.L_overlay_start_0:
0x88: {  	s2 =	sld [smem:$0x3FD9]  }
0x89: {  	s3 =	sld [smem:$0x3FFE];
	_ =	sdelay $0x1  }
0x8a: {  	s1 =	srdreg.scid  }
0x8b: {  	s0 =	sand.u32 $0x1, s1  }
0x8c: {  	s16 =	sshll.u32 s0, $0xA;
	s2 =	sadd.s32 s3, s2  }
0x8d: {  	s2 =	sadd.s32 s2, s16  }
0x8e: {  	[smem:$0x3FB5] =	sst s2  }
0x8f: {  	_ = 	snop  }
0x90: {  	(tm) =	ssettm $0x1  }
0x91: {  	s17 =	sld [smem:$0x3FFB];
	_ =	sdelay $0x3  }
0x92: {  	_ =	strace s17  }
0x93: {  	s2 =	sld [smem:$0x3FFC];
	_ =	sdelay $0x3  }
0x94: {  	_ =	strace s2  }
0x95: {  	s2 =	sld [smem:$0x3FFD];
	_ =	sdelay $0x3  }
0x96: {  	_ =	strace s2  }
0x97: {  	_ =	strace $0x8FFFFFFF  }
0x98: {  	s18 =	sld [smem:$0x3FDB];
	_ =	sdelay $0x1  }
0x99: {  	s19 =	simm.s32 $_scs_section_size  }
0x9a: {  	s4 =	simm.s32 $_size__tile_overlayer_lowered;
	s5 =	simm.s32 $_tile_overlayer_lowered  }
0x9b: {  	s22 =	simm.s32 $0x1BFF;
	s21 =	sshll.u32 s5, $0x1;
	s2 =	sadd.s32 s19, s18  }
0x9c: {  	s6 =	simm.s32 $0x0;
	s20 =	sshll.u32 s4, $0x1;
	s4 =	sadd.s32 s21, s2  }
0x9d: {  	[timem:s6], [sflag:s22] =	dma.local [hbm:s4], s20  }
0x9e: {  	_ =	swait.ge [sflag:s22], s20  }
0x9f: {  	s3 =	ssub.s32 $0x0, s20;
	[sflag:s22] =	ssyncset.done $0x0  }
0xa0: {  	[sflag:s22] =	ssyncadd.s32 s3;
	_ =	sdelay $0x1  }
0xa1: {  	s23 =	simm.s32 $0x1B8B  }
0xa2: {  	_ =	swait.ge [sflag:s23], $0x1  }
0xa3: {  	[sflag:s23] =	ssyncset.done $0x0  }
0xa4: {  	s25 =	simm.s32 $0x1B8E;
	s24 =	sld [smem:$0x3FFE];
	[sflag:s23] =	ssyncadd.s32 $0xFFFFFFFF  }
0xa5: {  	s26 =	simm.s32 $execute0_lowered;
	[smem:$0x3FD2] =	sst s25  }
0xa6: {  	s4 =	sshll.u32 s26, $0x1;
	_ =	strace $0x80000046;
	[dreg:$0x1] =	wrdreg $0xFFFFFFFF  }
0xa7: {  	s28 =	simm.s32 $_size_execute0_lowered;
	s2 =	sadd.s32 s2, s4;
	[dreg:$0x0] =	wrdreg $0x0  }
0xa8: {  	s4 =	sshll.u32 s28, $0x1;
	[dreg:$0x2] =	wrdreg s2  }
0xa9: {  	[dreg:$0x3] =	wrdreg s4  }
0xaa: {  	[dreg:$0x4] =	wrdreg $0xC0  }
0xab: {  	_ =	task [dreg:s6], $0x5FFFF  }
0xac: {  	[dreg:$0x1] =	wrdreg $0xFFFFFFFF  }
0xad: {  	[dreg:$0x0] =	wrdreg $0x60  }
0xae: {  	[dreg:$0x2] =	wrdreg s24  }
0xaf: {  	[dreg:$0x3] =	wrdreg $0x9  }
0xb0: {  	_ =	task.clear_ibuf [dreg:s6], $0x4FFFF;
	_ =	strace $0x90000046  }
0xb1: {  	s29 =	simm.s32 $0x9;
	_ =	strace $0x80000048  }
0xb2: {  	_ =	swait.ge [sflag:s29], $0x1  }
0xb3: {  	[sflag:s29] =	ssyncadd.s32 $0xFFFFFFFF  }
0xb4: {  	_ =	strace $0x90000048  }
0xb5: {  	_ =	sfence  }
0xb6: {  	s30 =	sld [smem:$0x0];
	_ =	sdelay $0x2  }
0xb7: {  	s31 =	sshll.u32 s1, $0xD;
	s1 =	sshrl.u32 s1, $0x2  }
0xb8: {  	s3 =	sand.u32 $0x4000, s31;
	s1 =	sadd.s32 s1, s30  }
0xb9: {  	s0 =	sor.u32 s3, s0;
	s1 =	sshll.u32 s1, $0x11  }
0xba: {  	s0 =	sor.u32 s1, s0  }
0xbb: {  	s0 =	sadd.s32 $0x8F2B, s0  }
0xbc: {  	[sflag:s0] =	ssyncadd.remote.s32 $0x1  }
0xbd: {  	_ =	sfence.sel $0xFFFF  }
0xbe: {  	[dreg:$0x0] =	wrdreg $0xFFFFFFFF;
	(pc) =	sbr.abs _section_cstart, $3  }
0xbf: {  	[dreg:$0x1] =	wrdreg $0xFFFFFFFF  }
0xc0: {  	_ =	task.clear_ibuf [dreg:s6], $0x2FFFF;
	_ =	strace $0x9FFFFFFF  }
0xc1: {  	(tm) =	ssettm $0x7FFFFFFF  }
tec
execute0_lowered:
.L_overlay_start_1:
0x0: {  	(tag) =	ssettag $0x1  }
0x1: {  	s3 =	rddreg [dreg:$0x0]  }
0x2: {  	s0 =	rddreg [dreg:$0x1];
	s2 =	simm.s32 $0x0;
	s4 =	srdreg.scid  }
0x3: {  	s1 =	stileid.u32;
	s9 =	simm.s32 $0x3;
	s10 =	simm.s32 $0x80  }
0x4: {  	s11 =	simm.s32 $0x900;
	s12 =	simm.s32 $0x1100;
	s13 =	simm.s32 $0x1900  }
0x5: {  	s14 =	simm.s32 $0x2100;
	s15 =	simm.s32 $0x2900;
	s16 =	simm.s32 $0x3100  }
0x6: {  	s17 =	simm.s32 $0x3900;
	s18 =	simm.s32 $0x1;
	s19 =	simm.s32 $0x2  }
0x7: {  	[smem:$0x7FF] =	sst s2;
	s4 =	sand.u32 $0x1, s4;
	s5 =	sshll.u32 s1, $0x1  }
0x8: {  	_ =	strace $0x80000047;
	s5 =	sor.u32 s4, s5;
	s4 =	ssub.s32 $0x2, s4  }
0x9: {  	s6 =	sshll.u32 s5, $0xB;
	s5 =	sshll.u32 s5, $0x5;
	s31 =	sshrl.u32 s4, $0x1  }
0xa: {  	v2 =	vlaneseq.u32;
	s6 =	sadd.s32 s6, s3;
	s7 =	sadd.s32 s5, s3;
	s3 =	sadd.s32 $0x22A00, s3  }
0xb: {  	vm0 =	vmmov $0xffff;
	v1 =	vshrl.u32 v2, $0x3;
	s8 =	ssub.s32 s4, s31;
	s4 =	sadd.s32 $0x2600, s6;
	s5 =	sadd.s32 $0x22600, s7  }
0xc: {  	v0 =	vand.u32 $0x7, v2;
	v2 =	vor.u32 $0x8, v2;
	v1 =	vmul.u32 $0x8, v1;
	s6 =	sadd.s32 $0x22610, s7;
	s7 =	smax.u32 s8, $0x1;
	s8 =	simm.s32 $0x100  }
.LBB2_1:
0xd: {  	[tilespmem:s8], [sflag:$0x3] =	stream.linear.gather [hbm4b:s4+s2], $0x4000, $0x38;
	[tilespmem:$0x4100] =	vst v63  }
0xe: {  	_ =	swait.ge [sflag:s9], $0x4000  }
0xf: {  	[sflag:s9] =	ssyncset.done $0x0  }
0x10: {  	[sflag:s9] =	ssyncadd.s32 $0xFFFFC000  }
0x11: {  	[tilespmem:s2], [sflag:$0x3] =	stream.linear.gather [hbm4b:s5+s2], $0x80, $0x38;
	[tilespmem:$0x4100] =	vst v63  }
0x12: {  	_ =	swait.ge [sflag:s9], $0x80  }
0x13: {  	[sflag:s9] =	ssyncset.done $0x0  }
0x14: {  	[sflag:s9] =	ssyncadd.s32 $0xFFFFFF80  }
0x15: {  	[tilespmem:s10], [sflag:$0x3] =	stream.linear.gather [hbm4b:s6+s2], $0x80, $0x38;
	[tilespmem:$0x4100] =	vst v63  }
0x16: {  	_ =	swait.ge [sflag:s9], $0x80  }
0x17: {  	[sflag:s9] =	ssyncset.done $0x0  }
0x18: {  	[sflag:s9] =	ssyncadd.s32 $0xFFFFFF80  }
0x19: {  	v3 =	vld [tilespmem:$0x0];
	_ =	sdelay $0x4  }
0x1a: {  	v4 =	vshll.u32 v3, $0x1  }
0x1b: {  	v3 =	vand.u32 $0x7, v3;
	v4 =	vand.u32 $0xFFFFFFF0, v4  }
0x1c: {  	v3 =	vor.u32 v3, v4  }
0x1d: {  	v4 =	vperm.xlane v3, v0;
	_ =	sdelay $0x1  }
0x1e: {  	v3 =	vperm.xlane v3, v2;
	v4 =	vadd.s32 v1, v4;
	_ =	sdelay $0x1  }
0x1f: {  	v3 =	vadd.s32 v1, v3;
	_ =	sdelay $0x2  }
0x20: {  	[hbm4b:s3+s2] =	stream.indirect_vreg.scatter [tilespmem:s8], [sflag:$0x1], $0x80, v4, vm0, $0xb8;
	[tilespmem:$0x4100] =	vst v63  }
0x21: {  	_ = 	snop  }
0x22: {  	[hbm4b:s3+s2] =	stream.indirect_vreg.scatter [tilespmem:s11], [sflag:$0x1], $0x80, v3, vm0, $0xb8;
	[tilespmem:$0x4100] =	vst v63  }
0x23: {  	v3 =	vld [tilespmem:$0x10];
	_ =	sdelay $0x4  }
0x24: {  	v57 =	vshll.u32 v3, $0x1  }
0x25: {  	v3 =	vand.u32 $0x7, v3;
	v4 =	vand.u32 $0xFFFFFFF0, v57  }
0x26: {  	v3 =	vor.u32 v3, v4  }
0x27: {  	v4 =	vperm.xlane v3, v0;
	_ =	sdelay $0x1  }
0x28: {  	v3 =	vperm.xlane v3, v2;
	v4 =	vadd.s32 v1, v4;
	_ =	sdelay $0x1  }
0x29: {  	v3 =	vadd.s32 v1, v3;
	_ =	sdelay $0x2  }
0x2a: {  	[hbm4b:s3+s2] =	stream.indirect_vreg.scatter [tilespmem:s12], [sflag:$0x1], $0x80, v4, vm0, $0xb8;
	[tilespmem:$0x4100] =	vst v63  }
0x2b: {  	_ = 	snop  }
0x2c: {  	[hbm4b:s3+s2] =	stream.indirect_vreg.scatter [tilespmem:s13], [sflag:$0x1], $0x80, v3, vm0, $0xb8;
	[tilespmem:$0x4100] =	vst v63  }
0x2d: {  	v3 =	vld [tilespmem:$0x20];
	_ =	sdelay $0x4  }
0x2e: {  	v58 =	vshll.u32 v3, $0x1  }
0x2f: {  	v3 =	vand.u32 $0x7, v3;
	v4 =	vand.u32 $0xFFFFFFF0, v58  }
0x30: {  	v3 =	vor.u32 v3, v4  }
0x31: {  	v4 =	vperm.xlane v3, v0;
	_ =	sdelay $0x1  }
0x32: {  	v3 =	vperm.xlane v3, v2;
	v4 =	vadd.s32 v1, v4;
	_ =	sdelay $0x1  }
0x33: {  	v3 =	vadd.s32 v1, v3;
	_ =	sdelay $0x2  }
0x34: {  	[hbm4b:s3+s2] =	stream.indirect_vreg.scatter [tilespmem:s14], [sflag:$0x1], $0x80, v4, vm0, $0xb8;
	[tilespmem:$0x4100] =	vst v63  }
0x35: {  	_ = 	snop  }
0x36: {  	[hbm4b:s3+s2] =	stream.indirect_vreg.scatter [tilespmem:s15], [sflag:$0x1], $0x80, v3, vm0, $0xb8;
	[tilespmem:$0x4100] =	vst v63  }
0x37: {  	v3 =	vld [tilespmem:$0x30];
	_ =	sdelay $0x4  }
0x38: {  	v59 =	vshll.u32 v3, $0x1  }
0x39: {  	v3 =	vand.u32 $0x7, v3;
	v4 =	vand.u32 $0xFFFFFFF0, v59  }
0x3a: {  	v3 =	vor.u32 v3, v4  }
0x3b: {  	v4 =	vperm.xlane v3, v0;
	_ =	sdelay $0x1  }
0x3c: {  	v3 =	vperm.xlane v3, v2;
	v4 =	vadd.s32 v1, v4;
	_ =	sdelay $0x1  }
0x3d: {  	v3 =	vadd.s32 v1, v3;
	_ =	sdelay $0x2  }
0x3e: {  	[hbm4b:s3+s2] =	stream.indirect_vreg.scatter [tilespmem:s16], [sflag:$0x1], $0x80, v4, vm0, $0xb8;
	[tilespmem:$0x4100] =	vst v63  }
0x3f: {  	_ = 	snop  }
0x40: {  	[hbm4b:s3+s2] =	stream.indirect_vreg.scatter [tilespmem:s17], [sflag:$0x1], $0x80, v3, vm0, $0xb8;
	[tilespmem:$0x4100] =	vst v63  }
0x41: {  	v3 =	vld [tilespmem:$0x80];
	_ =	sdelay $0x4  }
0x42: {  	v60 =	vshll.u32 v3, $0x1  }
0x43: {  	v3 =	vand.u32 $0x7, v3;
	v4 =	vand.u32 $0xFFFFFFF0, v60  }
0x44: {  	v3 =	vor.u32 v3, v4  }
0x45: {  	v4 =	vperm.xlane v3, v0;
	_ =	sdelay $0x1  }
0x46: {  	v3 =	vperm.xlane v3, v2;
	v4 =	vadd.s32 v1, v4;
	_ =	sdelay $0x1  }
0x47: {  	v3 =	vadd.s32 v1, v3;
	_ =	sdelay $0x2  }
0x48: {  	[hbm4b:s3+s2] =	stream.indirect_vreg.scatter [tilespmem:s8], [sflag:$0x2], $0x80, v4, vm0, $0xb8;
	[tilespmem:$0x4100] =	vst v63  }
0x49: {  	_ = 	snop  }
0x4a: {  	[hbm4b:s3+s2] =	stream.indirect_vreg.scatter [tilespmem:s11], [sflag:$0x2], $0x80, v3, vm0, $0xb8;
	[tilespmem:$0x4100] =	vst v63  }
0x4b: {  	v3 =	vld [tilespmem:$0x90];
	_ =	sdelay $0x4  }
0x4c: {  	v61 =	vshll.u32 v3, $0x1  }
0x4d: {  	v3 =	vand.u32 $0x7, v3;
	v4 =	vand.u32 $0xFFFFFFF0, v61  }
0x4e: {  	v3 =	vor.u32 v3, v4  }
0x4f: {  	v4 =	vperm.xlane v3, v0;
	_ =	sdelay $0x1  }
0x50: {  	v3 =	vperm.xlane v3, v2;
	v4 =	vadd.s32 v1, v4;
	_ =	sdelay $0x1  }
0x51: {  	v3 =	vadd.s32 v1, v3;
	_ =	sdelay $0x2  }
0x52: {  	[hbm4b:s3+s2] =	stream.indirect_vreg.scatter [tilespmem:s12], [sflag:$0x2], $0x80, v4, vm0, $0xb8;
	[tilespmem:$0x4100] =	vst v63  }
0x53: {  	_ = 	snop  }
0x54: {  	[hbm4b:s3+s2] =	stream.indirect_vreg.scatter [tilespmem:s13], [sflag:$0x2], $0x80, v3, vm0, $0xb8;
	[tilespmem:$0x4100] =	vst v63  }
0x55: {  	v3 =	vld [tilespmem:$0xA0];
	_ =	sdelay $0x4  }
0x56: {  	v62 =	vshll.u32 v3, $0x1  }
0x57: {  	v3 =	vand.u32 $0x7, v3;
	v4 =	vand.u32 $0xFFFFFFF0, v62  }
0x58: {  	v3 =	vor.u32 v3, v4  }
0x59: {  	v4 =	vperm.xlane v3, v0;
	_ =	sdelay $0x1  }
0x5a: {  	v3 =	vperm.xlane v3, v2;
	v4 =	vadd.s32 v1, v4;
	_ =	sdelay $0x1  }
0x5b: {  	v3 =	vadd.s32 v1, v3;
	_ =	sdelay $0x2  }
0x5c: {  	[hbm4b:s3+s2] =	stream.indirect_vreg.scatter [tilespmem:s14], [sflag:$0x2], $0x80, v4, vm0, $0xb8;
	[tilespmem:$0x4100] =	vst v63  }
0x5d: {  	_ = 	snop  }
0x5e: {  	[hbm4b:s3+s2] =	stream.indirect_vreg.scatter [tilespmem:s15], [sflag:$0x2], $0x80, v3, vm0, $0xb8;
	[tilespmem:$0x4100] =	vst v63  }
0x5f: {  	v3 =	vld [tilespmem:$0xB0];
	_ =	sdelay $0x4  }
0x60: {  	v63 =	vshll.u32 v3, $0x1  }
0x61: {  	v3 =	vand.u32 $0x7, v3;
	v4 =	vand.u32 $0xFFFFFFF0, v63  }
0x62: {  	v3 =	vor.u32 v3, v4  }
0x63: {  	v4 =	vperm.xlane v3, v0;
	_ =	sdelay $0x1  }
0x64: {  	v3 =	vperm.xlane v3, v2;
	v4 =	vadd.s32 v1, v4;
	_ =	sdelay $0x1  }
0x65: {  	v3 =	vadd.s32 v1, v3;
	_ =	sdelay $0x2  }
0x66: {  	[hbm4b:s3+s2] =	stream.indirect_vreg.scatter [tilespmem:s16], [sflag:$0x2], $0x80, v4, vm0, $0xb8;
	[tilespmem:$0x4100] =	vst v63  }
0x67: {  	_ = 	snop  }
0x68: {  	[hbm4b:s3+s2] =	stream.indirect_vreg.scatter [tilespmem:s17], [sflag:$0x2], $0x80, v3, vm0, $0xb8;
	[tilespmem:$0x4100] =	vst v63  }
0x69: {  	p0 =	sne.s32 s7, $0x1;
	_ =	swait.ge [sflag:s18], $0x4000  }
.Ltmp0:
0x6a: {  	[sflag:s18] =	ssyncset.done $0x0;
	(pc) =	sbr.rel @p0 .LBB2_1-.Ltmp0, $4  }
0x6b: {  	[sflag:s18] =	ssyncadd.s32 $0xFFFFC000  }
0x6c: {  	_ =	swait.ge [sflag:s19], $0x4000  }
0x6d: {  	[sflag:s19] =	ssyncset.done $0x0  }
0x6e: {  	s7 =	sadd.s32 $0xFFFFFFFF, s7;
	[sflag:s19] =	ssyncadd.s32 $0xFFFFC000  }
0x6f: {  	_ =	sfence.sel $0x180000  }
0x70: {  	[bflag:$0x0] =	sbarrier.arrive $0xFFFF  }
0x71: {  	p0 =	sne.s32 s1, $0x0;
	_ =	strace $0x90000047  }
0x72: {  	s0 =	sadd.s32 @!p0 $0x100000, s0;
	[bflag:$0x2] =	sbarrier.arrive $0xFFFF  }
0x73: {  	[sflag:s0] =	ssyncadd.tile.s32 @!p0 $0x1;
	_ =	shalt  }
.Lfunc_end2:
_tile_overlayer_lowered:
.L_overlay_start_2:
0x74: {  	(tag) =	ssettag $0x2  }
0x75: {  	s0 =	rddreg [dreg:$0x0];
	s2 =	stileid.u32  }
0x76: {  	s1 =	rddreg [dreg:$0x1];
	p0 =	sne.s32 s2, $0x0  }
0x77: {  	s3 =	rddreg [dreg:$0x2];
	[bflag:$0x3] =	sbarrier.arrive $0xFFFF;
	s2 =	simm.s32 @!p0 $0x1C03  }
0x78: {  	[timem:s3], [sflag:s2] =	dma.local @!p0 [hbm:s0], s1  }
0x79: {  	s0 =	simm.s32 @!p0 $0x3  }
0x7a: {  	_ =	swait.ge @!p0 [sflag:s0], s1  }
0x7b: {  	s1 =	ssub.s32 @!p0 $0x0, s1;
	[sflag:s0] =	ssyncset.done @!p0 $0x0  }
0x7c: {  	[sflag:s0] =	ssyncadd.s32 @!p0 s1  }
0x7d: {  	[bflag:$0x3] =	sbarrier.arrive $0xFFFF  }
0x7e: {  	_ =	shalt  }

// kernel: kernel.9.cloned.1.call-start
scs
__scs_entry_jumppad:
0x0: {  	(pc) =	sbr.rel $0x88, $3  }
0x1: {  	(tag) =	ssettag $0x0;
	lr =	simm.s32 $0x1  }
0x2: {  	[smem:$0x3F8E] =	sst lr;
	_ =	strace $0xD0000000  }
0x3: {  	_ = 	snop  }
0x4: {  	_ = 	snop  }
0x5: {  	_ = 	snop  }
0x6: {  	_ = 	snop  }
0x7: {  	_ = 	snop  }
__scs_overlays_trampoline_lowered:
0x8: {  	[smem:$0x3F9D] =	sst s0  }
0x9: {  	[smem:$0x3F9E] =	sst s1  }
0xa: {  	[smem:$0x3F9F] =	sst s2  }
0xb: {  	[smem:$0x3FA0] =	sst s3  }
0xc: {  	[smem:$0x3FA1] =	sst s4  }
0xd: {  	[smem:$0x3FA2] =	sst s5  }
0xe: {  	[smem:$0x3FA3] =	sst s6  }
0xf: {  	[smem:$0x3FA4] =	sst s7  }
0x10: {  	[smem:$0x3FA5] =	sst s8  }
0x11: {  	[smem:$0x3FA6] =	sst s9;
	s0 =	simm.s32 @!p0 $0x0  }
0x12: {  	s1 =	sld [smem:$0x3F8C];
	s0 =	simm.s32 @p0 $0x1  }
0x13: {  	[smem:$0x3FA7] =	sst s0;
	s0 =	simm.s32 @!p1 $0x0  }
0x14: {  	s2 =	sld [smem:$0x3F8B];
	s0 =	simm.s32 @p1 $0x1  }
0x15: {  	[smem:$0x3FA8] =	sst s0;
	s0 =	simm.s32 @!p2 $0x0  }
0x16: {  	s3 =	sld [smem:$0x3FDB];
	s0 =	simm.s32 @p2 $0x1  }
0x17: {  	s4 =	simm.s32 $0x1BF5;
	[smem:$0x3FAA] =	sst s0  }
0x18: {  	s0 =	sld [smem:$0x3F8D];
	_ =	swait.ge [sflag:s4], $0x0  }
0x19: {  	s7 =	sld [smem:$0x3F8E]  }
0x1a: {  	s8 =	sadd.s32 $0xFFFFE003, lr  }
0x1b: {  	s9 =	sadd.s32 $0xFFFFFEF7, lr;
	s5 =	simm.s32 $0xFFFFFFFF;
	p2 =	slt.u32 s8, $0xFFFFF086  }
0x1c: {  	p1 =	slt.u32 s9, $0xF7A;
	s5 =	simm.s32 @!p2 $0x0  }
0x1d: {  	s5 =	simm.s32 @p1 $0x1;
	p0 =	seq.s32 s7, s2  }
0x1e: {  	s7 =	smul.u32 @!p0 $0xF7A, s2;
	p2 =	seq.s32 @!p0 s5, $0x0  }
0x1f: {  	s9 =	smul.u32 $0xF7A, s1;
	s8 =	simm.s32 @!p0 $0x1BF5;
	p2 =	por !p2, p0  }
0x20: {  	[sflag:s8] =	ssyncset.s32 @!p0 $0xFFFFF086;
	s6 =	sadd.s32 @!p0 s3, s7;
	s7 =	simm.s32 @!p0 $0x108  }
0x21: {  	s3 =	sadd.s32 s3, s9;
	s6 =	sadd.s32 @!p0 $0x88, s6;
	s7 =	simm.s32 @p2 $0x1082  }
0x22: {  	[simem:s7], [sflag:s8] =	dma.local @!p0 [hbm:s6], $0xF7A  }
0x23: {  	s9 =	sor.u32 $0xD0000000, s2;
	s6 =	simm.s32 $0x108;
	_ =	swait.ge @!p0 [sflag:s8], $0x0  }
0x24: {  	s3 =	sadd.s32 $0x88, s3;
	s6 =	simm.s32 @!p1 $0x1082;
	[sflag:s4] =	ssyncset.s32 $0xFFFFF086  }
0x25: {  	[simem:s6], [sflag:s4] =	dma.local [hbm:s3], $0xF7A  }
0x26: {  	[smem:$0x3F8E] =	sst s1;
	(tag) =	ssettag s2;
	_ =	strace s9  }
0x27: {  	s1 =	sld [smem:$0x3F9E]  }
0x28: {  	s2 =	sld [smem:$0x3F9F]  }
0x29: {  	s4 =	sld [smem:$0x3FA1]  }
0x2a: {  	p0 =	seq.s32 s5, $0x0;
	s5 =	sld [smem:$0x3FA2]  }
0x2b: {  	s6 =	sld [smem:$0x3FA3]  }
0x2c: {  	s7 =	sld [smem:$0x3FA4]  }
0x2d: {  	s3 =	simm.s32 $0x108;
	s8 =	sld [smem:$0x3FA5]  }
0x2e: {  	s3 =	simm.s32 @!p0 $0x1082;
	s9 =	sld [smem:$0x3FA6]  }
0x2f: {  	lr =	sadd.s32 s0, s3;
	s0 =	sld [smem:$0x3F9D]  }
0x30: {  	s3 =	sld [smem:$0x3FA0]  }
0x31: {  	[smem:$0x3FA9] =	sst s10  }
0x32: {  	s10 =	sld [smem:$0x3FA7];
	_ =	sdelay $0x3  }
0x33: {  	p0 =	seq.s32 s10, $0x1;
	s10 =	sld [smem:$0x3FA9];
	_ =	sdelay $0x3  }
0x34: {  	[smem:$0x3FA9] =	sst s10  }
0x35: {  	s10 =	sld [smem:$0x3FA8];
	_ =	sdelay $0x3  }
0x36: {  	p1 =	seq.s32 s10, $0x1;
	s10 =	sld [smem:$0x3FA9];
	_ =	sdelay $0x3  }
0x37: {  	[smem:$0x3FA9] =	sst s10  }
0x38: {  	s10 =	sld [smem:$0x3FAA]  }
0x39: {  	_ = 	snop;
	(pc) =	sbr.ind lr, $3  }
0x3a: {  	_ = 	snop  }
0x3b: {  	_ = 	snop  }
0x3c: {  	p2 =	seq.s32 s10, $0x1;
	s10 =	sld [smem:$0x3FA9]  }
0x3d: {  	_ =	shalt  }
0x3e: {  	_ =	shalt  }
0x3f: {  	_ =	shalt  }
0x40: {  	_ =	shalt  }
0x41: {  	_ =	shalt  }
0x42: {  	_ =	shalt  }
0x43: {  	_ =	shalt  }
0x44: {  	_ =	shalt  }
0x45: {  	_ =	shalt  }
0x46: {  	_ =	shalt  }
0x47: {  	_ =	shalt  }
0x48: {  	_ =	shalt  }
0x49: {  	_ =	shalt  }
0x4a: {  	_ =	shalt  }
0x4b: {  	_ =	shalt  }
0x4c: {  	_ =	shalt  }
0x4d: {  	_ =	shalt  }
0x4e: {  	_ =	shalt  }
0x4f: {  	_ =	shalt  }
0x50: {  	_ =	shalt  }
0x51: {  	_ =	shalt  }
0x52: {  	_ =	shalt  }
0x53: {  	_ =	shalt  }
0x54: {  	_ =	shalt  }
0x55: {  	_ =	shalt  }
0x56: {  	_ =	shalt  }
0x57: {  	_ =	shalt  }
0x58: {  	_ =	shalt  }
0x59: {  	_ =	shalt  }
0x5a: {  	_ =	shalt  }
0x5b: {  	_ =	shalt  }
0x5c: {  	_ =	shalt  }
0x5d: {  	_ =	shalt  }
0x5e: {  	_ =	shalt  }
0x5f: {  	_ =	shalt  }
0x60: {  	_ =	shalt  }
0x61: {  	_ =	shalt  }
0x62: {  	_ =	shalt  }
0x63: {  	_ =	shalt  }
0x64: {  	_ =	shalt  }
0x65: {  	_ =	shalt  }
0x66: {  	_ =	shalt  }
0x67: {  	_ =	shalt  }
0x68: {  	_ =	shalt  }
0x69: {  	_ =	shalt  }
0x6a: {  	_ =	shalt  }
0x6b: {  	_ =	shalt  }
0x6c: {  	_ =	shalt  }
0x6d: {  	_ =	shalt  }
0x6e: {  	_ =	shalt  }
0x6f: {  	_ =	shalt  }
0x70: {  	_ =	shalt  }
0x71: {  	_ =	shalt  }
0x72: {  	_ =	shalt  }
0x73: {  	_ =	shalt  }
0x74: {  	_ =	shalt  }
0x75: {  	_ =	shalt  }
0x76: {  	_ =	shalt  }
0x77: {  	_ =	shalt  }
0x78: {  	_ =	shalt  }
0x79: {  	_ =	shalt  }
0x7a: {  	_ =	shalt  }
0x7b: {  	_ =	shalt  }
0x7c: {  	_ =	shalt  }
0x7d: {  	_ =	shalt  }
0x7e: {  	_ =	shalt  }
0x7f: {  	_ =	shalt  }
0x80: {  	_ =	shalt  }
0x81: {  	_ =	shalt  }
0x82: {  	_ =	shalt  }
0x83: {  	_ =	shalt  }
0x84: {  	_ =	shalt  }
0x85: {  	_ =	shalt  }
0x86: {  	_ =	shalt  }
0x87: {  	_ =	shalt  }
.Lfunc_end0:
.L_simem_size_0:
called_computation.1_lowered:
.L_overlay_start_0:
0x88: {  	s2 =	sld [smem:$0x3FD9]  }
0x89: {  	s3 =	sld [smem:$0x3FFE];
	_ =	sdelay $0x1  }
0x8a: {  	s1 =	srdreg.scid  }
0x8b: {  	s0 =	sand.u32 $0x1, s1  }
0x8c: {  	s17 =	sshll.u32 s0, $0xA;
	s2 =	sadd.s32 s3, s2  }
0x8d: {  	s2 =	sadd.s32 s2, s17  }
0x8e: {  	[smem:$0x3FB5] =	sst s2  }
0x8f: {  	_ = 	snop  }
0x90: {  	s2 =	sld [smem:$0x3FD0];
	(tm) =	ssettm $0x1  }
0x91: {  	s18 =	sld [smem:$0x3FFB];
	_ =	sdelay $0x3  }
0x92: {  	_ =	strace s18  }
0x93: {  	s3 =	sld [smem:$0x3FFC];
	_ =	sdelay $0x3  }
0x94: {  	_ =	strace s3  }
0x95: {  	s3 =	sld [smem:$0x3FFD];
	_ =	sdelay $0x3  }
0x96: {  	_ =	strace s3  }
0x97: {  	_ =	strace $0x8FFFFFFF  }
0x98: {  	s19 =	sld [smem:$0x3FDB];
	_ =	sdelay $0x1  }
0x99: {  	s4 =	simm.s32 $_scs_section_size  }
0x9a: {  	s5 =	simm.s32 $_size__tile_overlayer_lowered;
	s6 =	simm.s32 $_tile_overlayer_lowered  }
0x9b: {  	s22 =	simm.s32 $0x1BFF;
	s21 =	sshll.u32 s6, $0x1;
	s3 =	sadd.s32 s4, s19  }
0x9c: {  	s7 =	simm.s32 $0x0;
	s20 =	sshll.u32 s5, $0x1;
	s5 =	sadd.s32 s21, s3  }
0x9d: {  	[timem:s7], [sflag:s22] =	dma.local [hbm:s5], s20  }
0x9e: {  	_ =	swait.ge [sflag:s22], s20  }
0x9f: {  	s4 =	ssub.s32 $0x0, s20;
	[sflag:s22] =	ssyncset.done $0x0  }
0xa0: {  	[sflag:s22] =	ssyncadd.s32 s4;
	_ =	sdelay $0x1  }
0xa1: {  	s23 =	simm.s32 $0x1B8B  }
0xa2: {  	_ =	swait.ge [sflag:s23], $0x1  }
0xa3: {  	[sflag:s23] =	ssyncset.done $0x0  }
0xa4: {  	s25 =	simm.s32 $0x1B8E;
	s24 =	sld [smem:$0x3FFE];
	[sflag:s23] =	ssyncadd.s32 $0xFFFFFFFF  }
0xa5: {  	s26 =	simm.s32 $execute0_lowered;
	[smem:$0x3FD2] =	sst s25  }
0xa6: {  	s5 =	sshll.u32 s26, $0x1;
	_ =	strace $0x80000049;
	[dreg:$0x1] =	wrdreg $0xFFFFFFFF  }
0xa7: {  	s28 =	simm.s32 $_size_execute0_lowered;
	s3 =	sadd.s32 s3, s5;
	[dreg:$0x0] =	wrdreg $0x0  }
0xa8: {  	s5 =	sshll.u32 s28, $0x1;
	[dreg:$0x2] =	wrdreg s3  }
0xa9: {  	[dreg:$0x3] =	wrdreg s5  }
0xaa: {  	[dreg:$0x4] =	wrdreg $0xC0  }
0xab: {  	_ =	task [dreg:s7], $0x5FFFF  }
0xac: {  	[dreg:$0x1] =	wrdreg $0xFFFFFFFF  }
0xad: {  	[dreg:$0x0] =	wrdreg $0x60  }
0xae: {  	[dreg:$0x2] =	wrdreg s24  }
0xaf: {  	[dreg:$0x3] =	wrdreg s2  }
0xb0: {  	[dreg:$0x4] =	wrdreg $0x9  }
0xb1: {  	_ =	task.clear_ibuf [dreg:s7], $0x5FFFF;
	_ =	strace $0x90000049  }
0xb2: {  	s29 =	simm.s32 $0x9;
	_ =	strace $0x8000004B  }
0xb3: {  	_ =	swait.ge [sflag:s29], $0x1  }
0xb4: {  	[sflag:s29] =	ssyncadd.s32 $0xFFFFFFFF  }
0xb5: {  	_ =	strace $0x9000004B  }
0xb6: {  	_ =	sfence  }
0xb7: {  	s30 =	sld [smem:$0x0];
	_ =	sdelay $0x2  }
0xb8: {  	s31 =	sshll.u32 s1, $0xD;
	s1 =	sshrl.u32 s1, $0x2  }
0xb9: {  	s3 =	sand.u32 $0x4000, s31;
	s1 =	sadd.s32 s1, s30  }
0xba: {  	s0 =	sor.u32 s3, s0;
	s1 =	sshll.u32 s1, $0x11  }
0xbb: {  	s0 =	sor.u32 s1, s0  }
0xbc: {  	s0 =	sadd.s32 $0x8F2B, s0  }
0xbd: {  	[sflag:s0] =	ssyncadd.remote.s32 $0x1  }
0xbe: {  	_ =	sfence.sel $0xFFFF  }
0xbf: {  	[dreg:$0x0] =	wrdreg $0xFFFFFFFF;
	(pc) =	sbr.abs _section_cstart, $3  }
0xc0: {  	[dreg:$0x1] =	wrdreg $0xFFFFFFFF  }
0xc1: {  	_ =	task.clear_ibuf [dreg:s7], $0x2FFFF;
	_ =	strace $0x9FFFFFFF  }
0xc2: {  	(tm) =	ssettm $0x7FFFFFFF  }
0xc3: {  	_ =	shalt  }
tec
execute0_lowered:
.L_overlay_start_1:
0x0: {  	(tag) =	ssettag $0x1  }
0x1: {  	s0 =	rddreg [dreg:$0x0]  }
0x2: {  	s1 =	rddreg [dreg:$0x1];
	s2 =	simm.s32 $0x0  }
0x3: {  	s3 =	srdreg.scid;
	s5 =	stileid.u32;
	s10 =	simm.s32 $0x3  }
0x4: {  	s18 =	simm.s32 $0x3100;
	s19 =	simm.s32 $0x3900;
	s20 =	simm.s32 $0x4100  }
0x5: {  	s21 =	simm.s32 $0x4900;
	s22 =	simm.s32 $0x5100;
	s23 =	simm.s32 $0x5900  }
0x6: {  	s24 =	simm.s32 $0x6100;
	s28 =	simm.s32 $0x7900;
	s29 =	simm.s32 $0x8100  }
0x7: {  	s30 =	simm.s32 $0xC100;
	s31 =	simm.s32 $0x1;
	s11 =	simm.s32 $0x0  }
0x8: {  	[smem:$0x7FF] =	sst s2;
	s4 =	sand.u32 $0x1, s3;
	s25 =	sshll.u32 s5, $0x1  }
0x9: {  	s3 =	sadd.s32 $0x22A00, s0;
	_ =	strace $0x8000004A;
	s7 =	sor.u32 s4, s25  }
0xa: {  	s4 =	ssub.s32 $0x2, s4;
	s25 =	simm.s32 $0x6900;
	s26 =	sshll.u32 s7, $0x5  }
0xb: {  	s6 =	sshll.u32 s7, $0xB;
	s8 =	sshrl.u32 s4, $0x1;
	s7 =	sshll.u32 s7, $0xA  }
0xc: {  	s5 =	sadd.s32 s26, s0;
	s0 =	sadd.s32 s6, s0;
	s9 =	ssub.s32 s4, s8  }
0xd: {  	v2 =	vlaneseq.u32;
	s7 =	sadd.s32 s1, s7;
	s26 =	simm.s32 $0x7100;
	s1 =	simm.s32 $0xE100  }
0xe: {  	vm0 =	vmmov $0xffff;
	v1 =	vshrl.u32 v2, $0x3;
	s4 =	sadd.s32 $0x22600, s5;
	s5 =	sadd.s32 $0x22610, s5;
	s6 =	sadd.s32 $0x12600, s0  }
0xf: {  	v0 =	vand.u32 $0x7, v2;
	v2 =	vor.u32 $0x8, v2;
	v1 =	vmul.u32 $0x8, v1;
	s8 =	sadd.s32 $0x2600, s0;
	s9 =	smax.u32 s9, $0x1;
	s0 =	simm.s32 $0x2  }
.LBB2_1:
0x10: {  	[tilespmem:s2], [sflag:$0x3] =	stream.linear.gather [hbm4b:s4+s2], $0x80, $0x38;
	[tilespmem:$0x12100] =	vst v63  }
0x11: {  	_ =	swait.ge [sflag:s10], $0x80  }
0x12: {  	[sflag:s10] =	ssyncset.done $0x0  }
0x13: {  	s12 =	simm.s32 $0x80;
	[sflag:s10] =	ssyncadd.s32 $0xFFFFFF80  }
0x14: {  	[tilespmem:s12], [sflag:$0x3] =	stream.linear.gather [hbm4b:s5+s2], $0x80, $0x38;
	[tilespmem:$0x12100] =	vst v63  }
0x15: {  	_ =	swait.ge [sflag:s10], $0x80  }
0x16: {  	[sflag:s10] =	ssyncset.done $0x0  }
0x17: {  	[sflag:s10] =	ssyncadd.s32 $0xFFFFFF80  }
0x18: {  	v3 =	vld [tilespmem:$0x0];
	_ =	sdelay $0x4  }
0x19: {  	v4 =	vshll.u32 v3, $0x1  }
0x1a: {  	v3 =	vand.u32 $0x7, v3;
	v4 =	vand.u32 $0xFFFFFFF0, v4  }
0x1b: {  	v3 =	vor.u32 v3, v4  }
0x1c: {  	v4 =	vperm.xlane v3, v0;
	_ =	sdelay $0x1  }
0x1d: {  	v3 =	vperm.xlane v3, v2;
	v4 =	vadd.s32 v1, v4;
	_ =	sdelay $0x1  }
0x1e: {  	v3 =	vadd.s32 v1, v3;
	_ =	sdelay $0x1  }
0x1f: {  	s16 =	simm.s32 $0x100  }
0x20: {  	[tilespmem:s16], [sflag:$0x1] =	stream.indirect_vreg.gather [hbm4b:s3+s2], $0x80, v4, vm0, $0xb8;
	[tilespmem:$0x12100] =	vst v63  }
0x21: {  	s17 =	simm.s32 $0x900  }
0x22: {  	[tilespmem:s17], [sflag:$0x1] =	stream.indirect_vreg.gather [hbm4b:s3+s2], $0x80, v3, vm0, $0xb8;
	[tilespmem:$0x12100] =	vst v63  }
0x23: {  	v3 =	vld [tilespmem:$0x10];
	_ =	sdelay $0x4  }
0x24: {  	v4 =	vshll.u32 v3, $0x1  }
0x25: {  	v3 =	vand.u32 $0x7, v3;
	v4 =	vand.u32 $0xFFFFFFF0, v4  }
0x26: {  	v3 =	vor.u32 v3, v4  }
0x27: {  	v4 =	vperm.xlane v3, v0;
	_ =	sdelay $0x1  }
0x28: {  	v3 =	vperm.xlane v3, v2;
	v4 =	vadd.s32 v1, v4;
	_ =	sdelay $0x1  }
0x29: {  	v3 =	vadd.s32 v1, v3;
	_ =	sdelay $0x1  }
0x2a: {  	s13 =	simm.s32 $0x1100  }
0x2b: {  	[tilespmem:s13], [sflag:$0x1] =	stream.indirect_vreg.gather [hbm4b:s3+s2], $0x80, v4, vm0, $0xb8;
	[tilespmem:$0x12100] =	vst v63  }
0x2c: {  	s14 =	simm.s32 $0x1900  }
0x2d: {  	[tilespmem:s14], [sflag:$0x1] =	stream.indirect_vreg.gather [hbm4b:s3+s2], $0x80, v3, vm0, $0xb8;
	[tilespmem:$0x12100] =	vst v63  }
0x2e: {  	v3 =	vld [tilespmem:$0x20];
	_ =	sdelay $0x4  }
0x2f: {  	v4 =	vshll.u32 v3, $0x1  }
0x30: {  	v3 =	vand.u32 $0x7, v3;
	v4 =	vand.u32 $0xFFFFFFF0, v4  }
0x31: {  	v3 =	vor.u32 v3, v4  }
0x32: {  	v4 =	vperm.xlane v3, v0;
	_ =	sdelay $0x1  }
0x33: {  	v3 =	vperm.xlane v3, v2;
	v4 =	vadd.s32 v1, v4;
	_ =	sdelay $0x1  }
0x34: {  	v3 =	vadd.s32 v1, v3;
	_ =	sdelay $0x1  }
0x35: {  	s15 =	simm.s32 $0x2100  }
0x36: {  	[tilespmem:s15], [sflag:$0x1] =	stream.indirect_vreg.gather [hbm4b:s3+s2], $0x80, v4, vm0, $0xb8;
	[tilespmem:$0x12100] =	vst v63  }
0x37: {  	s16 =	simm.s32 $0x2900  }
0x38: {  	[tilespmem:s16], [sflag:$0x1] =	stream.indirect_vreg.gather [hbm4b:s3+s2], $0x80, v3, vm0, $0xb8;
	[tilespmem:$0x12100] =	vst v63  }
0x39: {  	v3 =	vld [tilespmem:$0x30];
	_ =	sdelay $0x4  }
0x3a: {  	v4 =	vshll.u32 v3, $0x1  }
0x3b: {  	v3 =	vand.u32 $0x7, v3;
	v4 =	vand.u32 $0xFFFFFFF0, v4  }
0x3c: {  	v3 =	vor.u32 v3, v4  }
0x3d: {  	v4 =	vperm.xlane v3, v0;
	_ =	sdelay $0x1  }
0x3e: {  	v3 =	vperm.xlane v3, v2;
	v4 =	vadd.s32 v1, v4;
	_ =	sdelay $0x1  }
0x3f: {  	v3 =	vadd.s32 v1, v3;
	_ =	sdelay $0x2  }
0x40: {  	[tilespmem:s18], [sflag:$0x1] =	stream.indirect_vreg.gather [hbm4b:s3+s2], $0x80, v4, vm0, $0xb8;
	[tilespmem:$0x12100] =	vst v63  }
0x41: {  	_ = 	snop  }
0x42: {  	[tilespmem:s19], [sflag:$0x1] =	stream.indirect_vreg.gather [hbm4b:s3+s2], $0x80, v3, vm0, $0xb8;
	[tilespmem:$0x12100] =	vst v63  }
0x43: {  	v3 =	vld [tilespmem:$0x80];
	_ =	sdelay $0x4  }
0x44: {  	v4 =	vshll.u32 v3, $0x1  }
0x45: {  	v3 =	vand.u32 $0x7, v3;
	v4 =	vand.u32 $0xFFFFFFF0, v4  }
0x46: {  	v3 =	vor.u32 v3, v4  }
0x47: {  	v4 =	vperm.xlane v3, v0;
	_ =	sdelay $0x1  }
0x48: {  	v3 =	vperm.xlane v3, v2;
	v4 =	vadd.s32 v1, v4;
	_ =	sdelay $0x1  }
0x49: {  	v3 =	vadd.s32 v1, v3;
	_ =	sdelay $0x2  }
0x4a: {  	[tilespmem:s20], [sflag:$0x2] =	stream.indirect_vreg.gather [hbm4b:s3+s2], $0x80, v4, vm0, $0xb8;
	[tilespmem:$0x12100] =	vst v63  }
0x4b: {  	_ = 	snop  }
0x4c: {  	[tilespmem:s21], [sflag:$0x2] =	stream.indirect_vreg.gather [hbm4b:s3+s2], $0x80, v3, vm0, $0xb8;
	[tilespmem:$0x12100] =	vst v63  }
0x4d: {  	v3 =	vld [tilespmem:$0x90];
	_ =	sdelay $0x4  }
0x4e: {  	v4 =	vshll.u32 v3, $0x1  }
0x4f: {  	v3 =	vand.u32 $0x7, v3;
	v4 =	vand.u32 $0xFFFFFFF0, v4  }
0x50: {  	v3 =	vor.u32 v3, v4  }
0x51: {  	v4 =	vperm.xlane v3, v0;
	_ =	sdelay $0x1  }
0x52: {  	v3 =	vperm.xlane v3, v2;
	v4 =	vadd.s32 v1, v4;
	_ =	sdelay $0x1  }
0x53: {  	v3 =	vadd.s32 v1, v3;
	_ =	sdelay $0x2  }
0x54: {  	[tilespmem:s22], [sflag:$0x2] =	stream.indirect_vreg.gather [hbm4b:s3+s2], $0x80, v4, vm0, $0xb8;
	[tilespmem:$0x12100] =	vst v63  }
0x55: {  	_ = 	snop  }
0x56: {  	[tilespmem:s23], [sflag:$0x2] =	stream.indirect_vreg.gather [hbm4b:s3+s2], $0x80, v3, vm0, $0xb8;
	[tilespmem:$0x12100] =	vst v63  }
0x57: {  	v3 =	vld [tilespmem:$0xA0];
	_ =	sdelay $0x4  }
0x58: {  	v4 =	vshll.u32 v3, $0x1  }
0x59: {  	v3 =	vand.u32 $0x7, v3;
	v4 =	vand.u32 $0xFFFFFFF0, v4  }
0x5a: {  	v3 =	vor.u32 v3, v4  }
0x5b: {  	v4 =	vperm.xlane v3, v0;
	_ =	sdelay $0x1  }
0x5c: {  	v3 =	vperm.xlane v3, v2;
	v4 =	vadd.s32 v1, v4;
	_ =	sdelay $0x1  }
0x5d: {  	v3 =	vadd.s32 v1, v3;
	_ =	sdelay $0x2  }
0x5e: {  	[tilespmem:s24], [sflag:$0x2] =	stream.indirect_vreg.gather [hbm4b:s3+s2], $0x80, v4, vm0, $0xb8;
	[tilespmem:$0x12100] =	vst v63  }
0x5f: {  	_ = 	snop  }
0x60: {  	[tilespmem:s25], [sflag:$0x2] =	stream.indirect_vreg.gather [hbm4b:s3+s2], $0x80, v3, vm0, $0xb8;
	[tilespmem:$0x12100] =	vst v63  }
0x61: {  	v3 =	vld [tilespmem:$0xB0];
	_ =	sdelay $0x4  }
0x62: {  	v4 =	vshll.u32 v3, $0x1  }
0x63: {  	v3 =	vand.u32 $0x7, v3;
	v4 =	vand.u32 $0xFFFFFFF0, v4  }
0x64: {  	v3 =	vor.u32 v3, v4  }
0x65: {  	v4 =	vperm.xlane v3, v0;
	_ =	sdelay $0x1  }
0x66: {  	v3 =	vperm.xlane v3, v2;
	v4 =	vadd.s32 v1, v4;
	_ =	sdelay $0x1  }
0x67: {  	v3 =	vadd.s32 v1, v3;
	_ =	sdelay $0x2  }
0x68: {  	[tilespmem:s26], [sflag:$0x2] =	stream.indirect_vreg.gather [hbm4b:s3+s2], $0x80, v4, vm0, $0xb8;
	[tilespmem:$0x12100] =	vst v63  }
0x69: {  	_ = 	snop  }
0x6a: {  	[tilespmem:s28], [sflag:$0x2] =	stream.indirect_vreg.gather [hbm4b:s3+s2], $0x80, v3, vm0, $0xb8;
	[tilespmem:$0x12100] =	vst v63  }
0x6b: {  	_ = 	snop  }
0x6c: {  	[tilespmem:s29], [sflag:$0x3] =	stream.linear.gather [hbm4b:s6+s2], $0x4000, $0x38;
	[tilespmem:$0x12100] =	vst v63  }
0x6d: {  	_ =	swait.ge [sflag:s10], $0x4000  }
0x6e: {  	[sflag:s10] =	ssyncset.done $0x0  }
0x6f: {  	[sflag:s10] =	ssyncadd.s32 $0xFFFFC000  }
0x70: {  	[tilespmem:s30], [sflag:$0x3] =	stream.linear.gather [hbm4b:s7+s2], $0x2000, $0x38;
	[tilespmem:$0x12100] =	vst v63  }
0x71: {  	_ =	swait.ge [sflag:s10], $0x2000  }
0x72: {  	[sflag:s10] =	ssyncset.done $0x0  }
0x73: {  	[sflag:s10] =	ssyncadd.s32 $0xFFFFE000  }
0x74: {  	_ =	swait.ge [sflag:s31], $0x4000  }
0x75: {  	[sflag:s31] =	ssyncset.done $0x0  }
0x76: {  	[sflag:s31] =	ssyncadd.s32 $0xFFFFC000  }
0x77: {  	_ =	swait.ge [sflag:s0], $0x4000  }
0x78: {  	s17 =	sand.u32 $0x3800, s2;
	s13 =	sand.u32 $0x380, s2;
	[sflag:s0] =	ssyncset.done $0x0  }
0x79: {  	s12 =	sor.u32 s13, s17;
	[sflag:s0] =	ssyncadd.s32 $0xFFFFC000  }
0x7a: {  	v13 =	vld [tilespmem:s12+$0x8110]  }
0x7b: {  	v16 =	vld [tilespmem:s12+$0x8120]  }
0x7c: {  	v15 =	vld [tilespmem:s12+$0x8130]  }
0x7d: {  	v14 =	vld [tilespmem:s12+$0x8140]  }
0x7e: {  	v12 =	vld [tilespmem:s12+$0x8150]  }
0x7f: {  	v11 =	vld [tilespmem:s12+$0x8160]  }
0x80: {  	v10 =	vld [tilespmem:s12+$0x8170]  }
0x81: {  	v9 =	vld [tilespmem:s12+$0x8500]  }
0x82: {  	v8 =	vld [tilespmem:s12+$0x8510]  }
0x83: {  	v7 =	vld [tilespmem:s12+$0x8520]  }
0x84: {  	v6 =	vld [tilespmem:s12+$0x8530]  }
0x85: {  	v4 =	vld [tilespmem:s12+$0x8540]  }
0x86: {  	v3 =	vld [tilespmem:s12+$0x8550]  }
0x87: {  	v5 =	vld [tilespmem:s12+$0x100]  }
0x88: {  	v24 =	vld [tilespmem:s12+$0x110]  }
0x89: {  	v22 =	vld [tilespmem:s12+$0x4110]  }
0x8a: {  	v26 =	vld [tilespmem:s12+$0x120]  }
0x8b: {  	v28 =	vld [tilespmem:s12+$0x4120]  }
0x8c: {  	v27 =	vld [tilespmem:s12+$0x130]  }
0x8d: {  	v25 =	vld [tilespmem:s12+$0x4130]  }
0x8e: {  	v21 =	vld [tilespmem:s12+$0x140]  }
0x8f: {  	v23 =	vld [tilespmem:s12+$0x4140]  }
0x90: {  	v20 =	vld [tilespmem:s12+$0x150]  }
0x91: {  	v19 =	vld [tilespmem:s12+$0x4150]  }
0x92: {  	v18 =	vld [tilespmem:s12+$0x160]  }
0x93: {  	s13 =	simm.s32 $0xC110;
	s14 =	simm.s32 $0x80;
	s15 =	simm.s32 $0x0;
	v17 =	vld [tilespmem:s12+$0x4160]  }
.LBB2_2:
0x94: {  	p0 =	sne.s32 s14, $0x1F80;
	v29 =	vld [tilespmem:s13+$0xFFFFFFF0]  }
0x95: {  	v30 =	vld [tilespmem:s13+$0x0]  }
0x96: {  	v31 =	vld [tilespmem:s12+$0x170]  }
0x97: {  	v32 =	vld [tilespmem:s12+$0x4170]  }
0x98: {  	v33 =	vld [tilespmem:s12+$0x500]  }
0x99: {  	v24 =	vmul.f32 v24, v29;
	v27 =	vmul.f32 v27, v29;
	v34 =	vld [tilespmem:s12+$0x4500]  }
0x9a: {  	v26 =	vmul.f32 v26, v29;
	v28 =	vmul.f32 v28, v30;
	v35 =	vld [tilespmem:s12+$0x510]  }
0x9b: {  	v22 =	vmul.f32 v22, v30;
	v25 =	vmul.f32 v25, v30;
	v36 =	vld [tilespmem:s12+$0x4510]  }
0x9c: {  	v21 =	vmul.f32 v21, v29;
	v23 =	vmul.f32 v23, v30;
	v26 =	vadd.f32 v28, v26;
	v28 =	vld [tilespmem:s12+$0x520]  }
0x9d: {  	v20 =	vmul.f32 v20, v29;
	v22 =	vadd.f32 v22, v24;
	v24 =	vadd.f32 v25, v27;
	v25 =	vld [tilespmem:s12+$0x4520]  }
0x9e: {  	v19 =	vmul.f32 v19, v30;
	v21 =	vadd.f32 v23, v21;
	v16 =	vadd.f32 v26, v16;
	v23 =	vld [tilespmem:s12+$0x530]  }
0x9f: {  	v18 =	vmul.f32 v18, v29;
	v13 =	vadd.f32 v22, v13;
	v15 =	vadd.f32 v24, v15;
	v22 =	vld [tilespmem:s12+$0x4530]  }
0xa0: {  	v17 =	vmul.f32 v17, v30;
	v14 =	vadd.f32 v21, v14;
	[tilespmem:s12+$0xE120] =	vst v16;
	v16 =	vadd.f32 v19, v20;
	v19 =	vld [tilespmem:s12+$0x540]  }
0xa1: {  	v20 =	vmul.f32 v32, v30;
	[tilespmem:s12+$0xE110] =	vst v13;
	v13 =	vmul.f32 v31, v29;
	v21 =	vld [tilespmem:s12+$0x4540]  }
0xa2: {  	[tilespmem:s12+$0xE130] =	vst v15;
	v12 =	vadd.f32 v16, v12;
	v15 =	vadd.f32 v17, v18;
	v16 =	vmul.f32 v33, v29;
	v17 =	vld [tilespmem:s12+$0x550]  }
0xa3: {  	v18 =	vmul.f32 v35, v29;
	[tilespmem:s12+$0xE140] =	vst v14;
	v13 =	vadd.f32 v20, v13;
	v14 =	vmul.f32 v34, v30;
	v20 =	vld [tilespmem:s12+$0x4550]  }
0xa4: {  	[tilespmem:s12+$0xE150] =	vst v12;
	v11 =	vadd.f32 v15, v11;
	v12 =	vmul.f32 v36, v30;
	v15 =	vmul.f32 v28, v29;
	v24 =	vld [tilespmem:s12+$0x560]  }
0xa5: {  	v10 =	vadd.f32 v13, v10;
	v13 =	vadd.f32 v14, v16;
	v14 =	vmul.f32 v25, v30;
	v16 =	vld [tilespmem:s12+$0x4560]  }
0xa6: {  	[tilespmem:s12+$0xE160] =	vst v11;
	v11 =	vadd.f32 v12, v18;
	v12 =	vmul.f32 v23, v29;
	v18 =	vmul.f32 v22, v30;
	v22 =	vld [tilespmem:s12+$0x570]  }
0xa7: {  	[tilespmem:s12+$0xE170] =	vst v10;
	v9 =	vadd.f32 v13, v9;
	v10 =	vadd.f32 v14, v15;
	v13 =	vmul.f32 v19, v29;
	v14 =	vld [tilespmem:s12+$0x4570]  }
0xa8: {  	v15 =	vld [tilespmem:s12+$0x4100];
	v8 =	vadd.f32 v11, v8;
	v11 =	vadd.f32 v18, v12;
	v12 =	vmul.f32 v21, v30  }
0xa9: {  	s15 =	sadd.s32 $0x100, s15;
	v18 =	vld [tilespmem:s12+$0x8100];
	[tilespmem:s12+$0xE500] =	vst v9;
	v7 =	vadd.f32 v10, v7;
	v9 =	vmul.f32 v17, v29;
	v10 =	vmul.f32 v20, v30  }
0xaa: {  	s17 =	sand.u32 $0x380, s14;
	s16 =	sand.u32 $0x3800, s15;
	[tilespmem:s12+$0xE510] =	vst v8;
	v6 =	vadd.f32 v11, v6;
	v8 =	vadd.f32 v12, v13;
	v11 =	vmul.f32 v24, v29;
	v12 =	vld [tilespmem:s12+$0x8560]  }
0xab: {  	s16 =	sor.u32 s17, s16;
	[tilespmem:s12+$0xE520] =	vst v7;
	v7 =	vadd.f32 v10, v9;
	v9 =	vmul.f32 v16, v30;
	v10 =	vmul.f32 v22, v29;
	v17 =	vld [tilespmem:s12+$0x8570]  }
0xac: {  	v5 =	vmul.f32 v5, v29;
	v13 =	vld [tilespmem:s16+$0x8110];
	[tilespmem:s12+$0xE530] =	vst v6;
	v4 =	vadd.f32 v8, v4;
	v6 =	vmul.f32 v14, v30  }
0xad: {  	v16 =	vld [tilespmem:s16+$0x8120];
	v8 =	vmul.f32 v15, v30;
	v3 =	vadd.f32 v7, v3;
	v7 =	vadd.f32 v9, v11  }
0xae: {  	v15 =	vld [tilespmem:s16+$0x8130];
	[tilespmem:s12+$0xE540] =	vst v4;
	v4 =	vadd.f32 v6, v10  }
0xaf: {  	v14 =	vld [tilespmem:s16+$0x8140];
	v5 =	vadd.f32 v8, v5;
	[tilespmem:s12+$0xE550] =	vst v3;
	v3 =	vadd.f32 v7, v12  }
0xb0: {  	v12 =	vld [tilespmem:s16+$0x8150];
	v4 =	vadd.f32 v4, v17  }
0xb1: {  	v11 =	vld [tilespmem:s16+$0x8160];
	v5 =	vadd.f32 v5, v18;
	[tilespmem:s12+$0xE560] =	vst v3  }
0xb2: {  	v10 =	vld [tilespmem:s16+$0x8170];
	[tilespmem:s12+$0xE570] =	vst v4  }
0xb3: {  	v9 =	vld [tilespmem:s16+$0x8500];
	[tilespmem:s12+$0xE100] =	vst v5;
	s12 =	smov.u32 s16  }
0xb4: {  	v8 =	vld [tilespmem:s12+$0x8510]  }
0xb5: {  	v7 =	vld [tilespmem:s12+$0x8520]  }
0xb6: {  	v6 =	vld [tilespmem:s12+$0x8530]  }
0xb7: {  	v4 =	vld [tilespmem:s12+$0x8540]  }
0xb8: {  	v3 =	vld [tilespmem:s12+$0x8550]  }
0xb9: {  	v5 =	vld [tilespmem:s12+$0x100]  }
0xba: {  	v24 =	vld [tilespmem:s12+$0x110]  }
0xbb: {  	v22 =	vld [tilespmem:s12+$0x4110]  }
0xbc: {  	v26 =	vld [tilespmem:s12+$0x120]  }
0xbd: {  	v28 =	vld [tilespmem:s12+$0x4120]  }
0xbe: {  	v27 =	vld [tilespmem:s12+$0x130]  }
0xbf: {  	v25 =	vld [tilespmem:s12+$0x4130]  }
0xc0: {  	v21 =	vld [tilespmem:s12+$0x140]  }
.Ltmp0:
0xc1: {  	v23 =	vld [tilespmem:s12+$0x4140];
	(pc) =	sbr.rel @p0 .LBB2_2-.Ltmp0, $4  }
0xc2: {  	v20 =	vld [tilespmem:s12+$0x150]  }
0xc3: {  	v19 =	vld [tilespmem:s12+$0x4150]  }
0xc4: {  	v18 =	vld [tilespmem:s12+$0x160]  }
0xc5: {  	s14 =	sadd.s32 $0x80, s14;
	s13 =	sadd.s32 $0x80, s13;
	v17 =	vld [tilespmem:s12+$0x4160]  }
0xc6: {  	v29 =	vld [tilespmem:s13+$0xFFFFFFF0]  }
0xc7: {  	v30 =	vld [tilespmem:s13+$0x0];
	_ =	sdelay $0x1  }
0xc8: {  	v33 =	vld [tilespmem:s12+$0x500]  }
0xc9: {  	v34 =	vld [tilespmem:s12+$0x4500]  }
0xca: {  	v35 =	vld [tilespmem:s12+$0x510];
	v26 =	vmul.f32 v26, v29  }
0xcb: {  	v36 =	vld [tilespmem:s12+$0x4510];
	v28 =	vmul.f32 v28, v30;
	v24 =	vmul.f32 v24, v29  }
0xcc: {  	v56 =	vld [tilespmem:s12+$0x520];
	v22 =	vmul.f32 v22, v30;
	v27 =	vmul.f32 v27, v29  }
0xcd: {  	v57 =	vld [tilespmem:s12+$0x530];
	v25 =	vmul.f32 v25, v30;
	v21 =	vmul.f32 v21, v29  }
0xce: {  	v58 =	vld [tilespmem:s12+$0x4530];
	v23 =	vmul.f32 v23, v30;
	v59 =	vmul.f32 v20, v29  }
0xcf: {  	v60 =	vld [tilespmem:s12+$0x540];
	v19 =	vmul.f32 v19, v30;
	v62 =	vmul.f32 v18, v29  }
0xd0: {  	v61 =	vld [tilespmem:s12+$0x4540];
	v17 =	vmul.f32 v17, v30;
	v39 =	vmul.f32 v33, v29  }
0xd1: {  	v31 =	vld [tilespmem:s12+$0x170];
	v40 =	vmul.f32 v34, v30;
	v41 =	vmul.f32 v35, v29  }
0xd2: {  	v32 =	vld [tilespmem:s12+$0x4170];
	v42 =	vmul.f32 v36, v30;
	v44 =	vmul.f32 v56, v29  }
0xd3: {  	v37 =	vld [tilespmem:s12+$0x4520];
	v47 =	vmul.f32 v57, v29;
	v49 =	vmul.f32 v58, v30;
	v26 =	vadd.f32 v28, v26  }
0xd4: {  	v48 =	vld [tilespmem:s12+$0x4100];
	v51 =	vmul.f32 v60, v29;
	v22 =	vadd.f32 v22, v24;
	v25 =	vadd.f32 v25, v27  }
0xd5: {  	v63 =	vld [tilespmem:s12+$0x550];
	v53 =	vmul.f32 v61, v30;
	v21 =	vadd.f32 v23, v21;
	v16 =	vadd.f32 v26, v16  }
0xd6: {  	v38 =	vld [tilespmem:s12+$0x4560];
	v5 =	vmul.f32 v5, v29;
	v52 =	vadd.f32 v49, v47;
	v13 =	vadd.f32 v22, v13  }
0xd7: {  	v43 =	vld [tilespmem:s12+$0x570];
	v23 =	vmul.f32 v31, v29;
	v56 =	vadd.f32 v53, v51;
	v15 =	vadd.f32 v25, v15;
	[tilespmem:s12+$0xE120] =	vst v16  }
0xd8: {  	v50 =	vld [tilespmem:s12+$0x8100];
	v14 =	vadd.f32 v21, v14;
	v25 =	vmul.f32 v32, v30;
	v6 =	vadd.f32 v52, v6;
	[tilespmem:s12+$0xE110] =	vst v13  }
0xd9: {  	v60 =	vmul.f32 v48, v30;
	v27 =	vld [tilespmem:s12+$0x4550];
	v4 =	vadd.f32 v56, v4;
	[tilespmem:s12+$0xE130] =	vst v15;
	v15 =	vadd.f32 v17, v62  }
0xda: {  	v45 =	vmul.f32 v37, v30;
	v32 =	vld [tilespmem:s12+$0x560];
	v16 =	vadd.f32 v19, v59;
	[tilespmem:s12+$0xE140] =	vst v14;
	v31 =	vadd.f32 v25, v23  }
0xdb: {  	v46 =	vld [tilespmem:s12+$0x4570];
	v54 =	vmul.f32 v63, v29;
	[tilespmem:s12+$0xE530] =	vst v6;
	v62 =	vadd.f32 v60, v5;
	v11 =	vadd.f32 v15, v11  }
0xdc: {  	v57 =	vmul.f32 v38, v30;
	[tilespmem:s12+$0xE540] =	vst v4;
	v12 =	vadd.f32 v16, v12;
	v10 =	vadd.f32 v31, v10  }
0xdd: {  	v58 =	vmul.f32 v43, v29;
	v16 =	vadd.f32 v40, v39;
	[tilespmem:s12+$0xE160] =	vst v11;
	v11 =	vadd.f32 v42, v41  }
0xde: {  	v55 =	vld [tilespmem:s12+$0x8560];
	v17 =	vmul.f32 v27, v30;
	v4 =	vadd.f32 v62, v50;
	[tilespmem:s12+$0xE170] =	vst v10;
	v10 =	vadd.f32 v45, v44  }
0xdf: {  	v59 =	vld [tilespmem:s12+$0x8570];
	v14 =	vmul.f32 v32, v29;
	[tilespmem:s12+$0xE150] =	vst v12;
	v9 =	vadd.f32 v16, v9;
	v8 =	vadd.f32 v11, v8  }
0xe0: {  	v12 =	vmul.f32 v46, v30;
	[tilespmem:s12+$0xE100] =	vst v4;
	v7 =	vadd.f32 v10, v7;
	v10 =	vadd.f32 v17, v54  }
0xe1: {  	[tilespmem:s12+$0xE510] =	vst v8;
	v8 =	vadd.f32 v57, v14  }
0xe2: {  	[tilespmem:s12+$0xE500] =	vst v9;
	v61 =	vadd.f32 v12, v58;
	v3 =	vadd.f32 v10, v3  }
0xe3: {  	[tilespmem:s12+$0xE520] =	vst v7;
	v63 =	vadd.f32 v8, v55  }
0xe4: {  	s11 =	sadd.s32 $0x1, s11;
	[tilespmem:s12+$0xE550] =	vst v3;
	v3 =	vadd.f32 v61, v59  }
0xe5: {  	p0 =	sne.s32 s11, s9;
	[tilespmem:s12+$0xE560] =	vst v63  }
.Ltmp1:
0xe6: {  	[tilespmem:s12+$0xE570] =	vst v3;
	(pc) =	sbr.rel @p0 .LBB2_1-.Ltmp1, $4  }
0xe7: {  	[hbm4b:s8+s2] =	stream.linear.scatter [tilespmem:s1], [sflag:$0x3], $0x4000, $0x38;
	[tilespmem:$0x12100] =	vst v63  }
0xe8: {  	_ =	swait.ge [sflag:s10], $0x4000  }
0xe9: {  	[sflag:s10] =	ssyncset.done $0x0  }
0xea: {  	[sflag:s10] =	ssyncadd.s32 $0xFFFFC000  }
0xeb: {  	_ =	sfence.sel $0x180000  }
0xec: {  	[bflag:$0x0] =	sbarrier.arrive $0xFFFF  }
0xed: {  	_ =	strace $0x9000004A  }
0xee: {  	s0 =	stileid.u32;
	[bflag:$0x2] =	sbarrier.arrive $0xFFFF  }
0xef: {  	p0 =	sne.s32 s0, $0x0;
	s0 =	rddreg [dreg:$0x2]  }
0xf0: {  	s0 =	sadd.s32 @!p0 $0x100000, s0  }
0xf1: {  	[sflag:s0] =	ssyncadd.tile.s32 @!p0 $0x1;
	_ =	shalt  }
.Lfunc_end2:
_tile_overlayer_lowered:
.L_overlay_start_2:
0xf2: {  	(tag) =	ssettag $0x2  }
0xf3: {  	s0 =	rddreg [dreg:$0x0];
	s2 =	stileid.u32  }
0xf4: {  	s1 =	rddreg [dreg:$0x1];
	p0 =	sne.s32 s2, $0x0  }
0xf5: {  	s3 =	rddreg [dreg:$0x2];
	[bflag:$0x3] =	sbarrier.arrive $0xFFFF;
	s2 =	simm.s32 @!p0 $0x1C03  }
0xf6: {  	[timem:s3], [sflag:s2] =	dma.local @!p0 [hbm:s0], s1  }
0xf7: {  	s0 =	simm.s32 @!p0 $0x3  }
0xf8: {  	_ =	swait.ge @!p0 [sflag:s0], s1  }
0xf9: {  	s1 =	ssub.s32 @!p0 $0x0, s1;
	[sflag:s0] =	ssyncset.done @!p0 $0x0  }
0xfa: {  	[sflag:s0] =	ssyncadd.s32 @!p0 s1  }
0xfb: {  	[bflag:$0x3] =	sbarrier.arrive $0xFFFF  }
0xfc: {  	_ =	shalt  }

</sc_bundles>
